<compile_context>
chip_gen: v7x
topology: tpu7x:2x2x1
jax: 0.10.2.dev20260603
libtpu: 0.0.44.dev20260713+nightly
codegen_flags: <defaults>
</compile_context>

<pallas_src>
import functools

import jax
import jax.numpy as jnp
from jax import lax
from jax.experimental import pallas as pl
from jax.experimental.pallas import tpu as pltpu
from jax.experimental.pallas import tpu_sc as plsc

_N, _E, _D, _C = 10000, 320000, 128, 47
_NP = 10112
_DH = _D // 2
_NC, _NS = 2, 16
_EW = _E // _NS
_K = 80
_CH = _EW // _K
_RT = _NP // _NS
_RB = 632
_NB = _RT // _RB


def _sc_body(with_deg, depth, *refs):
    if with_deg:
        (x2, src3, dst3, ones_h, zrow_h, zdeg_h, p_out, deg_out,
         src_v, dst_v, *rest) = refs
        rows = rest[:depth]
        ones_v, agg_sh, deg_sh = rest[depth:depth + 3]
        sems = rest[depth + 3:]
    else:
        (x2, src3, dst3, zrow_h, p_out, src_v, dst_v, *rest) = refs
        rows = rest[:depth]
        agg_sh = rest[depth]
        sems = rest[depth + 1:]

    cid = lax.axis_index("c")
    sid = lax.axis_index("s")
    base = sid * _RT

    pltpu.sync_copy(src3.at[sid], src_v)
    pltpu.sync_copy(dst3.at[sid], dst_v)
    pltpu.sync_copy(zrow_h, agg_sh.at[pl.ds(base, _RT)])
    if with_deg:
        pltpu.sync_copy(ones_h, ones_v)
        pltpu.sync_copy(zdeg_h, deg_sh.at[pl.ds(base, _RT)])
    plsc.subcore_barrier()

    _DP = depth
    for b in range(_DP - 1):
        pltpu.async_copy(x2.at[cid].at[src_v.at[b]], rows[b], sems[b])

    def chunk(c, carry):
        for b in range(_DP):
            cc = c + b
            nxt = cc + _DP - 1

            @pl.when(nxt < _CH)
            def _():
                bn = (b + _DP - 1) % _DP
                pltpu.async_copy(x2.at[cid].at[src_v.at[nxt]],
                                 rows[bn], sems[bn])

            pltpu.make_async_copy(x2.at[cid].at[src_v.at[cc]],
                                  rows[b], sems[b]).wait()
            pltpu.sync_copy(rows[b], agg_sh.at[dst_v.at[cc]], add=True)
            if with_deg:
                mine = lax.select(cid == 0, cc < _CH // 2, cc >= _CH // 2)

                @pl.when(mine)
                def _():
                    pltpu.sync_copy(ones_v, deg_sh.at[dst_v.at[cc]],
                                    add=True)
        return carry

    lax.fori_loop(0, _CH // _DP, lambda i, c: chunk(_DP * i, c), 0)
    for r in range(_CH % _DP):
        cc = (_CH // _DP) * _DP + r
        pltpu.make_async_copy(x2.at[cid].at[src_v.at[cc]],
                              rows[r], sems[r]).wait()
        pltpu.sync_copy(rows[r], agg_sh.at[dst_v.at[cc]], add=True)
        if with_deg:
            mine = lax.select(cid == 0, cc < _CH // 2, cc >= _CH // 2)

            @pl.when(mine)
            def _():
                pltpu.sync_copy(ones_v, deg_sh.at[dst_v.at[cc]], add=True)
    plsc.subcore_barrier()

    sl = pl.ds(base, _RT)
    pltpu.sync_copy(agg_sh.at[sl], p_out.at[cid].at[sl])
    if with_deg:
        pltpu.sync_copy(deg_sh.at[sl], deg_out.at[cid].at[sl])


def _make_sc_agg(with_deg, depth):
    mesh = plsc.VectorSubcoreMesh(core_axis_name="c", subcore_axis_name="s",
                                  num_cores=_NC, num_subcores=_NS)
    out_type = [jax.ShapeDtypeStruct((_NC, _NP, _DH), jnp.float32)]
    scratch = [
        pltpu.VMEM((_CH, _K), jnp.int32),
        pltpu.VMEM((_CH, _K), jnp.int32),
    ]
    for _ in range(depth):
        scratch.append(pltpu.VMEM((_K, _DH), jnp.float32))
    if with_deg:
        out_type.append(jax.ShapeDtypeStruct((_NC, _NP, 16), jnp.float32))
        scratch.append(pltpu.VMEM((_K, 16), jnp.float32))
    scratch.append(pltpu.VMEM_SHARED((_NP, _DH), jnp.float32))
    if with_deg:
        scratch.append(pltpu.VMEM_SHARED((_NP, 16), jnp.float32))
    for _ in range(depth):
        scratch.append(pltpu.SemaphoreType.DMA)
    ot = tuple(out_type) if with_deg else out_type[0]
    return pl.kernel(functools.partial(_sc_body, with_deg, depth),
                     out_type=ot, mesh=mesh,
                     scratch_types=tuple(scratch),
                     compiler_params=pltpu.CompilerParams(
                         use_tc_tiling_on_sc=False))


def _tc1_body(p_ref, deg_ref, x_ref, wlt_ref, wrt_ref, b_ref, g_ref, be_ref,
              h_ref, hs_ref):
    deg = jnp.maximum(deg_ref[0, :_N] + deg_ref[1, :_N], 1.0)
    inv = 1.0 / deg[:, 0:1]
    al = p_ref[0, :_N] * inv
    ar = p_ref[1, :_N] * inv
    out = (jnp.dot(al, wlt_ref[:_DH], preferred_element_type=jnp.float32)
           + jnp.dot(ar, wlt_ref[_DH:], preferred_element_type=jnp.float32)
           + jnp.dot(x_ref[...], wrt_ref[...],
                     preferred_element_type=jnp.float32)
           + b_ref[...])
    nrm2 = jnp.sum(out * out, axis=1, keepdims=True)
    out = out * lax.rsqrt(jnp.maximum(nrm2, 1e-24))
    mu = jnp.mean(out, axis=0, keepdims=True)
    var = jnp.mean((out - mu) ** 2, axis=0, keepdims=True)
    hn = (out - mu) * lax.rsqrt(var + 1e-5) * g_ref[...] + be_ref[...]
    h = jnp.maximum(hn, 0.0)
    h_ref[...] = h
    hs_ref[0] = h[:, :_DH]
    hs_ref[1] = h[:, _DH:]


def _tc2_body(q_ref, deg_ref, h_ref, wlt_ref, wrt_ref, b_ref, g_ref, be_ref,
              wlint_ref, blin_ref, o_ref):
    deg = jnp.maximum(deg_ref[0, :_N] + deg_ref[1, :_N], 1.0)
    inv = 1.0 / deg[:, 0:1]
    al = q_ref[0, :_N] * inv
    ar = q_ref[1, :_N] * inv
    out = (jnp.dot(al, wlt_ref[:_DH], preferred_element_type=jnp.float32)
           + jnp.dot(ar, wlt_ref[_DH:], preferred_element_type=jnp.float32)
           + jnp.dot(h_ref[...], wrt_ref[...],
                     preferred_element_type=jnp.float32)
           + b_ref[...])
    nrm2 = jnp.sum(out * out, axis=1, keepdims=True)
    out = out * lax.rsqrt(jnp.maximum(nrm2, 1e-24))
    mu = jnp.mean(out, axis=0, keepdims=True)
    var = jnp.mean((out - mu) ** 2, axis=0, keepdims=True)
    hn = (out - mu) * lax.rsqrt(var + 1e-5) * g_ref[...] + be_ref[...]
    h2 = jnp.maximum(hn, 0.0) + h_ref[...]
    logits = (jnp.dot(h2, wlint_ref[...], preferred_element_type=jnp.float32)
              + blin_ref[...])
    m = jnp.max(logits, axis=1, keepdims=True)
    s = logits - m
    lse = jnp.log(jnp.sum(jnp.exp(s), axis=1, keepdims=True))
    o_ref[...] = s - lse


_tc1 = pl.pallas_call(
    _tc1_body,
    out_shape=(jax.ShapeDtypeStruct((_N, _D), jnp.float32),
               jax.ShapeDtypeStruct((_NC, _N, _DH), jnp.float32)))
_tc2 = pl.pallas_call(
    _tc2_body,
    out_shape=jax.ShapeDtypeStruct((_N, _C), jnp.float32))


def kernel(x, W1l, b1, W1r, g1, be1, W2l, b2, W2r, g2, be2, Wlin, blin,
           edge_index):
    src = edge_index[0].reshape(_NS, _CH, _K)
    dst = edge_index[1].reshape(_NS, _CH, _K)
    x2 = jnp.stack([x[:, :_DH].reshape(_N // 2, _D),
                    x[:, _DH:].reshape(_N // 2, _D)]).reshape(_NC, _N, _DH)
    ones_h = jnp.ones((_K, 16), jnp.float32)
    zrow_h = jnp.zeros((_RT, _DH), jnp.float32)
    zdeg_h = jnp.zeros((_RT, 16), jnp.float32)

    sc_agg_deg = _make_sc_agg(True, 6)
    sc_agg = _make_sc_agg(False, 8)

    p1, degp = sc_agg_deg(x2, src, dst, ones_h, zrow_h, zdeg_h)
    h, hs = _tc1(p1, degp, x, W1l.T, W1r.T, b1[None, :], g1[None, :],
                 be1[None, :])
    p2 = sc_agg(hs, src, dst, zrow_h)
    out = _tc2(p2, degp, h, W2l.T, W2r.T, b2[None, :], g2[None, :],
               be2[None, :], Wlin.T, blin[None, :])
    return out

# --- scband reference (transcript-rebuilt; emitter-appended) ---
"""Pipeline reference for scband-sage-78795470012588 (READ-ONLY COPY).

The authoritative reference and input builder live on the scoring server;
editing this copy changes nothing except your own understanding.
"""

import jax, jax.numpy as jnp
import numpy as np

N = 10000
E = 320000
D = 128
H = 128
C = 47


def setup_inputs(seed: int = 0) -> dict:
    key = jax.random.key(seed)
    ks = jax.random.split(key, 16)
    x = jax.random.normal(ks[0], (N, D), dtype=jnp.float32)
    edge_index = jax.random.randint(ks[1], (2, E), 0, N, dtype=jnp.int32)
    W1l = 0.1 * jax.random.normal(ks[2], (H, D), dtype=jnp.float32)
    b1 = jnp.zeros((H,), dtype=jnp.float32)
    W1r = 0.1 * jax.random.normal(ks[3], (H, D), dtype=jnp.float32)
    g1 = jnp.ones((H,), dtype=jnp.float32)
    be1 = jnp.zeros((H,), dtype=jnp.float32)
    W2l = 0.1 * jax.random.normal(ks[4], (H, H), dtype=jnp.float32)
    b2 = jnp.zeros((H,), dtype=jnp.float32)
    W2r = 0.1 * jax.random.normal(ks[5], (H, H), dtype=jnp.float32)
    g2 = jnp.ones((H,), dtype=jnp.float32)
    be2 = jnp.zeros((H,), dtype=jnp.float32)
    Wlin = 0.1 * jax.random.normal(ks[6], (C, H), dtype=jnp.float32)
    blin = jnp.zeros((C,), dtype=jnp.float32)
    return {"x": x, "W1l": W1l, "b1": b1, "W1r": W1r, "g1": g1, "be1": be1,
            "W2l": W2l, "b2": b2, "W2r": W2r, "g2": g2, "be2": be2,
            "Wlin": Wlin, "blin": blin, "edge_index": edge_index}


def _sage_conv(x, Wl, bl, Wr, edge_index):
    # PyG SAGEConv with aggr='mean', root_weight=True, normalize=True
    src = edge_index[0]
    dst = edge_index[1]
    msg = jnp.take(x, src, axis=0)
    agg = jax.ops.segment_sum(msg, dst, num_segments=x.shape[0])
    deg = jax.ops.segment_sum(jnp.ones((msg.shape[0],), dtype=x.dtype), dst, num_segments=x.shape[0])
    agg = agg / jnp.clip(deg, 1.0)[:, None]
    out = agg @ Wl.T + bl + x @ Wr.T
    nrm = jnp.linalg.norm(out, axis=1, keepdims=True)
    return out / jnp.clip(nrm, 1e-12)


def _bn(h, gamma, beta):
    # BatchNorm1d training-mode math (biased variance), eps=1e-5
    mu = jnp.mean(h, axis=0)
    var = jnp.var(h, axis=0)
    return (h - mu) / jnp.sqrt(var + 1e-5) * gamma + beta


def reference(x, W1l, b1, W1r, g1, be1, W2l, b2, W2r, g2, be2, Wlin, blin, edge_index):
    # layer 0
    h = _sage_conv(x, W1l, b1, W1r, edge_index)
    h = jax.nn.relu(_bn(h, g1, be1))
    # dropout is identity in deterministic reference (eval)
    x_res = h
    # layer 1 (last layer, num_layers=2)
    h = _sage_conv(h, W2l, b2, W2r, edge_index)
    h = jax.nn.relu(_bn(h, g2, be2))
    h = h + x_res
    logits = h @ Wlin.T + blin
    return jax.nn.log_softmax(logits, axis=1)

if __name__ == "__main__":
    import jax
    _d = setup_inputs()
    print(jax.jit(kernel)(*tuple(_d.values())))

</pallas_src>

<mosaic_0001>
#map = affine_map<(d0, d1) -> (0, 0, 0)>
#map1 = affine_map<(d0, d1) -> (0, 0)>
module attributes {stable_mosaic.version = 14 : i64} {
  func.func @_sc_body(%arg0: i32, %arg1: i32, %arg2: memref<2x10000x64xf32, #tpu.memory_space<hbm>>, %arg3: memref<16x250x80xi32, #tpu.memory_space<hbm>>, %arg4: memref<16x250x80xi32, #tpu.memory_space<hbm>>, %arg5: memref<80x16xf32, #tpu.memory_space<hbm>>, %arg6: memref<632x64xf32, #tpu.memory_space<hbm>>, %arg7: memref<632x16xf32, #tpu.memory_space<hbm>>, %arg8: memref<2x10112x64xf32, #tpu.memory_space<hbm>>, %arg9: memref<2x10112x16xf32, #tpu.memory_space<hbm>>, %arg10: memref<250x80xi32, #tpu.memory_space<vmem>>, %arg11: memref<250x80xi32, #tpu.memory_space<vmem>>, %arg12: memref<80x64xf32, #tpu.memory_space<vmem>>, %arg13: memref<80x64xf32, #tpu.memory_space<vmem>>, %arg14: memref<80x64xf32, #tpu.memory_space<vmem>>, %arg15: memref<80x64xf32, #tpu.memory_space<vmem>>, %arg16: memref<80x64xf32, #tpu.memory_space<vmem>>, %arg17: memref<80x64xf32, #tpu.memory_space<vmem>>, %arg18: memref<80x16xf32, #tpu.memory_space<vmem>>, %arg19: memref<10112x64xf32, #tpu.memory_space<vmem_shared>>, %arg20: memref<10112x16xf32, #tpu.memory_space<vmem_shared>>, %arg21: memref<!tpu.dma_semaphore, #tpu.memory_space<semaphore_mem>>, %arg22: memref<!tpu.dma_semaphore, #tpu.memory_space<semaphore_mem>>, %arg23: memref<!tpu.dma_semaphore, #tpu.memory_space<semaphore_mem>>, %arg24: memref<!tpu.dma_semaphore, #tpu.memory_space<semaphore_mem>>, %arg25: memref<!tpu.dma_semaphore, #tpu.memory_space<semaphore_mem>>, %arg26: memref<!tpu.dma_semaphore, #tpu.memory_space<semaphore_mem>>) attributes {dimension_semantics = [#tpu.dimension_semantics<core_parallel>, #tpu.dimension_semantics<subcore_parallel>], iteration_bounds = array<i64: 2, 16>, scalar_prefetch = 0 : i64, scratch_operands = 17 : i64, tpu.core_type = #tpu.core_type<sc_vector_subcore>, window_params = [{transform_indices = #map}, {transform_indices = #map}, {transform_indices = #map}, {transform_indices = #map1}, {transform_indices = #map1}, {transform_indices = #map1}, {transform_indices = #map}, {transform_indices = #map}]} {
    %mul3A = arith.constant 632 : i32
    %mul3A_0 = arith.muli %arg1, %mul3A : i32
    "tpu.region"() ({
      %run_scoped3A_135 = tpu.sem_alloc : memref<!tpu.dma_semaphore, #tpu.memory_space<semaphore_mem>>
      %dma_start3A_136 = arith.constant 0 : i32
      %dma_start3A_137 = arith.constant 0 : i32
      %dma_start3A_138 = tpu.memref_slice %arg3[%arg1, %dma_start3A_136, %dma_start3A_137] : memref<16x250x80xi32, #tpu.memory_space<hbm>> -> memref<1x250x80xi32, #tpu.memory_space<hbm>>
      %dma_start3A_139 = tpu.memref_squeeze %dma_start3A_138 : memref<1x250x80xi32, #tpu.memory_space<hbm>> -> memref<250x80xi32, #tpu.memory_space<hbm>>
      %dma_start3A_140 = arith.constant 0 : i32
      %dma_start3A_141 = arith.constant 0 : i32
      %dma_start3A_142 = tpu.memref_slice %arg3[%arg1, %dma_start3A_140, %dma_start3A_141] : memref<16x250x80xi32, #tpu.memory_space<hbm>> -> memref<1x250x80xi32, #tpu.memory_space<hbm>>
      %dma_start3A_143 = tpu.memref_squeeze %dma_start3A_142 : memref<1x250x80xi32, #tpu.memory_space<hbm>> -> memref<250x80xi32, #tpu.memory_space<hbm>>
      tpu.enqueue_dma source(%dma_start3A_143 : memref<250x80xi32, #tpu.memory_space<hbm>>) target(%arg10 : memref<250x80xi32, #tpu.memory_space<vmem>>) target_semaphore(%run_scoped3A_135 : memref<!tpu.dma_semaphore, #tpu.memory_space<semaphore_mem>>)
      %dma_wait3A_144 = arith.constant 0 : i32
      %dma_wait3A_145 = arith.constant 0 : i32
      %dma_wait3A_146 = tpu.memref_slice %arg3[%arg1, %dma_wait3A_144, %dma_wait3A_145] : memref<16x250x80xi32, #tpu.memory_space<hbm>> -> memref<1x250x80xi32, #tpu.memory_space<hbm>>
      %dma_wait3A_147 = tpu.memref_squeeze %dma_wait3A_146 : memref<1x250x80xi32, #tpu.memory_space<hbm>> -> memref<250x80xi32, #tpu.memory_space<hbm>>
      %dma_wait3A_148 = arith.constant 0 : i32
      %dma_wait3A_149 = arith.constant 0 : i32
      %dma_wait3A_150 = tpu.memref_slice %arg3[%arg1, %dma_wait3A_148, %dma_wait3A_149] : memref<16x250x80xi32, #tpu.memory_space<hbm>> -> memref<1x250x80xi32, #tpu.memory_space<hbm>>
      %dma_wait3A_151 = tpu.memref_squeeze %dma_wait3A_150 : memref<1x250x80xi32, #tpu.memory_space<hbm>> -> memref<250x80xi32, #tpu.memory_space<hbm>>
      tpu.wait_dma2 semaphore(%run_scoped3A_135 : memref<!tpu.dma_semaphore, #tpu.memory_space<semaphore_mem>>) src(%dma_wait3A_151 : memref<250x80xi32, #tpu.memory_space<hbm>>) dst(%arg10 : memref<250x80xi32, #tpu.memory_space<vmem>>)
      tpu.yield
    }) : () -> ()
    "tpu.region"() ({
      %run_scoped3A_135 = tpu.sem_alloc : memref<!tpu.dma_semaphore, #tpu.memory_space<semaphore_mem>>
      %dma_start3A_136 = arith.constant 0 : i32
      %dma_start3A_137 = arith.constant 0 : i32
      %dma_start3A_138 = tpu.memref_slice %arg4[%arg1, %dma_start3A_136, %dma_start3A_137] : memref<16x250x80xi32, #tpu.memory_space<hbm>> -> memref<1x250x80xi32, #tpu.memory_space<hbm>>
      %dma_start3A_139 = tpu.memref_squeeze %dma_start3A_138 : memref<1x250x80xi32, #tpu.memory_space<hbm>> -> memref<250x80xi32, #tpu.memory_space<hbm>>
      %dma_start3A_140 = arith.constant 0 : i32
      %dma_start3A_141 = arith.constant 0 : i32
      %dma_start3A_142 = tpu.memref_slice %arg4[%arg1, %dma_start3A_140, %dma_start3A_141] : memref<16x250x80xi32, #tpu.memory_space<hbm>> -> memref<1x250x80xi32, #tpu.memory_space<hbm>>
      %dma_start3A_143 = tpu.memref_squeeze %dma_start3A_142 : memref<1x250x80xi32, #tpu.memory_space<hbm>> -> memref<250x80xi32, #tpu.memory_space<hbm>>
      tpu.enqueue_dma source(%dma_start3A_143 : memref<250x80xi32, #tpu.memory_space<hbm>>) target(%arg11 : memref<250x80xi32, #tpu.memory_space<vmem>>) target_semaphore(%run_scoped3A_135 : memref<!tpu.dma_semaphore, #tpu.memory_space<semaphore_mem>>)
      %dma_wait3A_144 = arith.constant 0 : i32
      %dma_wait3A_145 = arith.constant 0 : i32
      %dma_wait3A_146 = tpu.memref_slice %arg4[%arg1, %dma_wait3A_144, %dma_wait3A_145] : memref<16x250x80xi32, #tpu.memory_space<hbm>> -> memref<1x250x80xi32, #tpu.memory_space<hbm>>
      %dma_wait3A_147 = tpu.memref_squeeze %dma_wait3A_146 : memref<1x250x80xi32, #tpu.memory_space<hbm>> -> memref<250x80xi32, #tpu.memory_space<hbm>>
      %dma_wait3A_148 = arith.constant 0 : i32
      %dma_wait3A_149 = arith.constant 0 : i32
      %dma_wait3A_150 = tpu.memref_slice %arg4[%arg1, %dma_wait3A_148, %dma_wait3A_149] : memref<16x250x80xi32, #tpu.memory_space<hbm>> -> memref<1x250x80xi32, #tpu.memory_space<hbm>>
      %dma_wait3A_151 = tpu.memref_squeeze %dma_wait3A_150 : memref<1x250x80xi32, #tpu.memory_space<hbm>> -> memref<250x80xi32, #tpu.memory_space<hbm>>
      tpu.wait_dma2 semaphore(%run_scoped3A_135 : memref<!tpu.dma_semaphore, #tpu.memory_space<semaphore_mem>>) src(%dma_wait3A_151 : memref<250x80xi32, #tpu.memory_space<hbm>>) dst(%arg11 : memref<250x80xi32, #tpu.memory_space<vmem>>)
      tpu.yield
    }) : () -> ()
    "tpu.region"() ({
      %run_scoped3A_135 = tpu.sem_alloc : memref<!tpu.dma_semaphore, #tpu.memory_space<semaphore_mem>>
      %dma_start3A_136 = arith.constant 0 : i32
      %dma_start3A_137 = tpu.memref_slice %arg19[%mul3A_0, %dma_start3A_136] : memref<10112x64xf32, #tpu.memory_space<vmem_shared>> -> memref<632x64xf32, #tpu.memory_space<vmem_shared>>
      tpu.enqueue_dma source(%arg6 : memref<632x64xf32, #tpu.memory_space<hbm>>) target(%dma_start3A_137 : memref<632x64xf32, #tpu.memory_space<vmem_shared>>) target_semaphore(%run_scoped3A_135 : memref<!tpu.dma_semaphore, #tpu.memory_space<semaphore_mem>>)
      %dma_wait3A_138 = arith.constant 0 : i32
      %dma_wait3A_139 = tpu.memref_slice %arg19[%mul3A_0, %dma_wait3A_138] : memref<10112x64xf32, #tpu.memory_space<vmem_shared>> -> memref<632x64xf32, #tpu.memory_space<vmem_shared>>
      tpu.wait_dma2 semaphore(%run_scoped3A_135 : memref<!tpu.dma_semaphore, #tpu.memory_space<semaphore_mem>>) src(%arg6 : memref<632x64xf32, #tpu.memory_space<hbm>>) dst(%dma_wait3A_139 : memref<632x64xf32, #tpu.memory_space<vmem_shared>>)
      tpu.yield
    }) : () -> ()
    "tpu.region"() ({
      %run_scoped3A_135 = tpu.sem_alloc : memref<!tpu.dma_semaphore, #tpu.memory_space<semaphore_mem>>
      tpu.enqueue_dma source(%arg5 : memref<80x16xf32, #tpu.memory_space<hbm>>) target(%arg18 : memref<80x16xf32, #tpu.memory_space<vmem>>) target_semaphore(%run_scoped3A_135 : memref<!tpu.dma_semaphore, #tpu.memory_space<semaphore_mem>>)
      tpu.wait_dma2 semaphore(%run_scoped3A_135 : memref<!tpu.dma_semaphore, #tpu.memory_space<semaphore_mem>>) src(%arg5 : memref<80x16xf32, #tpu.memory_space<hbm>>) dst(%arg18 : memref<80x16xf32, #tpu.memory_space<vmem>>)
      tpu.yield
    }) : () -> ()
    "tpu.region"() ({
      %run_scoped3A_135 = tpu.sem_alloc : memref<!tpu.dma_semaphore, #tpu.memory_space<semaphore_mem>>
      %dma_start3A_136 = arith.constant 0 : i32
      %dma_start3A_137 = tpu.memref_slice %arg20[%mul3A_0, %dma_start3A_136] : memref<10112x16xf32, #tpu.memory_space<vmem_shared>> -> memref<632x16xf32, #tpu.memory_space<vmem_shared>>
      tpu.enqueue_dma source(%arg7 : memref<632x16xf32, #tpu.memory_space<hbm>>) target(%dma_start3A_137 : memref<632x16xf32, #tpu.memory_space<vmem_shared>>) target_semaphore(%run_scoped3A_135 : memref<!tpu.dma_semaphore, #tpu.memory_space<semaphore_mem>>)
      %dma_wait3A_138 = arith.constant 0 : i32
      %dma_wait3A_139 = tpu.memref_slice %arg20[%mul3A_0, %dma_wait3A_138] : memref<10112x16xf32, #tpu.memory_space<vmem_shared>> -> memref<632x16xf32, #tpu.memory_space<vmem_shared>>
      tpu.wait_dma2 semaphore(%run_scoped3A_135 : memref<!tpu.dma_semaphore, #tpu.memory_space<semaphore_mem>>) src(%arg7 : memref<632x16xf32, #tpu.memory_space<hbm>>) dst(%dma_wait3A_139 : memref<632x16xf32, #tpu.memory_space<vmem_shared>>)
      tpu.yield
    }) : () -> ()
    %barrier3A = arith.constant 0 : index
    tpu.barrier barrier_id(%barrier3A)
    %dma_start3A = arith.constant 0 : i32
    %dma_start3A_1 = arith.constant 0 : i32
    %dma_start3A_2 = tpu.memref_slice %arg10[%dma_start3A, %dma_start3A_1] : memref<250x80xi32, #tpu.memory_space<vmem>> -> memref<1x80xi32, #tpu.memory_space<vmem>>
    %dma_start3A_3 = tpu.memref_squeeze %dma_start3A_2 : memref<1x80xi32, #tpu.memory_space<vmem>> -> memref<80xi32, #tpu.memory_space<vmem>>
    %dma_start3A_4 = arith.constant 0 : i32
    %dma_start3A_5 = arith.constant 0 : i32
    %dma_start3A_6 = tpu.memref_slice %arg2[%arg0, %dma_start3A_4, %dma_start3A_5] : memref<2x10000x64xf32, #tpu.memory_space<hbm>> -> memref<1x10000x64xf32, #tpu.memory_space<hbm>>
    %dma_start3A_7 = tpu.memref_squeeze %dma_start3A_6 : memref<1x10000x64xf32, #tpu.memory_space<hbm>> -> memref<10000x64xf32, #tpu.memory_space<hbm>>
    %dma_start3A_8 = arith.constant 0 : i32
    %dma_start3A_9 = arith.constant 0 : i32
    %dma_start3A_10 = tpu.memref_slice %dma_start3A_7[%dma_start3A_8, %dma_start3A_9] : memref<10000x64xf32, #tpu.memory_space<hbm>> -> memref<10000x64xf32, #tpu.memory_space<hbm>>
    tpu.enqueue_indirect_dma source(%dma_start3A_10 : memref<10000x64xf32, #tpu.memory_space<hbm>>) target(%arg12 : memref<80x64xf32, #tpu.memory_space<vmem>>) offsets(%dma_start3A_3 : memref<80xi32, #tpu.memory_space<vmem>>) semaphore(%arg21 : memref<!tpu.dma_semaphore, #tpu.memory_space<semaphore_mem>>)
    %dma_start3A_11 = arith.constant 1 : i32
    %dma_start3A_12 = arith.constant 0 : i32
    %dma_start3A_13 = tpu.memref_slice %arg10[%dma_start3A_11, %dma_start3A_12] : memref<250x80xi32, #tpu.memory_space<vmem>> -> memref<1x80xi32, #tpu.memory_space<vmem>>
    %dma_start3A_14 = tpu.memref_squeeze %dma_start3A_13 : memref<1x80xi32, #tpu.memory_space<vmem>> -> memref<80xi32, #tpu.memory_space<vmem>>
    %dma_start3A_15 = arith.constant 0 : i32
    %dma_start3A_16 = arith.constant 0 : i32
    %dma_start3A_17 = tpu.memref_slice %arg2[%arg0, %dma_start3A_15, %dma_start3A_16] : memref<2x10000x64xf32, #tpu.memory_space<hbm>> -> memref<1x10000x64xf32, #tpu.memory_space<hbm>>
    %dma_start3A_18 = tpu.memref_squeeze %dma_start3A_17 : memref<1x10000x64xf32, #tpu.memory_space<hbm>> -> memref<10000x64xf32, #tpu.memory_space<hbm>>
    %dma_start3A_19 = arith.constant 0 : i32
    %dma_start3A_20 = arith.constant 0 : i32
    %dma_start3A_21 = tpu.memref_slice %dma_start3A_18[%dma_start3A_19, %dma_start3A_20] : memref<10000x64xf32, #tpu.memory_space<hbm>> -> memref<10000x64xf32, #tpu.memory_space<hbm>>
    tpu.enqueue_indirect_dma source(%dma_start3A_21 : memref<10000x64xf32, #tpu.memory_space<hbm>>) target(%arg13 : memref<80x64xf32, #tpu.memory_space<vmem>>) offsets(%dma_start3A_14 : memref<80xi32, #tpu.memory_space<vmem>>) semaphore(%arg22 : memref<!tpu.dma_semaphore, #tpu.memory_space<semaphore_mem>>)
    %dma_start3A_22 = arith.constant 2 : i32
    %dma_start3A_23 = arith.constant 0 : i32
    %dma_start3A_24 = tpu.memref_slice %arg10[%dma_start3A_22, %dma_start3A_23] : memref<250x80xi32, #tpu.memory_space<vmem>> -> memref<1x80xi32, #tpu.memory_space<vmem>>
    %dma_start3A_25 = tpu.memref_squeeze %dma_start3A_24 : memref<1x80xi32, #tpu.memory_space<vmem>> -> memref<80xi32, #tpu.memory_space<vmem>>
    %dma_start3A_26 = arith.constant 0 : i32
    %dma_start3A_27 = arith.constant 0 : i32
    %dma_start3A_28 = tpu.memref_slice %arg2[%arg0, %dma_start3A_26, %dma_start3A_27] : memref<2x10000x64xf32, #tpu.memory_space<hbm>> -> memref<1x10000x64xf32, #tpu.memory_space<hbm>>
    %dma_start3A_29 = tpu.memref_squeeze %dma_start3A_28 : memref<1x10000x64xf32, #tpu.memory_space<hbm>> -> memref<10000x64xf32, #tpu.memory_space<hbm>>
    %dma_start3A_30 = arith.constant 0 : i32
    %dma_start3A_31 = arith.constant 0 : i32
    %dma_start3A_32 = tpu.memref_slice %dma_start3A_29[%dma_start3A_30, %dma_start3A_31] : memref<10000x64xf32, #tpu.memory_space<hbm>> -> memref<10000x64xf32, #tpu.memory_space<hbm>>
    tpu.enqueue_indirect_dma source(%dma_start3A_32 : memref<10000x64xf32, #tpu.memory_space<hbm>>) target(%arg14 : memref<80x64xf32, #tpu.memory_space<vmem>>) offsets(%dma_start3A_25 : memref<80xi32, #tpu.memory_space<vmem>>) semaphore(%arg23 : memref<!tpu.dma_semaphore, #tpu.memory_space<semaphore_mem>>)
    %dma_start3A_33 = arith.constant 3 : i32
    %dma_start3A_34 = arith.constant 0 : i32
    %dma_start3A_35 = tpu.memref_slice %arg10[%dma_start3A_33, %dma_start3A_34] : memref<250x80xi32, #tpu.memory_space<vmem>> -> memref<1x80xi32, #tpu.memory_space<vmem>>
    %dma_start3A_36 = tpu.memref_squeeze %dma_start3A_35 : memref<1x80xi32, #tpu.memory_space<vmem>> -> memref<80xi32, #tpu.memory_space<vmem>>
    %dma_start3A_37 = arith.constant 0 : i32
    %dma_start3A_38 = arith.constant 0 : i32
    %dma_start3A_39 = tpu.memref_slice %arg2[%arg0, %dma_start3A_37, %dma_start3A_38] : memref<2x10000x64xf32, #tpu.memory_space<hbm>> -> memref<1x10000x64xf32, #tpu.memory_space<hbm>>
    %dma_start3A_40 = tpu.memref_squeeze %dma_start3A_39 : memref<1x10000x64xf32, #tpu.memory_space<hbm>> -> memref<10000x64xf32, #tpu.memory_space<hbm>>
    %dma_start3A_41 = arith.constant 0 : i32
    %dma_start3A_42 = arith.constant 0 : i32
    %dma_start3A_43 = tpu.memref_slice %dma_start3A_40[%dma_start3A_41, %dma_start3A_42] : memref<10000x64xf32, #tpu.memory_space<hbm>> -> memref<10000x64xf32, #tpu.memory_space<hbm>>
    tpu.enqueue_indirect_dma source(%dma_start3A_43 : memref<10000x64xf32, #tpu.memory_space<hbm>>) target(%arg15 : memref<80x64xf32, #tpu.memory_space<vmem>>) offsets(%dma_start3A_36 : memref<80xi32, #tpu.memory_space<vmem>>) semaphore(%arg24 : memref<!tpu.dma_semaphore, #tpu.memory_space<semaphore_mem>>)
    %dma_start3A_44 = arith.constant 4 : i32
    %dma_start3A_45 = arith.constant 0 : i32
    %dma_start3A_46 = tpu.memref_slice %arg10[%dma_start3A_44, %dma_start3A_45] : memref<250x80xi32, #tpu.memory_space<vmem>> -> memref<1x80xi32, #tpu.memory_space<vmem>>
    %dma_start3A_47 = tpu.memref_squeeze %dma_start3A_46 : memref<1x80xi32, #tpu.memory_space<vmem>> -> memref<80xi32, #tpu.memory_space<vmem>>
    %dma_start3A_48 = arith.constant 0 : i32
    %dma_start3A_49 = arith.constant 0 : i32
    %dma_start3A_50 = tpu.memref_slice %arg2[%arg0, %dma_start3A_48, %dma_start3A_49] : memref<2x10000x64xf32, #tpu.memory_space<hbm>> -> memref<1x10000x64xf32, #tpu.memory_space<hbm>>
    %dma_start3A_51 = tpu.memref_squeeze %dma_start3A_50 : memref<1x10000x64xf32, #tpu.memory_space<hbm>> -> memref<10000x64xf32, #tpu.memory_space<hbm>>
    %dma_start3A_52 = arith.constant 0 : i32
    %dma_start3A_53 = arith.constant 0 : i32
    %dma_start3A_54 = tpu.memref_slice %dma_start3A_51[%dma_start3A_52, %dma_start3A_53] : memref<10000x64xf32, #tpu.memory_space<hbm>> -> memref<10000x64xf32, #tpu.memory_space<hbm>>
    tpu.enqueue_indirect_dma source(%dma_start3A_54 : memref<10000x64xf32, #tpu.memory_space<hbm>>) target(%arg16 : memref<80x64xf32, #tpu.memory_space<vmem>>) offsets(%dma_start3A_47 : memref<80xi32, #tpu.memory_space<vmem>>) semaphore(%arg25 : memref<!tpu.dma_semaphore, #tpu.memory_space<semaphore_mem>>)
    %scan3A = arith.constant 0 : i32
    %scan3A_55 = arith.constant 0 : i32
    %scan3A_56 = arith.constant 41 : i32
    %scan3A_57 = arith.addi %scan3A_55, %scan3A_56 : i32
    %scan3A_58 = arith.constant 1 : i32
    scf.for %scan3A_135 = %scan3A_55 to %scan3A_57 step %scan3A_58  : i32 {
      %mul3A_136 = arith.constant 6 : i32
      %mul3A_137 = arith.muli %mul3A_136, %scan3A_135 : i32
      %add3A = arith.constant 0 : i32
      %add3A_138 = arith.addi %mul3A_137, %add3A : i32
      %add3A_139 = arith.constant 6 : i32
      %add3A_140 = arith.addi %add3A_138, %add3A_139 : i32
      %sub3A = arith.constant 1 : i32
      %sub3A_141 = arith.subi %add3A_140, %sub3A : i32
      %lt3A = arith.constant 250 : i32
      %lt3A_142 = arith.cmpi slt, %sub3A_141, %lt3A : i32
      %convert_element_type3A_143 = arith.extui %lt3A_142 : i1 to i32
      %cond3A_144 = arith.constant 0 : i32
      %cond3A_145 = arith.cmpi ne, %convert_element_type3A_143, %cond3A_144 : i32
      scf.if %cond3A_145 {
        %dma_start3A_320 = arith.constant 0 : i32
        %dma_start3A_321 = tpu.memref_slice %arg10[%sub3A_141, %dma_start3A_320] : memref<250x80xi32, #tpu.memory_space<vmem>> -> memref<1x80xi32, #tpu.memory_space<vmem>>
        %dma_start3A_322 = tpu.memref_squeeze %dma_start3A_321 : memref<1x80xi32, #tpu.memory_space<vmem>> -> memref<80xi32, #tpu.memory_space<vmem>>
        %dma_start3A_323 = arith.constant 0 : i32
        %dma_start3A_324 = arith.constant 0 : i32
        %dma_start3A_325 = tpu.memref_slice %arg2[%arg0, %dma_start3A_323, %dma_start3A_324] : memref<2x10000x64xf32, #tpu.memory_space<hbm>> -> memref<1x10000x64xf32, #tpu.memory_space<hbm>>
        %dma_start3A_326 = tpu.memref_squeeze %dma_start3A_325 : memref<1x10000x64xf32, #tpu.memory_space<hbm>> -> memref<10000x64xf32, #tpu.memory_space<hbm>>
        %dma_start3A_327 = arith.constant 0 : i32
        %dma_start3A_328 = arith.constant 0 : i32
        %dma_start3A_329 = tpu.memref_slice %dma_start3A_326[%dma_start3A_327, %dma_start3A_328] : memref<10000x64xf32, #tpu.memory_space<hbm>> -> memref<10000x64xf32, #tpu.memory_space<hbm>>
        tpu.enqueue_indirect_dma source(%dma_start3A_329 : memref<10000x64xf32, #tpu.memory_space<hbm>>) target(%arg17 : memref<80x64xf32, #tpu.memory_space<vmem>>) offsets(%dma_start3A_322 : memref<80xi32, #tpu.memory_space<vmem>>) semaphore(%arg26 : memref<!tpu.dma_semaphore, #tpu.memory_space<semaphore_mem>>)
      } else {
      }
      %dma_wait3A_146 = arith.constant 0 : i32
      %dma_wait3A_147 = tpu.memref_slice %arg10[%add3A_138, %dma_wait3A_146] : memref<250x80xi32, #tpu.memory_space<vmem>> -> memref<1x80xi32, #tpu.memory_space<vmem>>
      %dma_wait3A_148 = tpu.memref_squeeze %dma_wait3A_147 : memref<1x80xi32, #tpu.memory_space<vmem>> -> memref<80xi32, #tpu.memory_space<vmem>>
      %dma_wait3A_149 = arith.constant 0 : i32
      %dma_wait3A_150 = arith.constant 0 : i32
      %dma_wait3A_151 = tpu.memref_slice %arg2[%arg0, %dma_wait3A_149, %dma_wait3A_150] : memref<2x10000x64xf32, #tpu.memory_space<hbm>> -> memref<1x10000x64xf32, #tpu.memory_space<hbm>>
      %dma_wait3A_152 = tpu.memref_squeeze %dma_wait3A_151 : memref<1x10000x64xf32, #tpu.memory_space<hbm>> -> memref<10000x64xf32, #tpu.memory_space<hbm>>
      %dma_wait3A_153 = arith.constant 0 : i32
      %dma_wait3A_154 = arith.constant 0 : i32
      %dma_wait3A_155 = tpu.memref_slice %dma_wait3A_152[%dma_wait3A_153, %dma_wait3A_154] : memref<10000x64xf32, #tpu.memory_space<hbm>> -> memref<10000x64xf32, #tpu.memory_space<hbm>>
      tpu.wait_indirect_dma semaphore(%arg21 : memref<!tpu.dma_semaphore, #tpu.memory_space<semaphore_mem>>) src(%dma_wait3A_155 : memref<10000x64xf32, #tpu.memory_space<hbm>>) dst(%arg12 : memref<80x64xf32, #tpu.memory_space<vmem>>)
      "tpu.region"() ({
        %run_scoped3A_320 = tpu.sem_alloc : memref<!tpu.dma_semaphore, #tpu.memory_space<semaphore_mem>>
        %dma_start3A_321 = arith.constant 0 : i32
        %dma_start3A_322 = tpu.memref_slice %arg11[%add3A_138, %dma_start3A_321] : memref<250x80xi32, #tpu.memory_space<vmem>> -> memref<1x80xi32, #tpu.memory_space<vmem>>
        %dma_start3A_323 = tpu.memref_squeeze %dma_start3A_322 : memref<1x80xi32, #tpu.memory_space<vmem>> -> memref<80xi32, #tpu.memory_space<vmem>>
        %dma_start3A_324 = arith.constant 0 : i32
        %dma_start3A_325 = arith.constant 0 : i32
        %dma_start3A_326 = tpu.memref_slice %arg19[%dma_start3A_324, %dma_start3A_325] : memref<10112x64xf32, #tpu.memory_space<vmem_shared>> -> memref<10112x64xf32, #tpu.memory_space<vmem_shared>>
        tpu.enqueue_indirect_dma source(%arg12 : memref<80x64xf32, #tpu.memory_space<vmem>>) target(%dma_start3A_326 : memref<10112x64xf32, #tpu.memory_space<vmem_shared>>) offsets(%dma_start3A_323 : memref<80xi32, #tpu.memory_space<vmem>>) semaphore(%run_scoped3A_320 : memref<!tpu.dma_semaphore, #tpu.memory_space<semaphore_mem>>) {add = true}
        %dma_wait3A_327 = arith.constant 0 : i32
        %dma_wait3A_328 = tpu.memref_slice %arg11[%add3A_138, %dma_wait3A_327] : memref<250x80xi32, #tpu.memory_space<vmem>> -> memref<1x80xi32, #tpu.memory_space<vmem>>
        %dma_wait3A_329 = tpu.memref_squeeze %dma_wait3A_328 : memref<1x80xi32, #tpu.memory_space<vmem>> -> memref<80xi32, #tpu.memory_space<vmem>>
        %dma_wait3A_330 = arith.constant 0 : i32
        %dma_wait3A_331 = arith.constant 0 : i32
        %dma_wait3A_332 = tpu.memref_slice %arg19[%dma_wait3A_330, %dma_wait3A_331] : memref<10112x64xf32, #tpu.memory_space<vmem_shared>> -> memref<10112x64xf32, #tpu.memory_space<vmem_shared>>
        tpu.wait_indirect_dma semaphore(%run_scoped3A_320 : memref<!tpu.dma_semaphore, #tpu.memory_space<semaphore_mem>>) src(%arg12 : memref<80x64xf32, #tpu.memory_space<vmem>>) dst(%dma_wait3A_332 : memref<10112x64xf32, #tpu.memory_space<vmem_shared>>)
        tpu.yield
      }) : () -> ()
      %eq3A_156 = arith.constant 0 : i32
      %eq3A_157 = arith.cmpi eq, %arg0, %eq3A_156 : i32
      %lt3A_158 = arith.constant 125 : i32
      %lt3A_159 = arith.cmpi slt, %add3A_138, %lt3A_158 : i32
      %ge3A = arith.constant 125 : i32
      %ge3A_160 = arith.cmpi sge, %add3A_138, %ge3A : i32
      %select_n3A_161 = arith.select %eq3A_157, %lt3A_159, %ge3A_160 : i1
      %convert_element_type3A_162 = arith.extui %select_n3A_161 : i1 to i32
      %cond3A_163 = arith.constant 0 : i32
      %cond3A_164 = arith.cmpi ne, %convert_element_type3A_162, %cond3A_163 : i32
      scf.if %cond3A_164 {
        "tpu.region"() ({
          %run_scoped3A_320 = tpu.sem_alloc : memref<!tpu.dma_semaphore, #tpu.memory_space<semaphore_mem>>
          %dma_start3A_321 = arith.constant 0 : i32
          %dma_start3A_322 = tpu.memref_slice %arg11[%add3A_138, %dma_start3A_321] : memref<250x80xi32, #tpu.memory_space<vmem>> -> memref<1x80xi32, #tpu.memory_space<vmem>>
          %dma_start3A_323 = tpu.memref_squeeze %dma_start3A_322 : memref<1x80xi32, #tpu.memory_space<vmem>> -> memref<80xi32, #tpu.memory_space<vmem>>
          %dma_start3A_324 = arith.constant 0 : i32
          %dma_start3A_325 = arith.constant 0 : i32
          %dma_start3A_326 = tpu.memref_slice %arg20[%dma_start3A_324, %dma_start3A_325] : memref<10112x16xf32, #tpu.memory_space<vmem_shared>> -> memref<10112x16xf32, #tpu.memory_space<vmem_shared>>
          tpu.enqueue_indirect_dma source(%arg18 : memref<80x16xf32, #tpu.memory_space<vmem>>) target(%dma_start3A_326 : memref<10112x16xf32, #tpu.memory_space<vmem_shared>>) offsets(%dma_start3A_323 : memref<80xi32, #tpu.memory_space<vmem>>) semaphore(%run_scoped3A_320 : memref<!tpu.dma_semaphore, #tpu.memory_space<semaphore_mem>>) {add = true}
          %dma_wait3A_327 = arith.constant 0 : i32
          %dma_wait3A_328 = tpu.memref_slice %arg11[%add3A_138, %dma_wait3A_327] : memref<250x80xi32, #tpu.memory_space<vmem>> -> memref<1x80xi32, #tpu.memory_space<vmem>>
          %dma_wait3A_329 = tpu.memref_squeeze %dma_wait3A_328 : memref<1x80xi32, #tpu.memory_space<vmem>> -> memref<80xi32, #tpu.memory_space<vmem>>
          %dma_wait3A_330 = arith.constant 0 : i32
          %dma_wait3A_331 = arith.constant 0 : i32
          %dma_wait3A_332 = tpu.memref_slice %arg20[%dma_wait3A_330, %dma_wait3A_331] : memref<10112x16xf32, #tpu.memory_space<vmem_shared>> -> memref<10112x16xf32, #tpu.memory_space<vmem_shared>>
          tpu.wait_indirect_dma semaphore(%run_scoped3A_320 : memref<!tpu.dma_semaphore, #tpu.memory_space<semaphore_mem>>) src(%arg18 : memref<80x16xf32, #tpu.memory_space<vmem>>) dst(%dma_wait3A_332 : memref<10112x16xf32, #tpu.memory_space<vmem_shared>>)
          tpu.yield
        }) : () -> ()
      } else {
      }
      %add3A_165 = arith.constant 1 : i32
      %add3A_166 = arith.addi %mul3A_137, %add3A_165 : i32
      %add3A_167 = arith.constant 6 : i32
      %add3A_168 = arith.addi %add3A_166, %add3A_167 : i32
      %sub3A_169 = arith.constant 1 : i32
      %sub3A_170 = arith.subi %add3A_168, %sub3A_169 : i32
      %lt3A_171 = arith.constant 250 : i32
      %lt3A_172 = arith.cmpi slt, %sub3A_170, %lt3A_171 : i32
      %convert_element_type3A_173 = arith.extui %lt3A_172 : i1 to i32
      %cond3A_174 = arith.constant 0 : i32
      %cond3A_175 = arith.cmpi ne, %convert_element_type3A_173, %cond3A_174 : i32
      scf.if %cond3A_175 {
        %dma_start3A_320 = arith.constant 0 : i32
        %dma_start3A_321 = tpu.memref_slice %arg10[%sub3A_170, %dma_start3A_320] : memref<250x80xi32, #tpu.memory_space<vmem>> -> memref<1x80xi32, #tpu.memory_space<vmem>>
        %dma_start3A_322 = tpu.memref_squeeze %dma_start3A_321 : memref<1x80xi32, #tpu.memory_space<vmem>> -> memref<80xi32, #tpu.memory_space<vmem>>
        %dma_start3A_323 = arith.constant 0 : i32
        %dma_start3A_324 = arith.constant 0 : i32
        %dma_start3A_325 = tpu.memref_slice %arg2[%arg0, %dma_start3A_323, %dma_start3A_324] : memref<2x10000x64xf32, #tpu.memory_space<hbm>> -> memref<1x10000x64xf32, #tpu.memory_space<hbm>>
        %dma_start3A_326 = tpu.memref_squeeze %dma_start3A_325 : memref<1x10000x64xf32, #tpu.memory_space<hbm>> -> memref<10000x64xf32, #tpu.memory_space<hbm>>
        %dma_start3A_327 = arith.constant 0 : i32
        %dma_start3A_328 = arith.constant 0 : i32
        %dma_start3A_329 = tpu.memref_slice %dma_start3A_326[%dma_start3A_327, %dma_start3A_328] : memref<10000x64xf32, #tpu.memory_space<hbm>> -> memref<10000x64xf32, #tpu.memory_space<hbm>>
        tpu.enqueue_indirect_dma source(%dma_start3A_329 : memref<10000x64xf32, #tpu.memory_space<hbm>>) target(%arg12 : memref<80x64xf32, #tpu.memory_space<vmem>>) offsets(%dma_start3A_322 : memref<80xi32, #tpu.memory_space<vmem>>) semaphore(%arg21 : memref<!tpu.dma_semaphore, #tpu.memory_space<semaphore_mem>>)
      } else {
      }
      %dma_wait3A_176 = arith.constant 0 : i32
      %dma_wait3A_177 = tpu.memref_slice %arg10[%add3A_166, %dma_wait3A_176] : memref<250x80xi32, #tpu.memory_space<vmem>> -> memref<1x80xi32, #tpu.memory_space<vmem>>
      %dma_wait3A_178 = tpu.memref_squeeze %dma_wait3A_177 : memref<1x80xi32, #tpu.memory_space<vmem>> -> memref<80xi32, #tpu.memory_space<vmem>>
      %dma_wait3A_179 = arith.constant 0 : i32
      %dma_wait3A_180 = arith.constant 0 : i32
      %dma_wait3A_181 = tpu.memref_slice %arg2[%arg0, %dma_wait3A_179, %dma_wait3A_180] : memref<2x10000x64xf32, #tpu.memory_space<hbm>> -> memref<1x10000x64xf32, #tpu.memory_space<hbm>>
      %dma_wait3A_182 = tpu.memref_squeeze %dma_wait3A_181 : memref<1x10000x64xf32, #tpu.memory_space<hbm>> -> memref<10000x64xf32, #tpu.memory_space<hbm>>
      %dma_wait3A_183 = arith.constant 0 : i32
      %dma_wait3A_184 = arith.constant 0 : i32
      %dma_wait3A_185 = tpu.memref_slice %dma_wait3A_182[%dma_wait3A_183, %dma_wait3A_184] : memref<10000x64xf32, #tpu.memory_space<hbm>> -> memref<10000x64xf32, #tpu.memory_space<hbm>>
      tpu.wait_indirect_dma semaphore(%arg22 : memref<!tpu.dma_semaphore, #tpu.memory_space<semaphore_mem>>) src(%dma_wait3A_185 : memref<10000x64xf32, #tpu.memory_space<hbm>>) dst(%arg13 : memref<80x64xf32, #tpu.memory_space<vmem>>)
      "tpu.region"() ({
        %run_scoped3A_320 = tpu.sem_alloc : memref<!tpu.dma_semaphore, #tpu.memory_space<semaphore_mem>>
        %dma_start3A_321 = arith.constant 0 : i32
        %dma_start3A_322 = tpu.memref_slice %arg11[%add3A_166, %dma_start3A_321] : memref<250x80xi32, #tpu.memory_space<vmem>> -> memref<1x80xi32, #tpu.memory_space<vmem>>
        %dma_start3A_323 = tpu.memref_squeeze %dma_start3A_322 : memref<1x80xi32, #tpu.memory_space<vmem>> -> memref<80xi32, #tpu.memory_space<vmem>>
        %dma_start3A_324 = arith.constant 0 : i32
        %dma_start3A_325 = arith.constant 0 : i32
        %dma_start3A_326 = tpu.memref_slice %arg19[%dma_start3A_324, %dma_start3A_325] : memref<10112x64xf32, #tpu.memory_space<vmem_shared>> -> memref<10112x64xf32, #tpu.memory_space<vmem_shared>>
        tpu.enqueue_indirect_dma source(%arg13 : memref<80x64xf32, #tpu.memory_space<vmem>>) target(%dma_start3A_326 : memref<10112x64xf32, #tpu.memory_space<vmem_shared>>) offsets(%dma_start3A_323 : memref<80xi32, #tpu.memory_space<vmem>>) semaphore(%run_scoped3A_320 : memref<!tpu.dma_semaphore, #tpu.memory_space<semaphore_mem>>) {add = true}
        %dma_wait3A_327 = arith.constant 0 : i32
        %dma_wait3A_328 = tpu.memref_slice %arg11[%add3A_166, %dma_wait3A_327] : memref<250x80xi32, #tpu.memory_space<vmem>> -> memref<1x80xi32, #tpu.memory_space<vmem>>
        %dma_wait3A_329 = tpu.memref_squeeze %dma_wait3A_328 : memref<1x80xi32, #tpu.memory_space<vmem>> -> memref<80xi32, #tpu.memory_space<vmem>>
        %dma_wait3A_330 = arith.constant 0 : i32
        %dma_wait3A_331 = arith.constant 0 : i32
        %dma_wait3A_332 = tpu.memref_slice %arg19[%dma_wait3A_330, %dma_wait3A_331] : memref<10112x64xf32, #tpu.memory_space<vmem_shared>> -> memref<10112x64xf32, #tpu.memory_space<vmem_shared>>
        tpu.wait_indirect_dma semaphore(%run_scoped3A_320 : memref<!tpu.dma_semaphore, #tpu.memory_space<semaphore_mem>>) src(%arg13 : memref<80x64xf32, #tpu.memory_space<vmem>>) dst(%dma_wait3A_332 : memref<10112x64xf32, #tpu.memory_space<vmem_shared>>)
        tpu.yield
      }) : () -> ()
      %eq3A_186 = arith.constant 0 : i32
      %eq3A_187 = arith.cmpi eq, %arg0, %eq3A_186 : i32
      %lt3A_188 = arith.constant 125 : i32
      %lt3A_189 = arith.cmpi slt, %add3A_166, %lt3A_188 : i32
      %ge3A_190 = arith.constant 125 : i32
      %ge3A_191 = arith.cmpi sge, %add3A_166, %ge3A_190 : i32
      %select_n3A_192 = arith.select %eq3A_187, %lt3A_189, %ge3A_191 : i1
      %convert_element_type3A_193 = arith.extui %select_n3A_192 : i1 to i32
      %cond3A_194 = arith.constant 0 : i32
      %cond3A_195 = arith.cmpi ne, %convert_element_type3A_193, %cond3A_194 : i32
      scf.if %cond3A_195 {
        "tpu.region"() ({
          %run_scoped3A_320 = tpu.sem_alloc : memref<!tpu.dma_semaphore, #tpu.memory_space<semaphore_mem>>
          %dma_start3A_321 = arith.constant 0 : i32
          %dma_start3A_322 = tpu.memref_slice %arg11[%add3A_166, %dma_start3A_321] : memref<250x80xi32, #tpu.memory_space<vmem>> -> memref<1x80xi32, #tpu.memory_space<vmem>>
          %dma_start3A_323 = tpu.memref_squeeze %dma_start3A_322 : memref<1x80xi32, #tpu.memory_space<vmem>> -> memref<80xi32, #tpu.memory_space<vmem>>
          %dma_start3A_324 = arith.constant 0 : i32
          %dma_start3A_325 = arith.constant 0 : i32
          %dma_start3A_326 = tpu.memref_slice %arg20[%dma_start3A_324, %dma_start3A_325] : memref<10112x16xf32, #tpu.memory_space<vmem_shared>> -> memref<10112x16xf32, #tpu.memory_space<vmem_shared>>
          tpu.enqueue_indirect_dma source(%arg18 : memref<80x16xf32, #tpu.memory_space<vmem>>) target(%dma_start3A_326 : memref<10112x16xf32, #tpu.memory_space<vmem_shared>>) offsets(%dma_start3A_323 : memref<80xi32, #tpu.memory_space<vmem>>) semaphore(%run_scoped3A_320 : memref<!tpu.dma_semaphore, #tpu.memory_space<semaphore_mem>>) {add = true}
          %dma_wait3A_327 = arith.constant 0 : i32
          %dma_wait3A_328 = tpu.memref_slice %arg11[%add3A_166, %dma_wait3A_327] : memref<250x80xi32, #tpu.memory_space<vmem>> -> memref<1x80xi32, #tpu.memory_space<vmem>>
          %dma_wait3A_329 = tpu.memref_squeeze %dma_wait3A_328 : memref<1x80xi32, #tpu.memory_space<vmem>> -> memref<80xi32, #tpu.memory_space<vmem>>
          %dma_wait3A_330 = arith.constant 0 : i32
          %dma_wait3A_331 = arith.constant 0 : i32
          %dma_wait3A_332 = tpu.memref_slice %arg20[%dma_wait3A_330, %dma_wait3A_331] : memref<10112x16xf32, #tpu.memory_space<vmem_shared>> -> memref<10112x16xf32, #tpu.memory_space<vmem_shared>>
          tpu.wait_indirect_dma semaphore(%run_scoped3A_320 : memref<!tpu.dma_semaphore, #tpu.memory_space<semaphore_mem>>) src(%arg18 : memref<80x16xf32, #tpu.memory_space<vmem>>) dst(%dma_wait3A_332 : memref<10112x16xf32, #tpu.memory_space<vmem_shared>>)
          tpu.yield
        }) : () -> ()
      } else {
      }
      %add3A_196 = arith.constant 2 : i32
      %add3A_197 = arith.addi %mul3A_137, %add3A_196 : i32
      %add3A_198 = arith.constant 6 : i32
      %add3A_199 = arith.addi %add3A_197, %add3A_198 : i32
      %sub3A_200 = arith.constant 1 : i32
      %sub3A_201 = arith.subi %add3A_199, %sub3A_200 : i32
      %lt3A_202 = arith.constant 250 : i32
      %lt3A_203 = arith.cmpi slt, %sub3A_201, %lt3A_202 : i32
      %convert_element_type3A_204 = arith.extui %lt3A_203 : i1 to i32
      %cond3A_205 = arith.constant 0 : i32
      %cond3A_206 = arith.cmpi ne, %convert_element_type3A_204, %cond3A_205 : i32
      scf.if %cond3A_206 {
        %dma_start3A_320 = arith.constant 0 : i32
        %dma_start3A_321 = tpu.memref_slice %arg10[%sub3A_201, %dma_start3A_320] : memref<250x80xi32, #tpu.memory_space<vmem>> -> memref<1x80xi32, #tpu.memory_space<vmem>>
        %dma_start3A_322 = tpu.memref_squeeze %dma_start3A_321 : memref<1x80xi32, #tpu.memory_space<vmem>> -> memref<80xi32, #tpu.memory_space<vmem>>
        %dma_start3A_323 = arith.constant 0 : i32
        %dma_start3A_324 = arith.constant 0 : i32
        %dma_start3A_325 = tpu.memref_slice %arg2[%arg0, %dma_start3A_323, %dma_start3A_324] : memref<2x10000x64xf32, #tpu.memory_space<hbm>> -> memref<1x10000x64xf32, #tpu.memory_space<hbm>>
        %dma_start3A_326 = tpu.memref_squeeze %dma_start3A_325 : memref<1x10000x64xf32, #tpu.memory_space<hbm>> -> memref<10000x64xf32, #tpu.memory_space<hbm>>
        %dma_start3A_327 = arith.constant 0 : i32
        %dma_start3A_328 = arith.constant 0 : i32
        %dma_start3A_329 = tpu.memref_slice %dma_start3A_326[%dma_start3A_327, %dma_start3A_328] : memref<10000x64xf32, #tpu.memory_space<hbm>> -> memref<10000x64xf32, #tpu.memory_space<hbm>>
        tpu.enqueue_indirect_dma source(%dma_start3A_329 : memref<10000x64xf32, #tpu.memory_space<hbm>>) target(%arg13 : memref<80x64xf32, #tpu.memory_space<vmem>>) offsets(%dma_start3A_322 : memref<80xi32, #tpu.memory_space<vmem>>) semaphore(%arg22 : memref<!tpu.dma_semaphore, #tpu.memory_space<semaphore_mem>>)
      } else {
      }
      %dma_wait3A_207 = arith.constant 0 : i32
      %dma_wait3A_208 = tpu.memref_slice %arg10[%add3A_197, %dma_wait3A_207] : memref<250x80xi32, #tpu.memory_space<vmem>> -> memref<1x80xi32, #tpu.memory_space<vmem>>
      %dma_wait3A_209 = tpu.memref_squeeze %dma_wait3A_208 : memref<1x80xi32, #tpu.memory_space<vmem>> -> memref<80xi32, #tpu.memory_space<vmem>>
      %dma_wait3A_210 = arith.constant 0 : i32
      %dma_wait3A_211 = arith.constant 0 : i32
      %dma_wait3A_212 = tpu.memref_slice %arg2[%arg0, %dma_wait3A_210, %dma_wait3A_211] : memref<2x10000x64xf32, #tpu.memory_space<hbm>> -> memref<1x10000x64xf32, #tpu.memory_space<hbm>>
      %dma_wait3A_213 = tpu.memref_squeeze %dma_wait3A_212 : memref<1x10000x64xf32, #tpu.memory_space<hbm>> -> memref<10000x64xf32, #tpu.memory_space<hbm>>
      %dma_wait3A_214 = arith.constant 0 : i32
      %dma_wait3A_215 = arith.constant 0 : i32
      %dma_wait3A_216 = tpu.memref_slice %dma_wait3A_213[%dma_wait3A_214, %dma_wait3A_215] : memref<10000x64xf32, #tpu.memory_space<hbm>> -> memref<10000x64xf32, #tpu.memory_space<hbm>>
      tpu.wait_indirect_dma semaphore(%arg23 : memref<!tpu.dma_semaphore, #tpu.memory_space<semaphore_mem>>) src(%dma_wait3A_216 : memref<10000x64xf32, #tpu.memory_space<hbm>>) dst(%arg14 : memref<80x64xf32, #tpu.memory_space<vmem>>)
      "tpu.region"() ({
        %run_scoped3A_320 = tpu.sem_alloc : memref<!tpu.dma_semaphore, #tpu.memory_space<semaphore_mem>>
        %dma_start3A_321 = arith.constant 0 : i32
        %dma_start3A_322 = tpu.memref_slice %arg11[%add3A_197, %dma_start3A_321] : memref<250x80xi32, #tpu.memory_space<vmem>> -> memref<1x80xi32, #tpu.memory_space<vmem>>
        %dma_start3A_323 = tpu.memref_squeeze %dma_start3A_322 : memref<1x80xi32, #tpu.memory_space<vmem>> -> memref<80xi32, #tpu.memory_space<vmem>>
        %dma_start3A_324 = arith.constant 0 : i32
        %dma_start3A_325 = arith.constant 0 : i32
        %dma_start3A_326 = tpu.memref_slice %arg19[%dma_start3A_324, %dma_start3A_325] : memref<10112x64xf32, #tpu.memory_space<vmem_shared>> -> memref<10112x64xf32, #tpu.memory_space<vmem_shared>>
        tpu.enqueue_indirect_dma source(%arg14 : memref<80x64xf32, #tpu.memory_space<vmem>>) target(%dma_start3A_326 : memref<10112x64xf32, #tpu.memory_space<vmem_shared>>) offsets(%dma_start3A_323 : memref<80xi32, #tpu.memory_space<vmem>>) semaphore(%run_scoped3A_320 : memref<!tpu.dma_semaphore, #tpu.memory_space<semaphore_mem>>) {add = true}
        %dma_wait3A_327 = arith.constant 0 : i32
        %dma_wait3A_328 = tpu.memref_slice %arg11[%add3A_197, %dma_wait3A_327] : memref<250x80xi32, #tpu.memory_space<vmem>> -> memref<1x80xi32, #tpu.memory_space<vmem>>
        %dma_wait3A_329 = tpu.memref_squeeze %dma_wait3A_328 : memref<1x80xi32, #tpu.memory_space<vmem>> -> memref<80xi32, #tpu.memory_space<vmem>>
        %dma_wait3A_330 = arith.constant 0 : i32
        %dma_wait3A_331 = arith.constant 0 : i32
        %dma_wait3A_332 = tpu.memref_slice %arg19[%dma_wait3A_330, %dma_wait3A_331] : memref<10112x64xf32, #tpu.memory_space<vmem_shared>> -> memref<10112x64xf32, #tpu.memory_space<vmem_shared>>
        tpu.wait_indirect_dma semaphore(%run_scoped3A_320 : memref<!tpu.dma_semaphore, #tpu.memory_space<semaphore_mem>>) src(%arg14 : memref<80x64xf32, #tpu.memory_space<vmem>>) dst(%dma_wait3A_332 : memref<10112x64xf32, #tpu.memory_space<vmem_shared>>)
        tpu.yield
      }) : () -> ()
      %eq3A_217 = arith.constant 0 : i32
      %eq3A_218 = arith.cmpi eq, %arg0, %eq3A_217 : i32
      %lt3A_219 = arith.constant 125 : i32
      %lt3A_220 = arith.cmpi slt, %add3A_197, %lt3A_219 : i32
      %ge3A_221 = arith.constant 125 : i32
      %ge3A_222 = arith.cmpi sge, %add3A_197, %ge3A_221 : i32
      %select_n3A_223 = arith.select %eq3A_218, %lt3A_220, %ge3A_222 : i1
      %convert_element_type3A_224 = arith.extui %select_n3A_223 : i1 to i32
      %cond3A_225 = arith.constant 0 : i32
      %cond3A_226 = arith.cmpi ne, %convert_element_type3A_224, %cond3A_225 : i32
      scf.if %cond3A_226 {
        "tpu.region"() ({
          %run_scoped3A_320 = tpu.sem_alloc : memref<!tpu.dma_semaphore, #tpu.memory_space<semaphore_mem>>
          %dma_start3A_321 = arith.constant 0 : i32
          %dma_start3A_322 = tpu.memref_slice %arg11[%add3A_197, %dma_start3A_321] : memref<250x80xi32, #tpu.memory_space<vmem>> -> memref<1x80xi32, #tpu.memory_space<vmem>>
          %dma_start3A_323 = tpu.memref_squeeze %dma_start3A_322 : memref<1x80xi32, #tpu.memory_space<vmem>> -> memref<80xi32, #tpu.memory_space<vmem>>
          %dma_start3A_324 = arith.constant 0 : i32
          %dma_start3A_325 = arith.constant 0 : i32
          %dma_start3A_326 = tpu.memref_slice %arg20[%dma_start3A_324, %dma_start3A_325] : memref<10112x16xf32, #tpu.memory_space<vmem_shared>> -> memref<10112x16xf32, #tpu.memory_space<vmem_shared>>
          tpu.enqueue_indirect_dma source(%arg18 : memref<80x16xf32, #tpu.memory_space<vmem>>) target(%dma_start3A_326 : memref<10112x16xf32, #tpu.memory_space<vmem_shared>>) offsets(%dma_start3A_323 : memref<80xi32, #tpu.memory_space<vmem>>) semaphore(%run_scoped3A_320 : memref<!tpu.dma_semaphore, #tpu.memory_space<semaphore_mem>>) {add = true}
          %dma_wait3A_327 = arith.constant 0 : i32
          %dma_wait3A_328 = tpu.memref_slice %arg11[%add3A_197, %dma_wait3A_327] : memref<250x80xi32, #tpu.memory_space<vmem>> -> memref<1x80xi32, #tpu.memory_space<vmem>>
          %dma_wait3A_329 = tpu.memref_squeeze %dma_wait3A_328 : memref<1x80xi32, #tpu.memory_space<vmem>> -> memref<80xi32, #tpu.memory_space<vmem>>
          %dma_wait3A_330 = arith.constant 0 : i32
          %dma_wait3A_331 = arith.constant 0 : i32
          %dma_wait3A_332 = tpu.memref_slice %arg20[%dma_wait3A_330, %dma_wait3A_331] : memref<10112x16xf32, #tpu.memory_space<vmem_shared>> -> memref<10112x16xf32, #tpu.memory_space<vmem_shared>>
          tpu.wait_indirect_dma semaphore(%run_scoped3A_320 : memref<!tpu.dma_semaphore, #tpu.memory_space<semaphore_mem>>) src(%arg18 : memref<80x16xf32, #tpu.memory_space<vmem>>) dst(%dma_wait3A_332 : memref<10112x16xf32, #tpu.memory_space<vmem_shared>>)
          tpu.yield
        }) : () -> ()
      } else {
      }
      %add3A_227 = arith.constant 3 : i32
      %add3A_228 = arith.addi %mul3A_137, %add3A_227 : i32
      %add3A_229 = arith.constant 6 : i32
      %add3A_230 = arith.addi %add3A_228, %add3A_229 : i32
      %sub3A_231 = arith.constant 1 : i32
      %sub3A_232 = arith.subi %add3A_230, %sub3A_231 : i32
      %lt3A_233 = arith.constant 250 : i32
      %lt3A_234 = arith.cmpi slt, %sub3A_232, %lt3A_233 : i32
      %convert_element_type3A_235 = arith.extui %lt3A_234 : i1 to i32
      %cond3A_236 = arith.constant 0 : i32
      %cond3A_237 = arith.cmpi ne, %convert_element_type3A_235, %cond3A_236 : i32
      scf.if %cond3A_237 {
        %dma_start3A_320 = arith.constant 0 : i32
        %dma_start3A_321 = tpu.memref_slice %arg10[%sub3A_232, %dma_start3A_320] : memref<250x80xi32, #tpu.memory_space<vmem>> -> memref<1x80xi32, #tpu.memory_space<vmem>>
        %dma_start3A_322 = tpu.memref_squeeze %dma_start3A_321 : memref<1x80xi32, #tpu.memory_space<vmem>> -> memref<80xi32, #tpu.memory_space<vmem>>
        %dma_start3A_323 = arith.constant 0 : i32
        %dma_start3A_324 = arith.constant 0 : i32
        %dma_start3A_325 = tpu.memref_slice %arg2[%arg0, %dma_start3A_323, %dma_start3A_324] : memref<2x10000x64xf32, #tpu.memory_space<hbm>> -> memref<1x10000x64xf32, #tpu.memory_space<hbm>>
        %dma_start3A_326 = tpu.memref_squeeze %dma_start3A_325 : memref<1x10000x64xf32, #tpu.memory_space<hbm>> -> memref<10000x64xf32, #tpu.memory_space<hbm>>
        %dma_start3A_327 = arith.constant 0 : i32
        %dma_start3A_328 = arith.constant 0 : i32
        %dma_start3A_329 = tpu.memref_slice %dma_start3A_326[%dma_start3A_327, %dma_start3A_328] : memref<10000x64xf32, #tpu.memory_space<hbm>> -> memref<10000x64xf32, #tpu.memory_space<hbm>>
        tpu.enqueue_indirect_dma source(%dma_start3A_329 : memref<10000x64xf32, #tpu.memory_space<hbm>>) target(%arg14 : memref<80x64xf32, #tpu.memory_space<vmem>>) offsets(%dma_start3A_322 : memref<80xi32, #tpu.memory_space<vmem>>) semaphore(%arg23 : memref<!tpu.dma_semaphore, #tpu.memory_space<semaphore_mem>>)
      } else {
      }
      %dma_wait3A_238 = arith.constant 0 : i32
      %dma_wait3A_239 = tpu.memref_slice %arg10[%add3A_228, %dma_wait3A_238] : memref<250x80xi32, #tpu.memory_space<vmem>> -> memref<1x80xi32, #tpu.memory_space<vmem>>
      %dma_wait3A_240 = tpu.memref_squeeze %dma_wait3A_239 : memref<1x80xi32, #tpu.memory_space<vmem>> -> memref<80xi32, #tpu.memory_space<vmem>>
      %dma_wait3A_241 = arith.constant 0 : i32
      %dma_wait3A_242 = arith.constant 0 : i32
      %dma_wait3A_243 = tpu.memref_slice %arg2[%arg0, %dma_wait3A_241, %dma_wait3A_242] : memref<2x10000x64xf32, #tpu.memory_space<hbm>> -> memref<1x10000x64xf32, #tpu.memory_space<hbm>>
      %dma_wait3A_244 = tpu.memref_squeeze %dma_wait3A_243 : memref<1x10000x64xf32, #tpu.memory_space<hbm>> -> memref<10000x64xf32, #tpu.memory_space<hbm>>
      %dma_wait3A_245 = arith.constant 0 : i32
      %dma_wait3A_246 = arith.constant 0 : i32
      %dma_wait3A_247 = tpu.memref_slice %dma_wait3A_244[%dma_wait3A_245, %dma_wait3A_246] : memref<10000x64xf32, #tpu.memory_space<hbm>> -> memref<10000x64xf32, #tpu.memory_space<hbm>>
      tpu.wait_indirect_dma semaphore(%arg24 : memref<!tpu.dma_semaphore, #tpu.memory_space<semaphore_mem>>) src(%dma_wait3A_247 : memref<10000x64xf32, #tpu.memory_space<hbm>>) dst(%arg15 : memref<80x64xf32, #tpu.memory_space<vmem>>)
      "tpu.region"() ({
        %run_scoped3A_320 = tpu.sem_alloc : memref<!tpu.dma_semaphore, #tpu.memory_space<semaphore_mem>>
        %dma_start3A_321 = arith.constant 0 : i32
        %dma_start3A_322 = tpu.memref_slice %arg11[%add3A_228, %dma_start3A_321] : memref<250x80xi32, #tpu.memory_space<vmem>> -> memref<1x80xi32, #tpu.memory_space<vmem>>
        %dma_start3A_323 = tpu.memref_squeeze %dma_start3A_322 : memref<1x80xi32, #tpu.memory_space<vmem>> -> memref<80xi32, #tpu.memory_space<vmem>>
        %dma_start3A_324 = arith.constant 0 : i32
        %dma_start3A_325 = arith.constant 0 : i32
        %dma_start3A_326 = tpu.memref_slice %arg19[%dma_start3A_324, %dma_start3A_325] : memref<10112x64xf32, #tpu.memory_space<vmem_shared>> -> memref<10112x64xf32, #tpu.memory_space<vmem_shared>>
        tpu.enqueue_indirect_dma source(%arg15 : memref<80x64xf32, #tpu.memory_space<vmem>>) target(%dma_start3A_326 : memref<10112x64xf32, #tpu.memory_space<vmem_shared>>) offsets(%dma_start3A_323 : memref<80xi32, #tpu.memory_space<vmem>>) semaphore(%run_scoped3A_320 : memref<!tpu.dma_semaphore, #tpu.memory_space<semaphore_mem>>) {add = true}
        %dma_wait3A_327 = arith.constant 0 : i32
        %dma_wait3A_328 = tpu.memref_slice %arg11[%add3A_228, %dma_wait3A_327] : memref<250x80xi32, #tpu.memory_space<vmem>> -> memref<1x80xi32, #tpu.memory_space<vmem>>
        %dma_wait3A_329 = tpu.memref_squeeze %dma_wait3A_328 : memref<1x80xi32, #tpu.memory_space<vmem>> -> memref<80xi32, #tpu.memory_space<vmem>>
        %dma_wait3A_330 = arith.constant 0 : i32
        %dma_wait3A_331 = arith.constant 0 : i32
        %dma_wait3A_332 = tpu.memref_slice %arg19[%dma_wait3A_330, %dma_wait3A_331] : memref<10112x64xf32, #tpu.memory_space<vmem_shared>> -> memref<10112x64xf32, #tpu.memory_space<vmem_shared>>
        tpu.wait_indirect_dma semaphore(%run_scoped3A_320 : memref<!tpu.dma_semaphore, #tpu.memory_space<semaphore_mem>>) src(%arg15 : memref<80x64xf32, #tpu.memory_space<vmem>>) dst(%dma_wait3A_332 : memref<10112x64xf32, #tpu.memory_space<vmem_shared>>)
        tpu.yield
      }) : () -> ()
      %eq3A_248 = arith.constant 0 : i32
      %eq3A_249 = arith.cmpi eq, %arg0, %eq3A_248 : i32
      %lt3A_250 = arith.constant 125 : i32
      %lt3A_251 = arith.cmpi slt, %add3A_228, %lt3A_250 : i32
      %ge3A_252 = arith.constant 125 : i32
      %ge3A_253 = arith.cmpi sge, %add3A_228, %ge3A_252 : i32
      %select_n3A_254 = arith.select %eq3A_249, %lt3A_251, %ge3A_253 : i1
      %convert_element_type3A_255 = arith.extui %select_n3A_254 : i1 to i32
      %cond3A_256 = arith.constant 0 : i32
      %cond3A_257 = arith.cmpi ne, %convert_element_type3A_255, %cond3A_256 : i32
      scf.if %cond3A_257 {
        "tpu.region"() ({
          %run_scoped3A_320 = tpu.sem_alloc : memref<!tpu.dma_semaphore, #tpu.memory_space<semaphore_mem>>
          %dma_start3A_321 = arith.constant 0 : i32
          %dma_start3A_322 = tpu.memref_slice %arg11[%add3A_228, %dma_start3A_321] : memref<250x80xi32, #tpu.memory_space<vmem>> -> memref<1x80xi32, #tpu.memory_space<vmem>>
          %dma_start3A_323 = tpu.memref_squeeze %dma_start3A_322 : memref<1x80xi32, #tpu.memory_space<vmem>> -> memref<80xi32, #tpu.memory_space<vmem>>
          %dma_start3A_324 = arith.constant 0 : i32
          %dma_start3A_325 = arith.constant 0 : i32
          %dma_start3A_326 = tpu.memref_slice %arg20[%dma_start3A_324, %dma_start3A_325] : memref<10112x16xf32, #tpu.memory_space<vmem_shared>> -> memref<10112x16xf32, #tpu.memory_space<vmem_shared>>
          tpu.enqueue_indirect_dma source(%arg18 : memref<80x16xf32, #tpu.memory_space<vmem>>) target(%dma_start3A_326 : memref<10112x16xf32, #tpu.memory_space<vmem_shared>>) offsets(%dma_start3A_323 : memref<80xi32, #tpu.memory_space<vmem>>) semaphore(%run_scoped3A_320 : memref<!tpu.dma_semaphore, #tpu.memory_space<semaphore_mem>>) {add = true}
          %dma_wait3A_327 = arith.constant 0 : i32
          %dma_wait3A_328 = tpu.memref_slice %arg11[%add3A_228, %dma_wait3A_327] : memref<250x80xi32, #tpu.memory_space<vmem>> -> memref<1x80xi32, #tpu.memory_space<vmem>>
          %dma_wait3A_329 = tpu.memref_squeeze %dma_wait3A_328 : memref<1x80xi32, #tpu.memory_space<vmem>> -> memref<80xi32, #tpu.memory_space<vmem>>
          %dma_wait3A_330 = arith.constant 0 : i32
          %dma_wait3A_331 = arith.constant 0 : i32
          %dma_wait3A_332 = tpu.memref_slice %arg20[%dma_wait3A_330, %dma_wait3A_331] : memref<10112x16xf32, #tpu.memory_space<vmem_shared>> -> memref<10112x16xf32, #tpu.memory_space<vmem_shared>>
          tpu.wait_indirect_dma semaphore(%run_scoped3A_320 : memref<!tpu.dma_semaphore, #tpu.memory_space<semaphore_mem>>) src(%arg18 : memref<80x16xf32, #tpu.memory_space<vmem>>) dst(%dma_wait3A_332 : memref<10112x16xf32, #tpu.memory_space<vmem_shared>>)
          tpu.yield
        }) : () -> ()
      } else {
      }
      %add3A_258 = arith.constant 4 : i32
      %add3A_259 = arith.addi %mul3A_137, %add3A_258 : i32
      %add3A_260 = arith.constant 6 : i32
      %add3A_261 = arith.addi %add3A_259, %add3A_260 : i32
      %sub3A_262 = arith.constant 1 : i32
      %sub3A_263 = arith.subi %add3A_261, %sub3A_262 : i32
      %lt3A_264 = arith.constant 250 : i32
      %lt3A_265 = arith.cmpi slt, %sub3A_263, %lt3A_264 : i32
      %convert_element_type3A_266 = arith.extui %lt3A_265 : i1 to i32
      %cond3A_267 = arith.constant 0 : i32
      %cond3A_268 = arith.cmpi ne, %convert_element_type3A_266, %cond3A_267 : i32
      scf.if %cond3A_268 {
        %dma_start3A_320 = arith.constant 0 : i32
        %dma_start3A_321 = tpu.memref_slice %arg10[%sub3A_263, %dma_start3A_320] : memref<250x80xi32, #tpu.memory_space<vmem>> -> memref<1x80xi32, #tpu.memory_space<vmem>>
        %dma_start3A_322 = tpu.memref_squeeze %dma_start3A_321 : memref<1x80xi32, #tpu.memory_space<vmem>> -> memref<80xi32, #tpu.memory_space<vmem>>
        %dma_start3A_323 = arith.constant 0 : i32
        %dma_start3A_324 = arith.constant 0 : i32
        %dma_start3A_325 = tpu.memref_slice %arg2[%arg0, %dma_start3A_323, %dma_start3A_324] : memref<2x10000x64xf32, #tpu.memory_space<hbm>> -> memref<1x10000x64xf32, #tpu.memory_space<hbm>>
        %dma_start3A_326 = tpu.memref_squeeze %dma_start3A_325 : memref<1x10000x64xf32, #tpu.memory_space<hbm>> -> memref<10000x64xf32, #tpu.memory_space<hbm>>
        %dma_start3A_327 = arith.constant 0 : i32
        %dma_start3A_328 = arith.constant 0 : i32
        %dma_start3A_329 = tpu.memref_slice %dma_start3A_326[%dma_start3A_327, %dma_start3A_328] : memref<10000x64xf32, #tpu.memory_space<hbm>> -> memref<10000x64xf32, #tpu.memory_space<hbm>>
        tpu.enqueue_indirect_dma source(%dma_start3A_329 : memref<10000x64xf32, #tpu.memory_space<hbm>>) target(%arg15 : memref<80x64xf32, #tpu.memory_space<vmem>>) offsets(%dma_start3A_322 : memref<80xi32, #tpu.memory_space<vmem>>) semaphore(%arg24 : memref<!tpu.dma_semaphore, #tpu.memory_space<semaphore_mem>>)
      } else {
      }
      %dma_wait3A_269 = arith.constant 0 : i32
      %dma_wait3A_270 = tpu.memref_slice %arg10[%add3A_259, %dma_wait3A_269] : memref<250x80xi32, #tpu.memory_space<vmem>> -> memref<1x80xi32, #tpu.memory_space<vmem>>
      %dma_wait3A_271 = tpu.memref_squeeze %dma_wait3A_270 : memref<1x80xi32, #tpu.memory_space<vmem>> -> memref<80xi32, #tpu.memory_space<vmem>>
      %dma_wait3A_272 = arith.constant 0 : i32
      %dma_wait3A_273 = arith.constant 0 : i32
      %dma_wait3A_274 = tpu.memref_slice %arg2[%arg0, %dma_wait3A_272, %dma_wait3A_273] : memref<2x10000x64xf32, #tpu.memory_space<hbm>> -> memref<1x10000x64xf32, #tpu.memory_space<hbm>>
      %dma_wait3A_275 = tpu.memref_squeeze %dma_wait3A_274 : memref<1x10000x64xf32, #tpu.memory_space<hbm>> -> memref<10000x64xf32, #tpu.memory_space<hbm>>
      %dma_wait3A_276 = arith.constant 0 : i32
      %dma_wait3A_277 = arith.constant 0 : i32
      %dma_wait3A_278 = tpu.memref_slice %dma_wait3A_275[%dma_wait3A_276, %dma_wait3A_277] : memref<10000x64xf32, #tpu.memory_space<hbm>> -> memref<10000x64xf32, #tpu.memory_space<hbm>>
      tpu.wait_indirect_dma semaphore(%arg25 : memref<!tpu.dma_semaphore, #tpu.memory_space<semaphore_mem>>) src(%dma_wait3A_278 : memref<10000x64xf32, #tpu.memory_space<hbm>>) dst(%arg16 : memref<80x64xf32, #tpu.memory_space<vmem>>)
      "tpu.region"() ({
        %run_scoped3A_320 = tpu.sem_alloc : memref<!tpu.dma_semaphore, #tpu.memory_space<semaphore_mem>>
        %dma_start3A_321 = arith.constant 0 : i32
        %dma_start3A_322 = tpu.memref_slice %arg11[%add3A_259, %dma_start3A_321] : memref<250x80xi32, #tpu.memory_space<vmem>> -> memref<1x80xi32, #tpu.memory_space<vmem>>
        %dma_start3A_323 = tpu.memref_squeeze %dma_start3A_322 : memref<1x80xi32, #tpu.memory_space<vmem>> -> memref<80xi32, #tpu.memory_space<vmem>>
        %dma_start3A_324 = arith.constant 0 : i32
        %dma_start3A_325 = arith.constant 0 : i32
        %dma_start3A_326 = tpu.memref_slice %arg19[%dma_start3A_324, %dma_start3A_325] : memref<10112x64xf32, #tpu.memory_space<vmem_shared>> -> memref<10112x64xf32, #tpu.memory_space<vmem_shared>>
        tpu.enqueue_indirect_dma source(%arg16 : memref<80x64xf32, #tpu.memory_space<vmem>>) target(%dma_start3A_326 : memref<10112x64xf32, #tpu.memory_space<vmem_shared>>) offsets(%dma_start3A_323 : memref<80xi32, #tpu.memory_space<vmem>>) semaphore(%run_scoped3A_320 : memref<!tpu.dma_semaphore, #tpu.memory_space<semaphore_mem>>) {add = true}
        %dma_wait3A_327 = arith.constant 0 : i32
        %dma_wait3A_328 = tpu.memref_slice %arg11[%add3A_259, %dma_wait3A_327] : memref<250x80xi32, #tpu.memory_space<vmem>> -> memref<1x80xi32, #tpu.memory_space<vmem>>
        %dma_wait3A_329 = tpu.memref_squeeze %dma_wait3A_328 : memref<1x80xi32, #tpu.memory_space<vmem>> -> memref<80xi32, #tpu.memory_space<vmem>>
        %dma_wait3A_330 = arith.constant 0 : i32
        %dma_wait3A_331 = arith.constant 0 : i32
        %dma_wait3A_332 = tpu.memref_slice %arg19[%dma_wait3A_330, %dma_wait3A_331] : memref<10112x64xf32, #tpu.memory_space<vmem_shared>> -> memref<10112x64xf32, #tpu.memory_space<vmem_shared>>
        tpu.wait_indirect_dma semaphore(%run_scoped3A_320 : memref<!tpu.dma_semaphore, #tpu.memory_space<semaphore_mem>>) src(%arg16 : memref<80x64xf32, #tpu.memory_space<vmem>>) dst(%dma_wait3A_332 : memref<10112x64xf32, #tpu.memory_space<vmem_shared>>)
        tpu.yield
      }) : () -> ()
      %eq3A_279 = arith.constant 0 : i32
      %eq3A_280 = arith.cmpi eq, %arg0, %eq3A_279 : i32
      %lt3A_281 = arith.constant 125 : i32
      %lt3A_282 = arith.cmpi slt, %add3A_259, %lt3A_281 : i32
      %ge3A_283 = arith.constant 125 : i32
      %ge3A_284 = arith.cmpi sge, %add3A_259, %ge3A_283 : i32
      %select_n3A_285 = arith.select %eq3A_280, %lt3A_282, %ge3A_284 : i1
      %convert_element_type3A_286 = arith.extui %select_n3A_285 : i1 to i32
      %cond3A_287 = arith.constant 0 : i32
      %cond3A_288 = arith.cmpi ne, %convert_element_type3A_286, %cond3A_287 : i32
      scf.if %cond3A_288 {
        "tpu.region"() ({
          %run_scoped3A_320 = tpu.sem_alloc : memref<!tpu.dma_semaphore, #tpu.memory_space<semaphore_mem>>
          %dma_start3A_321 = arith.constant 0 : i32
          %dma_start3A_322 = tpu.memref_slice %arg11[%add3A_259, %dma_start3A_321] : memref<250x80xi32, #tpu.memory_space<vmem>> -> memref<1x80xi32, #tpu.memory_space<vmem>>
          %dma_start3A_323 = tpu.memref_squeeze %dma_start3A_322 : memref<1x80xi32, #tpu.memory_space<vmem>> -> memref<80xi32, #tpu.memory_space<vmem>>
          %dma_start3A_324 = arith.constant 0 : i32
          %dma_start3A_325 = arith.constant 0 : i32
          %dma_start3A_326 = tpu.memref_slice %arg20[%dma_start3A_324, %dma_start3A_325] : memref<10112x16xf32, #tpu.memory_space<vmem_shared>> -> memref<10112x16xf32, #tpu.memory_space<vmem_shared>>
          tpu.enqueue_indirect_dma source(%arg18 : memref<80x16xf32, #tpu.memory_space<vmem>>) target(%dma_start3A_326 : memref<10112x16xf32, #tpu.memory_space<vmem_shared>>) offsets(%dma_start3A_323 : memref<80xi32, #tpu.memory_space<vmem>>) semaphore(%run_scoped3A_320 : memref<!tpu.dma_semaphore, #tpu.memory_space<semaphore_mem>>) {add = true}
          %dma_wait3A_327 = arith.constant 0 : i32
          %dma_wait3A_328 = tpu.memref_slice %arg11[%add3A_259, %dma_wait3A_327] : memref<250x80xi32, #tpu.memory_space<vmem>> -> memref<1x80xi32, #tpu.memory_space<vmem>>
          %dma_wait3A_329 = tpu.memref_squeeze %dma_wait3A_328 : memref<1x80xi32, #tpu.memory_space<vmem>> -> memref<80xi32, #tpu.memory_space<vmem>>
          %dma_wait3A_330 = arith.constant 0 : i32
          %dma_wait3A_331 = arith.constant 0 : i32
          %dma_wait3A_332 = tpu.memref_slice %arg20[%dma_wait3A_330, %dma_wait3A_331] : memref<10112x16xf32, #tpu.memory_space<vmem_shared>> -> memref<10112x16xf32, #tpu.memory_space<vmem_shared>>
          tpu.wait_indirect_dma semaphore(%run_scoped3A_320 : memref<!tpu.dma_semaphore, #tpu.memory_space<semaphore_mem>>) src(%arg18 : memref<80x16xf32, #tpu.memory_space<vmem>>) dst(%dma_wait3A_332 : memref<10112x16xf32, #tpu.memory_space<vmem_shared>>)
          tpu.yield
        }) : () -> ()
      } else {
      }
      %add3A_289 = arith.constant 5 : i32
      %add3A_290 = arith.addi %mul3A_137, %add3A_289 : i32
      %add3A_291 = arith.constant 6 : i32
      %add3A_292 = arith.addi %add3A_290, %add3A_291 : i32
      %sub3A_293 = arith.constant 1 : i32
      %sub3A_294 = arith.subi %add3A_292, %sub3A_293 : i32
      %lt3A_295 = arith.constant 250 : i32
      %lt3A_296 = arith.cmpi slt, %sub3A_294, %lt3A_295 : i32
      %convert_element_type3A_297 = arith.extui %lt3A_296 : i1 to i32
      %cond3A_298 = arith.constant 0 : i32
      %cond3A_299 = arith.cmpi ne, %convert_element_type3A_297, %cond3A_298 : i32
      scf.if %cond3A_299 {
        %dma_start3A_320 = arith.constant 0 : i32
        %dma_start3A_321 = tpu.memref_slice %arg10[%sub3A_294, %dma_start3A_320] : memref<250x80xi32, #tpu.memory_space<vmem>> -> memref<1x80xi32, #tpu.memory_space<vmem>>
        %dma_start3A_322 = tpu.memref_squeeze %dma_start3A_321 : memref<1x80xi32, #tpu.memory_space<vmem>> -> memref<80xi32, #tpu.memory_space<vmem>>
        %dma_start3A_323 = arith.constant 0 : i32
        %dma_start3A_324 = arith.constant 0 : i32
        %dma_start3A_325 = tpu.memref_slice %arg2[%arg0, %dma_start3A_323, %dma_start3A_324] : memref<2x10000x64xf32, #tpu.memory_space<hbm>> -> memref<1x10000x64xf32, #tpu.memory_space<hbm>>
        %dma_start3A_326 = tpu.memref_squeeze %dma_start3A_325 : memref<1x10000x64xf32, #tpu.memory_space<hbm>> -> memref<10000x64xf32, #tpu.memory_space<hbm>>
        %dma_start3A_327 = arith.constant 0 : i32
        %dma_start3A_328 = arith.constant 0 : i32
        %dma_start3A_329 = tpu.memref_slice %dma_start3A_326[%dma_start3A_327, %dma_start3A_328] : memref<10000x64xf32, #tpu.memory_space<hbm>> -> memref<10000x64xf32, #tpu.memory_space<hbm>>
        tpu.enqueue_indirect_dma source(%dma_start3A_329 : memref<10000x64xf32, #tpu.memory_space<hbm>>) target(%arg16 : memref<80x64xf32, #tpu.memory_space<vmem>>) offsets(%dma_start3A_322 : memref<80xi32, #tpu.memory_space<vmem>>) semaphore(%arg25 : memref<!tpu.dma_semaphore, #tpu.memory_space<semaphore_mem>>)
      } else {
      }
      %dma_wait3A_300 = arith.constant 0 : i32
      %dma_wait3A_301 = tpu.memref_slice %arg10[%add3A_290, %dma_wait3A_300] : memref<250x80xi32, #tpu.memory_space<vmem>> -> memref<1x80xi32, #tpu.memory_space<vmem>>
      %dma_wait3A_302 = tpu.memref_squeeze %dma_wait3A_301 : memref<1x80xi32, #tpu.memory_space<vmem>> -> memref<80xi32, #tpu.memory_space<vmem>>
      %dma_wait3A_303 = arith.constant 0 : i32
      %dma_wait3A_304 = arith.constant 0 : i32
      %dma_wait3A_305 = tpu.memref_slice %arg2[%arg0, %dma_wait3A_303, %dma_wait3A_304] : memref<2x10000x64xf32, #tpu.memory_space<hbm>> -> memref<1x10000x64xf32, #tpu.memory_space<hbm>>
      %dma_wait3A_306 = tpu.memref_squeeze %dma_wait3A_305 : memref<1x10000x64xf32, #tpu.memory_space<hbm>> -> memref<10000x64xf32, #tpu.memory_space<hbm>>
      %dma_wait3A_307 = arith.constant 0 : i32
      %dma_wait3A_308 = arith.constant 0 : i32
      %dma_wait3A_309 = tpu.memref_slice %dma_wait3A_306[%dma_wait3A_307, %dma_wait3A_308] : memref<10000x64xf32, #tpu.memory_space<hbm>> -> memref<10000x64xf32, #tpu.memory_space<hbm>>
      tpu.wait_indirect_dma semaphore(%arg26 : memref<!tpu.dma_semaphore, #tpu.memory_space<semaphore_mem>>) src(%dma_wait3A_309 : memref<10000x64xf32, #tpu.memory_space<hbm>>) dst(%arg17 : memref<80x64xf32, #tpu.memory_space<vmem>>)
      "tpu.region"() ({
        %run_scoped3A_320 = tpu.sem_alloc : memref<!tpu.dma_semaphore, #tpu.memory_space<semaphore_mem>>
        %dma_start3A_321 = arith.constant 0 : i32
        %dma_start3A_322 = tpu.memref_slice %arg11[%add3A_290, %dma_start3A_321] : memref<250x80xi32, #tpu.memory_space<vmem>> -> memref<1x80xi32, #tpu.memory_space<vmem>>
        %dma_start3A_323 = tpu.memref_squeeze %dma_start3A_322 : memref<1x80xi32, #tpu.memory_space<vmem>> -> memref<80xi32, #tpu.memory_space<vmem>>
        %dma_start3A_324 = arith.constant 0 : i32
        %dma_start3A_325 = arith.constant 0 : i32
        %dma_start3A_326 = tpu.memref_slice %arg19[%dma_start3A_324, %dma_start3A_325] : memref<10112x64xf32, #tpu.memory_space<vmem_shared>> -> memref<10112x64xf32, #tpu.memory_space<vmem_shared>>
        tpu.enqueue_indirect_dma source(%arg17 : memref<80x64xf32, #tpu.memory_space<vmem>>) target(%dma_start3A_326 : memref<10112x64xf32, #tpu.memory_space<vmem_shared>>) offsets(%dma_start3A_323 : memref<80xi32, #tpu.memory_space<vmem>>) semaphore(%run_scoped3A_320 : memref<!tpu.dma_semaphore, #tpu.memory_space<semaphore_mem>>) {add = true}
        %dma_wait3A_327 = arith.constant 0 : i32
        %dma_wait3A_328 = tpu.memref_slice %arg11[%add3A_290, %dma_wait3A_327] : memref<250x80xi32, #tpu.memory_space<vmem>> -> memref<1x80xi32, #tpu.memory_space<vmem>>
        %dma_wait3A_329 = tpu.memref_squeeze %dma_wait3A_328 : memref<1x80xi32, #tpu.memory_space<vmem>> -> memref<80xi32, #tpu.memory_space<vmem>>
        %dma_wait3A_330 = arith.constant 0 : i32
        %dma_wait3A_331 = arith.constant 0 : i32
        %dma_wait3A_332 = tpu.memref_slice %arg19[%dma_wait3A_330, %dma_wait3A_331] : memref<10112x64xf32, #tpu.memory_space<vmem_shared>> -> memref<10112x64xf32, #tpu.memory_space<vmem_shared>>
        tpu.wait_indirect_dma semaphore(%run_scoped3A_320 : memref<!tpu.dma_semaphore, #tpu.memory_space<semaphore_mem>>) src(%arg17 : memref<80x64xf32, #tpu.memory_space<vmem>>) dst(%dma_wait3A_332 : memref<10112x64xf32, #tpu.memory_space<vmem_shared>>)
        tpu.yield
      }) : () -> ()
      %eq3A_310 = arith.constant 0 : i32
      %eq3A_311 = arith.cmpi eq, %arg0, %eq3A_310 : i32
      %lt3A_312 = arith.constant 125 : i32
      %lt3A_313 = arith.cmpi slt, %add3A_290, %lt3A_312 : i32
      %ge3A_314 = arith.constant 125 : i32
      %ge3A_315 = arith.cmpi sge, %add3A_290, %ge3A_314 : i32
      %select_n3A_316 = arith.select %eq3A_311, %lt3A_313, %ge3A_315 : i1
      %convert_element_type3A_317 = arith.extui %select_n3A_316 : i1 to i32
      %cond3A_318 = arith.constant 0 : i32
      %cond3A_319 = arith.cmpi ne, %convert_element_type3A_317, %cond3A_318 : i32
      scf.if %cond3A_319 {
        "tpu.region"() ({
          %run_scoped3A_320 = tpu.sem_alloc : memref<!tpu.dma_semaphore, #tpu.memory_space<semaphore_mem>>
          %dma_start3A_321 = arith.constant 0 : i32
          %dma_start3A_322 = tpu.memref_slice %arg11[%add3A_290, %dma_start3A_321] : memref<250x80xi32, #tpu.memory_space<vmem>> -> memref<1x80xi32, #tpu.memory_space<vmem>>
          %dma_start3A_323 = tpu.memref_squeeze %dma_start3A_322 : memref<1x80xi32, #tpu.memory_space<vmem>> -> memref<80xi32, #tpu.memory_space<vmem>>
          %dma_start3A_324 = arith.constant 0 : i32
          %dma_start3A_325 = arith.constant 0 : i32
          %dma_start3A_326 = tpu.memref_slice %arg20[%dma_start3A_324, %dma_start3A_325] : memref<10112x16xf32, #tpu.memory_space<vmem_shared>> -> memref<10112x16xf32, #tpu.memory_space<vmem_shared>>
          tpu.enqueue_indirect_dma source(%arg18 : memref<80x16xf32, #tpu.memory_space<vmem>>) target(%dma_start3A_326 : memref<10112x16xf32, #tpu.memory_space<vmem_shared>>) offsets(%dma_start3A_323 : memref<80xi32, #tpu.memory_space<vmem>>) semaphore(%run_scoped3A_320 : memref<!tpu.dma_semaphore, #tpu.memory_space<semaphore_mem>>) {add = true}
          %dma_wait3A_327 = arith.constant 0 : i32
          %dma_wait3A_328 = tpu.memref_slice %arg11[%add3A_290, %dma_wait3A_327] : memref<250x80xi32, #tpu.memory_space<vmem>> -> memref<1x80xi32, #tpu.memory_space<vmem>>
          %dma_wait3A_329 = tpu.memref_squeeze %dma_wait3A_328 : memref<1x80xi32, #tpu.memory_space<vmem>> -> memref<80xi32, #tpu.memory_space<vmem>>
          %dma_wait3A_330 = arith.constant 0 : i32
          %dma_wait3A_331 = arith.constant 0 : i32
          %dma_wait3A_332 = tpu.memref_slice %arg20[%dma_wait3A_330, %dma_wait3A_331] : memref<10112x16xf32, #tpu.memory_space<vmem_shared>> -> memref<10112x16xf32, #tpu.memory_space<vmem_shared>>
          tpu.wait_indirect_dma semaphore(%run_scoped3A_320 : memref<!tpu.dma_semaphore, #tpu.memory_space<semaphore_mem>>) src(%arg18 : memref<80x16xf32, #tpu.memory_space<vmem>>) dst(%dma_wait3A_332 : memref<10112x16xf32, #tpu.memory_space<vmem_shared>>)
          tpu.yield
        }) : () -> ()
      } else {
      }
    }
    %scan3A_59 = arith.constant 41 : i32
    %dma_wait3A = arith.constant 246 : i32
    %dma_wait3A_60 = arith.constant 0 : i32
    %dma_wait3A_61 = tpu.memref_slice %arg10[%dma_wait3A, %dma_wait3A_60] : memref<250x80xi32, #tpu.memory_space<vmem>> -> memref<1x80xi32, #tpu.memory_space<vmem>>
    %dma_wait3A_62 = tpu.memref_squeeze %dma_wait3A_61 : memref<1x80xi32, #tpu.memory_space<vmem>> -> memref<80xi32, #tpu.memory_space<vmem>>
    %dma_wait3A_63 = arith.constant 0 : i32
    %dma_wait3A_64 = arith.constant 0 : i32
    %dma_wait3A_65 = tpu.memref_slice %arg2[%arg0, %dma_wait3A_63, %dma_wait3A_64] : memref<2x10000x64xf32, #tpu.memory_space<hbm>> -> memref<1x10000x64xf32, #tpu.memory_space<hbm>>
    %dma_wait3A_66 = tpu.memref_squeeze %dma_wait3A_65 : memref<1x10000x64xf32, #tpu.memory_space<hbm>> -> memref<10000x64xf32, #tpu.memory_space<hbm>>
    %dma_wait3A_67 = arith.constant 0 : i32
    %dma_wait3A_68 = arith.constant 0 : i32
    %dma_wait3A_69 = tpu.memref_slice %dma_wait3A_66[%dma_wait3A_67, %dma_wait3A_68] : memref<10000x64xf32, #tpu.memory_space<hbm>> -> memref<10000x64xf32, #tpu.memory_space<hbm>>
    tpu.wait_indirect_dma semaphore(%arg21 : memref<!tpu.dma_semaphore, #tpu.memory_space<semaphore_mem>>) src(%dma_wait3A_69 : memref<10000x64xf32, #tpu.memory_space<hbm>>) dst(%arg12 : memref<80x64xf32, #tpu.memory_space<vmem>>)
    %run_scoped3A = arith.constant 246 : i32
    "tpu.region"() ({
      %run_scoped3A_135 = tpu.sem_alloc : memref<!tpu.dma_semaphore, #tpu.memory_space<semaphore_mem>>
      %dma_start3A_136 = arith.constant 0 : i32
      %dma_start3A_137 = tpu.memref_slice %arg11[%run_scoped3A, %dma_start3A_136] : memref<250x80xi32, #tpu.memory_space<vmem>> -> memref<1x80xi32, #tpu.memory_space<vmem>>
      %dma_start3A_138 = tpu.memref_squeeze %dma_start3A_137 : memref<1x80xi32, #tpu.memory_space<vmem>> -> memref<80xi32, #tpu.memory_space<vmem>>
      %dma_start3A_139 = arith.constant 0 : i32
      %dma_start3A_140 = arith.constant 0 : i32
      %dma_start3A_141 = tpu.memref_slice %arg19[%dma_start3A_139, %dma_start3A_140] : memref<10112x64xf32, #tpu.memory_space<vmem_shared>> -> memref<10112x64xf32, #tpu.memory_space<vmem_shared>>
      tpu.enqueue_indirect_dma source(%arg12 : memref<80x64xf32, #tpu.memory_space<vmem>>) target(%dma_start3A_141 : memref<10112x64xf32, #tpu.memory_space<vmem_shared>>) offsets(%dma_start3A_138 : memref<80xi32, #tpu.memory_space<vmem>>) semaphore(%run_scoped3A_135 : memref<!tpu.dma_semaphore, #tpu.memory_space<semaphore_mem>>) {add = true}
      %dma_wait3A_142 = arith.constant 0 : i32
      %dma_wait3A_143 = tpu.memref_slice %arg11[%run_scoped3A, %dma_wait3A_142] : memref<250x80xi32, #tpu.memory_space<vmem>> -> memref<1x80xi32, #tpu.memory_space<vmem>>
      %dma_wait3A_144 = tpu.memref_squeeze %dma_wait3A_143 : memref<1x80xi32, #tpu.memory_space<vmem>> -> memref<80xi32, #tpu.memory_space<vmem>>
      %dma_wait3A_145 = arith.constant 0 : i32
      %dma_wait3A_146 = arith.constant 0 : i32
      %dma_wait3A_147 = tpu.memref_slice %arg19[%dma_wait3A_145, %dma_wait3A_146] : memref<10112x64xf32, #tpu.memory_space<vmem_shared>> -> memref<10112x64xf32, #tpu.memory_space<vmem_shared>>
      tpu.wait_indirect_dma semaphore(%run_scoped3A_135 : memref<!tpu.dma_semaphore, #tpu.memory_space<semaphore_mem>>) src(%arg12 : memref<80x64xf32, #tpu.memory_space<vmem>>) dst(%dma_wait3A_147 : memref<10112x64xf32, #tpu.memory_space<vmem_shared>>)
      tpu.yield
    }) : () -> ()
    %eq3A = arith.constant 0 : i32
    %eq3A_70 = arith.cmpi eq, %arg0, %eq3A : i32
    %select_n3A = arith.constant true
    %select_n3A_71 = arith.constant false
    %select_n3A_72 = arith.select %eq3A_70, %select_n3A_71, %select_n3A : i1
    %convert_element_type3A = arith.extui %select_n3A_72 : i1 to i32
    %cond3A = arith.constant 0 : i32
    %cond3A_73 = arith.cmpi ne, %convert_element_type3A, %cond3A : i32
    scf.if %cond3A_73 {
      %run_scoped3A_135 = arith.constant 246 : i32
      "tpu.region"() ({
        %run_scoped3A_136 = tpu.sem_alloc : memref<!tpu.dma_semaphore, #tpu.memory_space<semaphore_mem>>
        %dma_start3A_137 = arith.constant 0 : i32
        %dma_start3A_138 = tpu.memref_slice %arg11[%run_scoped3A_135, %dma_start3A_137] : memref<250x80xi32, #tpu.memory_space<vmem>> -> memref<1x80xi32, #tpu.memory_space<vmem>>
        %dma_start3A_139 = tpu.memref_squeeze %dma_start3A_138 : memref<1x80xi32, #tpu.memory_space<vmem>> -> memref<80xi32, #tpu.memory_space<vmem>>
        %dma_start3A_140 = arith.constant 0 : i32
        %dma_start3A_141 = arith.constant 0 : i32
        %dma_start3A_142 = tpu.memref_slice %arg20[%dma_start3A_140, %dma_start3A_141] : memref<10112x16xf32, #tpu.memory_space<vmem_shared>> -> memref<10112x16xf32, #tpu.memory_space<vmem_shared>>
        tpu.enqueue_indirect_dma source(%arg18 : memref<80x16xf32, #tpu.memory_space<vmem>>) target(%dma_start3A_142 : memref<10112x16xf32, #tpu.memory_space<vmem_shared>>) offsets(%dma_start3A_139 : memref<80xi32, #tpu.memory_space<vmem>>) semaphore(%run_scoped3A_136 : memref<!tpu.dma_semaphore, #tpu.memory_space<semaphore_mem>>) {add = true}
        %dma_wait3A_143 = arith.constant 0 : i32
        %dma_wait3A_144 = tpu.memref_slice %arg11[%run_scoped3A_135, %dma_wait3A_143] : memref<250x80xi32, #tpu.memory_space<vmem>> -> memref<1x80xi32, #tpu.memory_space<vmem>>
        %dma_wait3A_145 = tpu.memref_squeeze %dma_wait3A_144 : memref<1x80xi32, #tpu.memory_space<vmem>> -> memref<80xi32, #tpu.memory_space<vmem>>
        %dma_wait3A_146 = arith.constant 0 : i32
        %dma_wait3A_147 = arith.constant 0 : i32
        %dma_wait3A_148 = tpu.memref_slice %arg20[%dma_wait3A_146, %dma_wait3A_147] : memref<10112x16xf32, #tpu.memory_space<vmem_shared>> -> memref<10112x16xf32, #tpu.memory_space<vmem_shared>>
        tpu.wait_indirect_dma semaphore(%run_scoped3A_136 : memref<!tpu.dma_semaphore, #tpu.memory_space<semaphore_mem>>) src(%arg18 : memref<80x16xf32, #tpu.memory_space<vmem>>) dst(%dma_wait3A_148 : memref<10112x16xf32, #tpu.memory_space<vmem_shared>>)
        tpu.yield
      }) : () -> ()
    } else {
    }
    %dma_wait3A_74 = arith.constant 247 : i32
    %dma_wait3A_75 = arith.constant 0 : i32
    %dma_wait3A_76 = tpu.memref_slice %arg10[%dma_wait3A_74, %dma_wait3A_75] : memref<250x80xi32, #tpu.memory_space<vmem>> -> memref<1x80xi32, #tpu.memory_space<vmem>>
    %dma_wait3A_77 = tpu.memref_squeeze %dma_wait3A_76 : memref<1x80xi32, #tpu.memory_space<vmem>> -> memref<80xi32, #tpu.memory_space<vmem>>
    %dma_wait3A_78 = arith.constant 0 : i32
    %dma_wait3A_79 = arith.constant 0 : i32
    %dma_wait3A_80 = tpu.memref_slice %arg2[%arg0, %dma_wait3A_78, %dma_wait3A_79] : memref<2x10000x64xf32, #tpu.memory_space<hbm>> -> memref<1x10000x64xf32, #tpu.memory_space<hbm>>
    %dma_wait3A_81 = tpu.memref_squeeze %dma_wait3A_80 : memref<1x10000x64xf32, #tpu.memory_space<hbm>> -> memref<10000x64xf32, #tpu.memory_space<hbm>>
    %dma_wait3A_82 = arith.constant 0 : i32
    %dma_wait3A_83 = arith.constant 0 : i32
    %dma_wait3A_84 = tpu.memref_slice %dma_wait3A_81[%dma_wait3A_82, %dma_wait3A_83] : memref<10000x64xf32, #tpu.memory_space<hbm>> -> memref<10000x64xf32, #tpu.memory_space<hbm>>
    tpu.wait_indirect_dma semaphore(%arg22 : memref<!tpu.dma_semaphore, #tpu.memory_space<semaphore_mem>>) src(%dma_wait3A_84 : memref<10000x64xf32, #tpu.memory_space<hbm>>) dst(%arg13 : memref<80x64xf32, #tpu.memory_space<vmem>>)
    %run_scoped3A_85 = arith.constant 247 : i32
    "tpu.region"() ({
      %run_scoped3A_135 = tpu.sem_alloc : memref<!tpu.dma_semaphore, #tpu.memory_space<semaphore_mem>>
      %dma_start3A_136 = arith.constant 0 : i32
      %dma_start3A_137 = tpu.memref_slice %arg11[%run_scoped3A_85, %dma_start3A_136] : memref<250x80xi32, #tpu.memory_space<vmem>> -> memref<1x80xi32, #tpu.memory_space<vmem>>
      %dma_start3A_138 = tpu.memref_squeeze %dma_start3A_137 : memref<1x80xi32, #tpu.memory_space<vmem>> -> memref<80xi32, #tpu.memory_space<vmem>>
      %dma_start3A_139 = arith.constant 0 : i32
      %dma_start3A_140 = arith.constant 0 : i32
      %dma_start3A_141 = tpu.memref_slice %arg19[%dma_start3A_139, %dma_start3A_140] : memref<10112x64xf32, #tpu.memory_space<vmem_shared>> -> memref<10112x64xf32, #tpu.memory_space<vmem_shared>>
      tpu.enqueue_indirect_dma source(%arg13 : memref<80x64xf32, #tpu.memory_space<vmem>>) target(%dma_start3A_141 : memref<10112x64xf32, #tpu.memory_space<vmem_shared>>) offsets(%dma_start3A_138 : memref<80xi32, #tpu.memory_space<vmem>>) semaphore(%run_scoped3A_135 : memref<!tpu.dma_semaphore, #tpu.memory_space<semaphore_mem>>) {add = true}
      %dma_wait3A_142 = arith.constant 0 : i32
      %dma_wait3A_143 = tpu.memref_slice %arg11[%run_scoped3A_85, %dma_wait3A_142] : memref<250x80xi32, #tpu.memory_space<vmem>> -> memref<1x80xi32, #tpu.memory_space<vmem>>
      %dma_wait3A_144 = tpu.memref_squeeze %dma_wait3A_143 : memref<1x80xi32, #tpu.memory_space<vmem>> -> memref<80xi32, #tpu.memory_space<vmem>>
      %dma_wait3A_145 = arith.constant 0 : i32
      %dma_wait3A_146 = arith.constant 0 : i32
      %dma_wait3A_147 = tpu.memref_slice %arg19[%dma_wait3A_145, %dma_wait3A_146] : memref<10112x64xf32, #tpu.memory_space<vmem_shared>> -> memref<10112x64xf32, #tpu.memory_space<vmem_shared>>
      tpu.wait_indirect_dma semaphore(%run_scoped3A_135 : memref<!tpu.dma_semaphore, #tpu.memory_space<semaphore_mem>>) src(%arg13 : memref<80x64xf32, #tpu.memory_space<vmem>>) dst(%dma_wait3A_147 : memref<10112x64xf32, #tpu.memory_space<vmem_shared>>)
      tpu.yield
    }) : () -> ()
    %eq3A_86 = arith.constant 0 : i32
    %eq3A_87 = arith.cmpi eq, %arg0, %eq3A_86 : i32
    %select_n3A_88 = arith.constant true
    %select_n3A_89 = arith.constant false
    %select_n3A_90 = arith.select %eq3A_87, %select_n3A_89, %select_n3A_88 : i1
    %convert_element_type3A_91 = arith.extui %select_n3A_90 : i1 to i32
    %cond3A_92 = arith.constant 0 : i32
    %cond3A_93 = arith.cmpi ne, %convert_element_type3A_91, %cond3A_92 : i32
    scf.if %cond3A_93 {
      %run_scoped3A_135 = arith.constant 247 : i32
      "tpu.region"() ({
        %run_scoped3A_136 = tpu.sem_alloc : memref<!tpu.dma_semaphore, #tpu.memory_space<semaphore_mem>>
        %dma_start3A_137 = arith.constant 0 : i32
        %dma_start3A_138 = tpu.memref_slice %arg11[%run_scoped3A_135, %dma_start3A_137] : memref<250x80xi32, #tpu.memory_space<vmem>> -> memref<1x80xi32, #tpu.memory_space<vmem>>
        %dma_start3A_139 = tpu.memref_squeeze %dma_start3A_138 : memref<1x80xi32, #tpu.memory_space<vmem>> -> memref<80xi32, #tpu.memory_space<vmem>>
        %dma_start3A_140 = arith.constant 0 : i32
        %dma_start3A_141 = arith.constant 0 : i32
        %dma_start3A_142 = tpu.memref_slice %arg20[%dma_start3A_140, %dma_start3A_141] : memref<10112x16xf32, #tpu.memory_space<vmem_shared>> -> memref<10112x16xf32, #tpu.memory_space<vmem_shared>>
        tpu.enqueue_indirect_dma source(%arg18 : memref<80x16xf32, #tpu.memory_space<vmem>>) target(%dma_start3A_142 : memref<10112x16xf32, #tpu.memory_space<vmem_shared>>) offsets(%dma_start3A_139 : memref<80xi32, #tpu.memory_space<vmem>>) semaphore(%run_scoped3A_136 : memref<!tpu.dma_semaphore, #tpu.memory_space<semaphore_mem>>) {add = true}
        %dma_wait3A_143 = arith.constant 0 : i32
        %dma_wait3A_144 = tpu.memref_slice %arg11[%run_scoped3A_135, %dma_wait3A_143] : memref<250x80xi32, #tpu.memory_space<vmem>> -> memref<1x80xi32, #tpu.memory_space<vmem>>
        %dma_wait3A_145 = tpu.memref_squeeze %dma_wait3A_144 : memref<1x80xi32, #tpu.memory_space<vmem>> -> memref<80xi32, #tpu.memory_space<vmem>>
        %dma_wait3A_146 = arith.constant 0 : i32
        %dma_wait3A_147 = arith.constant 0 : i32
        %dma_wait3A_148 = tpu.memref_slice %arg20[%dma_wait3A_146, %dma_wait3A_147] : memref<10112x16xf32, #tpu.memory_space<vmem_shared>> -> memref<10112x16xf32, #tpu.memory_space<vmem_shared>>
        tpu.wait_indirect_dma semaphore(%run_scoped3A_136 : memref<!tpu.dma_semaphore, #tpu.memory_space<semaphore_mem>>) src(%arg18 : memref<80x16xf32, #tpu.memory_space<vmem>>) dst(%dma_wait3A_148 : memref<10112x16xf32, #tpu.memory_space<vmem_shared>>)
        tpu.yield
      }) : () -> ()
    } else {
    }
    %dma_wait3A_94 = arith.constant 248 : i32
    %dma_wait3A_95 = arith.constant 0 : i32
    %dma_wait3A_96 = tpu.memref_slice %arg10[%dma_wait3A_94, %dma_wait3A_95] : memref<250x80xi32, #tpu.memory_space<vmem>> -> memref<1x80xi32, #tpu.memory_space<vmem>>
    %dma_wait3A_97 = tpu.memref_squeeze %dma_wait3A_96 : memref<1x80xi32, #tpu.memory_space<vmem>> -> memref<80xi32, #tpu.memory_space<vmem>>
    %dma_wait3A_98 = arith.constant 0 : i32
    %dma_wait3A_99 = arith.constant 0 : i32
    %dma_wait3A_100 = tpu.memref_slice %arg2[%arg0, %dma_wait3A_98, %dma_wait3A_99] : memref<2x10000x64xf32, #tpu.memory_space<hbm>> -> memref<1x10000x64xf32, #tpu.memory_space<hbm>>
    %dma_wait3A_101 = tpu.memref_squeeze %dma_wait3A_100 : memref<1x10000x64xf32, #tpu.memory_space<hbm>> -> memref<10000x64xf32, #tpu.memory_space<hbm>>
    %dma_wait3A_102 = arith.constant 0 : i32
    %dma_wait3A_103 = arith.constant 0 : i32
    %dma_wait3A_104 = tpu.memref_slice %dma_wait3A_101[%dma_wait3A_102, %dma_wait3A_103] : memref<10000x64xf32, #tpu.memory_space<hbm>> -> memref<10000x64xf32, #tpu.memory_space<hbm>>
    tpu.wait_indirect_dma semaphore(%arg23 : memref<!tpu.dma_semaphore, #tpu.memory_space<semaphore_mem>>) src(%dma_wait3A_104 : memref<10000x64xf32, #tpu.memory_space<hbm>>) dst(%arg14 : memref<80x64xf32, #tpu.memory_space<vmem>>)
    %run_scoped3A_105 = arith.constant 248 : i32
    "tpu.region"() ({
      %run_scoped3A_135 = tpu.sem_alloc : memref<!tpu.dma_semaphore, #tpu.memory_space<semaphore_mem>>
      %dma_start3A_136 = arith.constant 0 : i32
      %dma_start3A_137 = tpu.memref_slice %arg11[%run_scoped3A_105, %dma_start3A_136] : memref<250x80xi32, #tpu.memory_space<vmem>> -> memref<1x80xi32, #tpu.memory_space<vmem>>
      %dma_start3A_138 = tpu.memref_squeeze %dma_start3A_137 : memref<1x80xi32, #tpu.memory_space<vmem>> -> memref<80xi32, #tpu.memory_space<vmem>>
      %dma_start3A_139 = arith.constant 0 : i32
      %dma_start3A_140 = arith.constant 0 : i32
      %dma_start3A_141 = tpu.memref_slice %arg19[%dma_start3A_139, %dma_start3A_140] : memref<10112x64xf32, #tpu.memory_space<vmem_shared>> -> memref<10112x64xf32, #tpu.memory_space<vmem_shared>>
      tpu.enqueue_indirect_dma source(%arg14 : memref<80x64xf32, #tpu.memory_space<vmem>>) target(%dma_start3A_141 : memref<10112x64xf32, #tpu.memory_space<vmem_shared>>) offsets(%dma_start3A_138 : memref<80xi32, #tpu.memory_space<vmem>>) semaphore(%run_scoped3A_135 : memref<!tpu.dma_semaphore, #tpu.memory_space<semaphore_mem>>) {add = true}
      %dma_wait3A_142 = arith.constant 0 : i32
      %dma_wait3A_143 = tpu.memref_slice %arg11[%run_scoped3A_105, %dma_wait3A_142] : memref<250x80xi32, #tpu.memory_space<vmem>> -> memref<1x80xi32, #tpu.memory_space<vmem>>
      %dma_wait3A_144 = tpu.memref_squeeze %dma_wait3A_143 : memref<1x80xi32, #tpu.memory_space<vmem>> -> memref<80xi32, #tpu.memory_space<vmem>>
      %dma_wait3A_145 = arith.constant 0 : i32
      %dma_wait3A_146 = arith.constant 0 : i32
      %dma_wait3A_147 = tpu.memref_slice %arg19[%dma_wait3A_145, %dma_wait3A_146] : memref<10112x64xf32, #tpu.memory_space<vmem_shared>> -> memref<10112x64xf32, #tpu.memory_space<vmem_shared>>
      tpu.wait_indirect_dma semaphore(%run_scoped3A_135 : memref<!tpu.dma_semaphore, #tpu.memory_space<semaphore_mem>>) src(%arg14 : memref<80x64xf32, #tpu.memory_space<vmem>>) dst(%dma_wait3A_147 : memref<10112x64xf32, #tpu.memory_space<vmem_shared>>)
      tpu.yield
    }) : () -> ()
    %eq3A_106 = arith.constant 0 : i32
    %eq3A_107 = arith.cmpi eq, %arg0, %eq3A_106 : i32
    %select_n3A_108 = arith.constant true
    %select_n3A_109 = arith.constant false
    %select_n3A_110 = arith.select %eq3A_107, %select_n3A_109, %select_n3A_108 : i1
    %convert_element_type3A_111 = arith.extui %select_n3A_110 : i1 to i32
    %cond3A_112 = arith.constant 0 : i32
    %cond3A_113 = arith.cmpi ne, %convert_element_type3A_111, %cond3A_112 : i32
    scf.if %cond3A_113 {
      %run_scoped3A_135 = arith.constant 248 : i32
      "tpu.region"() ({
        %run_scoped3A_136 = tpu.sem_alloc : memref<!tpu.dma_semaphore, #tpu.memory_space<semaphore_mem>>
        %dma_start3A_137 = arith.constant 0 : i32
        %dma_start3A_138 = tpu.memref_slice %arg11[%run_scoped3A_135, %dma_start3A_137] : memref<250x80xi32, #tpu.memory_space<vmem>> -> memref<1x80xi32, #tpu.memory_space<vmem>>
        %dma_start3A_139 = tpu.memref_squeeze %dma_start3A_138 : memref<1x80xi32, #tpu.memory_space<vmem>> -> memref<80xi32, #tpu.memory_space<vmem>>
        %dma_start3A_140 = arith.constant 0 : i32
        %dma_start3A_141 = arith.constant 0 : i32
        %dma_start3A_142 = tpu.memref_slice %arg20[%dma_start3A_140, %dma_start3A_141] : memref<10112x16xf32, #tpu.memory_space<vmem_shared>> -> memref<10112x16xf32, #tpu.memory_space<vmem_shared>>
        tpu.enqueue_indirect_dma source(%arg18 : memref<80x16xf32, #tpu.memory_space<vmem>>) target(%dma_start3A_142 : memref<10112x16xf32, #tpu.memory_space<vmem_shared>>) offsets(%dma_start3A_139 : memref<80xi32, #tpu.memory_space<vmem>>) semaphore(%run_scoped3A_136 : memref<!tpu.dma_semaphore, #tpu.memory_space<semaphore_mem>>) {add = true}
        %dma_wait3A_143 = arith.constant 0 : i32
        %dma_wait3A_144 = tpu.memref_slice %arg11[%run_scoped3A_135, %dma_wait3A_143] : memref<250x80xi32, #tpu.memory_space<vmem>> -> memref<1x80xi32, #tpu.memory_space<vmem>>
        %dma_wait3A_145 = tpu.memref_squeeze %dma_wait3A_144 : memref<1x80xi32, #tpu.memory_space<vmem>> -> memref<80xi32, #tpu.memory_space<vmem>>
        %dma_wait3A_146 = arith.constant 0 : i32
        %dma_wait3A_147 = arith.constant 0 : i32
        %dma_wait3A_148 = tpu.memref_slice %arg20[%dma_wait3A_146, %dma_wait3A_147] : memref<10112x16xf32, #tpu.memory_space<vmem_shared>> -> memref<10112x16xf32, #tpu.memory_space<vmem_shared>>
        tpu.wait_indirect_dma semaphore(%run_scoped3A_136 : memref<!tpu.dma_semaphore, #tpu.memory_space<semaphore_mem>>) src(%arg18 : memref<80x16xf32, #tpu.memory_space<vmem>>) dst(%dma_wait3A_148 : memref<10112x16xf32, #tpu.memory_space<vmem_shared>>)
        tpu.yield
      }) : () -> ()
    } else {
    }
    %dma_wait3A_114 = arith.constant 249 : i32
    %dma_wait3A_115 = arith.constant 0 : i32
    %dma_wait3A_116 = tpu.memref_slice %arg10[%dma_wait3A_114, %dma_wait3A_115] : memref<250x80xi32, #tpu.memory_space<vmem>> -> memref<1x80xi32, #tpu.memory_space<vmem>>
    %dma_wait3A_117 = tpu.memref_squeeze %dma_wait3A_116 : memref<1x80xi32, #tpu.memory_space<vmem>> -> memref<80xi32, #tpu.memory_space<vmem>>
    %dma_wait3A_118 = arith.constant 0 : i32
    %dma_wait3A_119 = arith.constant 0 : i32
    %dma_wait3A_120 = tpu.memref_slice %arg2[%arg0, %dma_wait3A_118, %dma_wait3A_119] : memref<2x10000x64xf32, #tpu.memory_space<hbm>> -> memref<1x10000x64xf32, #tpu.memory_space<hbm>>
    %dma_wait3A_121 = tpu.memref_squeeze %dma_wait3A_120 : memref<1x10000x64xf32, #tpu.memory_space<hbm>> -> memref<10000x64xf32, #tpu.memory_space<hbm>>
    %dma_wait3A_122 = arith.constant 0 : i32
    %dma_wait3A_123 = arith.constant 0 : i32
    %dma_wait3A_124 = tpu.memref_slice %dma_wait3A_121[%dma_wait3A_122, %dma_wait3A_123] : memref<10000x64xf32, #tpu.memory_space<hbm>> -> memref<10000x64xf32, #tpu.memory_space<hbm>>
    tpu.wait_indirect_dma semaphore(%arg24 : memref<!tpu.dma_semaphore, #tpu.memory_space<semaphore_mem>>) src(%dma_wait3A_124 : memref<10000x64xf32, #tpu.memory_space<hbm>>) dst(%arg15 : memref<80x64xf32, #tpu.memory_space<vmem>>)
    %run_scoped3A_125 = arith.constant 249 : i32
    "tpu.region"() ({
      %run_scoped3A_135 = tpu.sem_alloc : memref<!tpu.dma_semaphore, #tpu.memory_space<semaphore_mem>>
      %dma_start3A_136 = arith.constant 0 : i32
      %dma_start3A_137 = tpu.memref_slice %arg11[%run_scoped3A_125, %dma_start3A_136] : memref<250x80xi32, #tpu.memory_space<vmem>> -> memref<1x80xi32, #tpu.memory_space<vmem>>
      %dma_start3A_138 = tpu.memref_squeeze %dma_start3A_137 : memref<1x80xi32, #tpu.memory_space<vmem>> -> memref<80xi32, #tpu.memory_space<vmem>>
      %dma_start3A_139 = arith.constant 0 : i32
      %dma_start3A_140 = arith.constant 0 : i32
      %dma_start3A_141 = tpu.memref_slice %arg19[%dma_start3A_139, %dma_start3A_140] : memref<10112x64xf32, #tpu.memory_space<vmem_shared>> -> memref<10112x64xf32, #tpu.memory_space<vmem_shared>>
      tpu.enqueue_indirect_dma source(%arg15 : memref<80x64xf32, #tpu.memory_space<vmem>>) target(%dma_start3A_141 : memref<10112x64xf32, #tpu.memory_space<vmem_shared>>) offsets(%dma_start3A_138 : memref<80xi32, #tpu.memory_space<vmem>>) semaphore(%run_scoped3A_135 : memref<!tpu.dma_semaphore, #tpu.memory_space<semaphore_mem>>) {add = true}
      %dma_wait3A_142 = arith.constant 0 : i32
      %dma_wait3A_143 = tpu.memref_slice %arg11[%run_scoped3A_125, %dma_wait3A_142] : memref<250x80xi32, #tpu.memory_space<vmem>> -> memref<1x80xi32, #tpu.memory_space<vmem>>
      %dma_wait3A_144 = tpu.memref_squeeze %dma_wait3A_143 : memref<1x80xi32, #tpu.memory_space<vmem>> -> memref<80xi32, #tpu.memory_space<vmem>>
      %dma_wait3A_145 = arith.constant 0 : i32
      %dma_wait3A_146 = arith.constant 0 : i32
      %dma_wait3A_147 = tpu.memref_slice %arg19[%dma_wait3A_145, %dma_wait3A_146] : memref<10112x64xf32, #tpu.memory_space<vmem_shared>> -> memref<10112x64xf32, #tpu.memory_space<vmem_shared>>
      tpu.wait_indirect_dma semaphore(%run_scoped3A_135 : memref<!tpu.dma_semaphore, #tpu.memory_space<semaphore_mem>>) src(%arg15 : memref<80x64xf32, #tpu.memory_space<vmem>>) dst(%dma_wait3A_147 : memref<10112x64xf32, #tpu.memory_space<vmem_shared>>)
      tpu.yield
    }) : () -> ()
    %eq3A_126 = arith.constant 0 : i32
    %eq3A_127 = arith.cmpi eq, %arg0, %eq3A_126 : i32
    %select_n3A_128 = arith.constant true
    %select_n3A_129 = arith.constant false
    %select_n3A_130 = arith.select %eq3A_127, %select_n3A_129, %select_n3A_128 : i1
    %convert_element_type3A_131 = arith.extui %select_n3A_130 : i1 to i32
    %cond3A_132 = arith.constant 0 : i32
    %cond3A_133 = arith.cmpi ne, %convert_element_type3A_131, %cond3A_132 : i32
    scf.if %cond3A_133 {
      %run_scoped3A_135 = arith.constant 249 : i32
      "tpu.region"() ({
        %run_scoped3A_136 = tpu.sem_alloc : memref<!tpu.dma_semaphore, #tpu.memory_space<semaphore_mem>>
        %dma_start3A_137 = arith.constant 0 : i32
        %dma_start3A_138 = tpu.memref_slice %arg11[%run_scoped3A_135, %dma_start3A_137] : memref<250x80xi32, #tpu.memory_space<vmem>> -> memref<1x80xi32, #tpu.memory_space<vmem>>
        %dma_start3A_139 = tpu.memref_squeeze %dma_start3A_138 : memref<1x80xi32, #tpu.memory_space<vmem>> -> memref<80xi32, #tpu.memory_space<vmem>>
        %dma_start3A_140 = arith.constant 0 : i32
        %dma_start3A_141 = arith.constant 0 : i32
        %dma_start3A_142 = tpu.memref_slice %arg20[%dma_start3A_140, %dma_start3A_141] : memref<10112x16xf32, #tpu.memory_space<vmem_shared>> -> memref<10112x16xf32, #tpu.memory_space<vmem_shared>>
        tpu.enqueue_indirect_dma source(%arg18 : memref<80x16xf32, #tpu.memory_space<vmem>>) target(%dma_start3A_142 : memref<10112x16xf32, #tpu.memory_space<vmem_shared>>) offsets(%dma_start3A_139 : memref<80xi32, #tpu.memory_space<vmem>>) semaphore(%run_scoped3A_136 : memref<!tpu.dma_semaphore, #tpu.memory_space<semaphore_mem>>) {add = true}
        %dma_wait3A_143 = arith.constant 0 : i32
        %dma_wait3A_144 = tpu.memref_slice %arg11[%run_scoped3A_135, %dma_wait3A_143] : memref<250x80xi32, #tpu.memory_space<vmem>> -> memref<1x80xi32, #tpu.memory_space<vmem>>
        %dma_wait3A_145 = tpu.memref_squeeze %dma_wait3A_144 : memref<1x80xi32, #tpu.memory_space<vmem>> -> memref<80xi32, #tpu.memory_space<vmem>>
        %dma_wait3A_146 = arith.constant 0 : i32
        %dma_wait3A_147 = arith.constant 0 : i32
        %dma_wait3A_148 = tpu.memref_slice %arg20[%dma_wait3A_146, %dma_wait3A_147] : memref<10112x16xf32, #tpu.memory_space<vmem_shared>> -> memref<10112x16xf32, #tpu.memory_space<vmem_shared>>
        tpu.wait_indirect_dma semaphore(%run_scoped3A_136 : memref<!tpu.dma_semaphore, #tpu.memory_space<semaphore_mem>>) src(%arg18 : memref<80x16xf32, #tpu.memory_space<vmem>>) dst(%dma_wait3A_148 : memref<10112x16xf32, #tpu.memory_space<vmem_shared>>)
        tpu.yield
      }) : () -> ()
    } else {
    }
    %barrier3A_134 = arith.constant 0 : index
    tpu.barrier barrier_id(%barrier3A_134)
    "tpu.region"() ({
      %run_scoped3A_135 = tpu.sem_alloc : memref<!tpu.dma_semaphore, #tpu.memory_space<semaphore_mem>>
      %dma_start3A_136 = arith.constant 0 : i32
      %dma_start3A_137 = arith.constant 0 : i32
      %dma_start3A_138 = tpu.memref_slice %arg8[%arg0, %dma_start3A_136, %dma_start3A_137] : memref<2x10112x64xf32, #tpu.memory_space<hbm>> -> memref<1x10112x64xf32, #tpu.memory_space<hbm>>
      %dma_start3A_139 = tpu.memref_squeeze %dma_start3A_138 : memref<1x10112x64xf32, #tpu.memory_space<hbm>> -> memref<10112x64xf32, #tpu.memory_space<hbm>>
      %dma_start3A_140 = arith.constant 0 : i32
      %dma_start3A_141 = tpu.memref_slice %dma_start3A_139[%mul3A_0, %dma_start3A_140] : memref<10112x64xf32, #tpu.memory_space<hbm>> -> memref<632x64xf32, #tpu.memory_space<hbm>>
      %dma_start3A_142 = arith.constant 0 : i32
      %dma_start3A_143 = tpu.memref_slice %arg19[%mul3A_0, %dma_start3A_142] : memref<10112x64xf32, #tpu.memory_space<vmem_shared>> -> memref<632x64xf32, #tpu.memory_space<vmem_shared>>
      tpu.enqueue_dma source(%dma_start3A_143 : memref<632x64xf32, #tpu.memory_space<vmem_shared>>) target(%dma_start3A_141 : memref<632x64xf32, #tpu.memory_space<hbm>>) target_semaphore(%run_scoped3A_135 : memref<!tpu.dma_semaphore, #tpu.memory_space<semaphore_mem>>)
      %dma_wait3A_144 = arith.constant 0 : i32
      %dma_wait3A_145 = arith.constant 0 : i32
      %dma_wait3A_146 = tpu.memref_slice %arg8[%arg0, %dma_wait3A_144, %dma_wait3A_145] : memref<2x10112x64xf32, #tpu.memory_space<hbm>> -> memref<1x10112x64xf32, #tpu.memory_space<hbm>>
      %dma_wait3A_147 = tpu.memref_squeeze %dma_wait3A_146 : memref<1x10112x64xf32, #tpu.memory_space<hbm>> -> memref<10112x64xf32, #tpu.memory_space<hbm>>
      %dma_wait3A_148 = arith.constant 0 : i32
      %dma_wait3A_149 = tpu.memref_slice %dma_wait3A_147[%mul3A_0, %dma_wait3A_148] : memref<10112x64xf32, #tpu.memory_space<hbm>> -> memref<632x64xf32, #tpu.memory_space<hbm>>
      %dma_wait3A_150 = arith.constant 0 : i32
      %dma_wait3A_151 = tpu.memref_slice %arg19[%mul3A_0, %dma_wait3A_150] : memref<10112x64xf32, #tpu.memory_space<vmem_shared>> -> memref<632x64xf32, #tpu.memory_space<vmem_shared>>
      tpu.wait_dma2 semaphore(%run_scoped3A_135 : memref<!tpu.dma_semaphore, #tpu.memory_space<semaphore_mem>>) src(%dma_wait3A_151 : memref<632x64xf32, #tpu.memory_space<vmem_shared>>) dst(%dma_wait3A_149 : memref<632x64xf32, #tpu.memory_space<hbm>>)
      tpu.yield
    }) : () -> ()
    "tpu.region"() ({
      %run_scoped3A_135 = tpu.sem_alloc : memref<!tpu.dma_semaphore, #tpu.memory_space<semaphore_mem>>
      %dma_start3A_136 = arith.constant 0 : i32
      %dma_start3A_137 = arith.constant 0 : i32
      %dma_start3A_138 = tpu.memref_slice %arg9[%arg0, %dma_start3A_136, %dma_start3A_137] : memref<2x10112x16xf32, #tpu.memory_space<hbm>> -> memref<1x10112x16xf32, #tpu.memory_space<hbm>>
      %dma_start3A_139 = tpu.memref_squeeze %dma_start3A_138 : memref<1x10112x16xf32, #tpu.memory_space<hbm>> -> memref<10112x16xf32, #tpu.memory_space<hbm>>
      %dma_start3A_140 = arith.constant 0 : i32
      %dma_start3A_141 = tpu.memref_slice %dma_start3A_139[%mul3A_0, %dma_start3A_140] : memref<10112x16xf32, #tpu.memory_space<hbm>> -> memref<632x16xf32, #tpu.memory_space<hbm>>
      %dma_start3A_142 = arith.constant 0 : i32
      %dma_start3A_143 = tpu.memref_slice %arg20[%mul3A_0, %dma_start3A_142] : memref<10112x16xf32, #tpu.memory_space<vmem_shared>> -> memref<632x16xf32, #tpu.memory_space<vmem_shared>>
      tpu.enqueue_dma source(%dma_start3A_143 : memref<632x16xf32, #tpu.memory_space<vmem_shared>>) target(%dma_start3A_141 : memref<632x16xf32, #tpu.memory_space<hbm>>) target_semaphore(%run_scoped3A_135 : memref<!tpu.dma_semaphore, #tpu.memory_space<semaphore_mem>>)
      %dma_wait3A_144 = arith.constant 0 : i32
      %dma_wait3A_145 = arith.constant 0 : i32
      %dma_wait3A_146 = tpu.memref_slice %arg9[%arg0, %dma_wait3A_144, %dma_wait3A_145] : memref<2x10112x16xf32, #tpu.memory_space<hbm>> -> memref<1x10112x16xf32, #tpu.memory_space<hbm>>
      %dma_wait3A_147 = tpu.memref_squeeze %dma_wait3A_146 : memref<1x10112x16xf32, #tpu.memory_space<hbm>> -> memref<10112x16xf32, #tpu.memory_space<hbm>>
      %dma_wait3A_148 = arith.constant 0 : i32
      %dma_wait3A_149 = tpu.memref_slice %dma_wait3A_147[%mul3A_0, %dma_wait3A_148] : memref<10112x16xf32, #tpu.memory_space<hbm>> -> memref<632x16xf32, #tpu.memory_space<hbm>>
      %dma_wait3A_150 = arith.constant 0 : i32
      %dma_wait3A_151 = tpu.memref_slice %arg20[%mul3A_0, %dma_wait3A_150] : memref<10112x16xf32, #tpu.memory_space<vmem_shared>> -> memref<632x16xf32, #tpu.memory_space<vmem_shared>>
      tpu.wait_dma2 semaphore(%run_scoped3A_135 : memref<!tpu.dma_semaphore, #tpu.memory_space<semaphore_mem>>) src(%dma_wait3A_151 : memref<632x16xf32, #tpu.memory_space<vmem_shared>>) dst(%dma_wait3A_149 : memref<632x16xf32, #tpu.memory_space<hbm>>)
      tpu.yield
    }) : () -> ()
    return
  }
}

#map = affine_map<(d0, d1) -> (0, 0, 0)>
#map1 = affine_map<(d0, d1) -> (0, 0)>
module attributes {stable_mosaic.version = 14 : i64} {
  func.func @_sc_body(%arg0: i32, %arg1: i32, %arg2: memref<2x10000x64xf32, #tpu.memory_space<hbm>>, %arg3: memref<16x250x80xi32, #tpu.memory_space<hbm>>, %arg4: memref<16x250x80xi32, #tpu.memory_space<hbm>>, %arg5: memref<632x64xf32, #tpu.memory_space<hbm>>, %arg6: memref<2x10112x64xf32, #tpu.memory_space<hbm>>, %arg7: memref<250x80xi32, #tpu.memory_space<vmem>>, %arg8: memref<250x80xi32, #tpu.memory_space<vmem>>, %arg9: memref<80x64xf32, #tpu.memory_space<vmem>>, %arg10: memref<80x64xf32, #tpu.memory_space<vmem>>, %arg11: memref<80x64xf32, #tpu.memory_space<vmem>>, %arg12: memref<80x64xf32, #tpu.memory_space<vmem>>, %arg13: memref<80x64xf32, #tpu.memory_space<vmem>>, %arg14: memref<80x64xf32, #tpu.memory_space<vmem>>, %arg15: memref<80x64xf32, #tpu.memory_space<vmem>>, %arg16: memref<80x64xf32, #tpu.memory_space<vmem>>, %arg17: memref<10112x64xf32, #tpu.memory_space<vmem_shared>>, %arg18: memref<!tpu.dma_semaphore, #tpu.memory_space<semaphore_mem>>, %arg19: memref<!tpu.dma_semaphore, #tpu.memory_space<semaphore_mem>>, %arg20: memref<!tpu.dma_semaphore, #tpu.memory_space<semaphore_mem>>, %arg21: memref<!tpu.dma_semaphore, #tpu.memory_space<semaphore_mem>>, %arg22: memref<!tpu.dma_semaphore, #tpu.memory_space<semaphore_mem>>, %arg23: memref<!tpu.dma_semaphore, #tpu.memory_space<semaphore_mem>>, %arg24: memref<!tpu.dma_semaphore, #tpu.memory_space<semaphore_mem>>, %arg25: memref<!tpu.dma_semaphore, #tpu.memory_space<semaphore_mem>>) attributes {dimension_semantics = [#tpu.dimension_semantics<core_parallel>, #tpu.dimension_semantics<subcore_parallel>], iteration_bounds = array<i64: 2, 16>, scalar_prefetch = 0 : i64, scratch_operands = 19 : i64, tpu.core_type = #tpu.core_type<sc_vector_subcore>, window_params = [{transform_indices = #map}, {transform_indices = #map}, {transform_indices = #map}, {transform_indices = #map1}, {transform_indices = #map}]} {
    %mul3A = arith.constant 632 : i32
    %mul3A_0 = arith.muli %arg1, %mul3A : i32
    "tpu.region"() ({
      %run_scoped3A_105 = tpu.sem_alloc : memref<!tpu.dma_semaphore, #tpu.memory_space<semaphore_mem>>
      %dma_start3A_106 = arith.constant 0 : i32
      %dma_start3A_107 = arith.constant 0 : i32
      %dma_start3A_108 = tpu.memref_slice %arg3[%arg1, %dma_start3A_106, %dma_start3A_107] : memref<16x250x80xi32, #tpu.memory_space<hbm>> -> memref<1x250x80xi32, #tpu.memory_space<hbm>>
      %dma_start3A_109 = tpu.memref_squeeze %dma_start3A_108 : memref<1x250x80xi32, #tpu.memory_space<hbm>> -> memref<250x80xi32, #tpu.memory_space<hbm>>
      %dma_start3A_110 = arith.constant 0 : i32
      %dma_start3A_111 = arith.constant 0 : i32
      %dma_start3A_112 = tpu.memref_slice %arg3[%arg1, %dma_start3A_110, %dma_start3A_111] : memref<16x250x80xi32, #tpu.memory_space<hbm>> -> memref<1x250x80xi32, #tpu.memory_space<hbm>>
      %dma_start3A_113 = tpu.memref_squeeze %dma_start3A_112 : memref<1x250x80xi32, #tpu.memory_space<hbm>> -> memref<250x80xi32, #tpu.memory_space<hbm>>
      tpu.enqueue_dma source(%dma_start3A_113 : memref<250x80xi32, #tpu.memory_space<hbm>>) target(%arg7 : memref<250x80xi32, #tpu.memory_space<vmem>>) target_semaphore(%run_scoped3A_105 : memref<!tpu.dma_semaphore, #tpu.memory_space<semaphore_mem>>)
      %dma_wait3A_114 = arith.constant 0 : i32
      %dma_wait3A_115 = arith.constant 0 : i32
      %dma_wait3A_116 = tpu.memref_slice %arg3[%arg1, %dma_wait3A_114, %dma_wait3A_115] : memref<16x250x80xi32, #tpu.memory_space<hbm>> -> memref<1x250x80xi32, #tpu.memory_space<hbm>>
      %dma_wait3A_117 = tpu.memref_squeeze %dma_wait3A_116 : memref<1x250x80xi32, #tpu.memory_space<hbm>> -> memref<250x80xi32, #tpu.memory_space<hbm>>
      %dma_wait3A_118 = arith.constant 0 : i32
      %dma_wait3A_119 = arith.constant 0 : i32
      %dma_wait3A_120 = tpu.memref_slice %arg3[%arg1, %dma_wait3A_118, %dma_wait3A_119] : memref<16x250x80xi32, #tpu.memory_space<hbm>> -> memref<1x250x80xi32, #tpu.memory_space<hbm>>
      %dma_wait3A_121 = tpu.memref_squeeze %dma_wait3A_120 : memref<1x250x80xi32, #tpu.memory_space<hbm>> -> memref<250x80xi32, #tpu.memory_space<hbm>>
      tpu.wait_dma2 semaphore(%run_scoped3A_105 : memref<!tpu.dma_semaphore, #tpu.memory_space<semaphore_mem>>) src(%dma_wait3A_121 : memref<250x80xi32, #tpu.memory_space<hbm>>) dst(%arg7 : memref<250x80xi32, #tpu.memory_space<vmem>>)
      tpu.yield
    }) : () -> ()
    "tpu.region"() ({
      %run_scoped3A_105 = tpu.sem_alloc : memref<!tpu.dma_semaphore, #tpu.memory_space<semaphore_mem>>
      %dma_start3A_106 = arith.constant 0 : i32
      %dma_start3A_107 = arith.constant 0 : i32
      %dma_start3A_108 = tpu.memref_slice %arg4[%arg1, %dma_start3A_106, %dma_start3A_107] : memref<16x250x80xi32, #tpu.memory_space<hbm>> -> memref<1x250x80xi32, #tpu.memory_space<hbm>>
      %dma_start3A_109 = tpu.memref_squeeze %dma_start3A_108 : memref<1x250x80xi32, #tpu.memory_space<hbm>> -> memref<250x80xi32, #tpu.memory_space<hbm>>
      %dma_start3A_110 = arith.constant 0 : i32
      %dma_start3A_111 = arith.constant 0 : i32
      %dma_start3A_112 = tpu.memref_slice %arg4[%arg1, %dma_start3A_110, %dma_start3A_111] : memref<16x250x80xi32, #tpu.memory_space<hbm>> -> memref<1x250x80xi32, #tpu.memory_space<hbm>>
      %dma_start3A_113 = tpu.memref_squeeze %dma_start3A_112 : memref<1x250x80xi32, #tpu.memory_space<hbm>> -> memref<250x80xi32, #tpu.memory_space<hbm>>
      tpu.enqueue_dma source(%dma_start3A_113 : memref<250x80xi32, #tpu.memory_space<hbm>>) target(%arg8 : memref<250x80xi32, #tpu.memory_space<vmem>>) target_semaphore(%run_scoped3A_105 : memref<!tpu.dma_semaphore, #tpu.memory_space<semaphore_mem>>)
      %dma_wait3A_114 = arith.constant 0 : i32
      %dma_wait3A_115 = arith.constant 0 : i32
      %dma_wait3A_116 = tpu.memref_slice %arg4[%arg1, %dma_wait3A_114, %dma_wait3A_115] : memref<16x250x80xi32, #tpu.memory_space<hbm>> -> memref<1x250x80xi32, #tpu.memory_space<hbm>>
      %dma_wait3A_117 = tpu.memref_squeeze %dma_wait3A_116 : memref<1x250x80xi32, #tpu.memory_space<hbm>> -> memref<250x80xi32, #tpu.memory_space<hbm>>
      %dma_wait3A_118 = arith.constant 0 : i32
      %dma_wait3A_119 = arith.constant 0 : i32
      %dma_wait3A_120 = tpu.memref_slice %arg4[%arg1, %dma_wait3A_118, %dma_wait3A_119] : memref<16x250x80xi32, #tpu.memory_space<hbm>> -> memref<1x250x80xi32, #tpu.memory_space<hbm>>
      %dma_wait3A_121 = tpu.memref_squeeze %dma_wait3A_120 : memref<1x250x80xi32, #tpu.memory_space<hbm>> -> memref<250x80xi32, #tpu.memory_space<hbm>>
      tpu.wait_dma2 semaphore(%run_scoped3A_105 : memref<!tpu.dma_semaphore, #tpu.memory_space<semaphore_mem>>) src(%dma_wait3A_121 : memref<250x80xi32, #tpu.memory_space<hbm>>) dst(%arg8 : memref<250x80xi32, #tpu.memory_space<vmem>>)
      tpu.yield
    }) : () -> ()
    "tpu.region"() ({
      %run_scoped3A_105 = tpu.sem_alloc : memref<!tpu.dma_semaphore, #tpu.memory_space<semaphore_mem>>
      %dma_start3A_106 = arith.constant 0 : i32
      %dma_start3A_107 = tpu.memref_slice %arg17[%mul3A_0, %dma_start3A_106] : memref<10112x64xf32, #tpu.memory_space<vmem_shared>> -> memref<632x64xf32, #tpu.memory_space<vmem_shared>>
      tpu.enqueue_dma source(%arg5 : memref<632x64xf32, #tpu.memory_space<hbm>>) target(%dma_start3A_107 : memref<632x64xf32, #tpu.memory_space<vmem_shared>>) target_semaphore(%run_scoped3A_105 : memref<!tpu.dma_semaphore, #tpu.memory_space<semaphore_mem>>)
      %dma_wait3A_108 = arith.constant 0 : i32
      %dma_wait3A_109 = tpu.memref_slice %arg17[%mul3A_0, %dma_wait3A_108] : memref<10112x64xf32, #tpu.memory_space<vmem_shared>> -> memref<632x64xf32, #tpu.memory_space<vmem_shared>>
      tpu.wait_dma2 semaphore(%run_scoped3A_105 : memref<!tpu.dma_semaphore, #tpu.memory_space<semaphore_mem>>) src(%arg5 : memref<632x64xf32, #tpu.memory_space<hbm>>) dst(%dma_wait3A_109 : memref<632x64xf32, #tpu.memory_space<vmem_shared>>)
      tpu.yield
    }) : () -> ()
    %barrier3A = arith.constant 0 : index
    tpu.barrier barrier_id(%barrier3A)
    %dma_start3A = arith.constant 0 : i32
    %dma_start3A_1 = arith.constant 0 : i32
    %dma_start3A_2 = tpu.memref_slice %arg7[%dma_start3A, %dma_start3A_1] : memref<250x80xi32, #tpu.memory_space<vmem>> -> memref<1x80xi32, #tpu.memory_space<vmem>>
    %dma_start3A_3 = tpu.memref_squeeze %dma_start3A_2 : memref<1x80xi32, #tpu.memory_space<vmem>> -> memref<80xi32, #tpu.memory_space<vmem>>
    %dma_start3A_4 = arith.constant 0 : i32
    %dma_start3A_5 = arith.constant 0 : i32
    %dma_start3A_6 = tpu.memref_slice %arg2[%arg0, %dma_start3A_4, %dma_start3A_5] : memref<2x10000x64xf32, #tpu.memory_space<hbm>> -> memref<1x10000x64xf32, #tpu.memory_space<hbm>>
    %dma_start3A_7 = tpu.memref_squeeze %dma_start3A_6 : memref<1x10000x64xf32, #tpu.memory_space<hbm>> -> memref<10000x64xf32, #tpu.memory_space<hbm>>
    %dma_start3A_8 = arith.constant 0 : i32
    %dma_start3A_9 = arith.constant 0 : i32
    %dma_start3A_10 = tpu.memref_slice %dma_start3A_7[%dma_start3A_8, %dma_start3A_9] : memref<10000x64xf32, #tpu.memory_space<hbm>> -> memref<10000x64xf32, #tpu.memory_space<hbm>>
    tpu.enqueue_indirect_dma source(%dma_start3A_10 : memref<10000x64xf32, #tpu.memory_space<hbm>>) target(%arg9 : memref<80x64xf32, #tpu.memory_space<vmem>>) offsets(%dma_start3A_3 : memref<80xi32, #tpu.memory_space<vmem>>) semaphore(%arg18 : memref<!tpu.dma_semaphore, #tpu.memory_space<semaphore_mem>>)
    %dma_start3A_11 = arith.constant 1 : i32
    %dma_start3A_12 = arith.constant 0 : i32
    %dma_start3A_13 = tpu.memref_slice %arg7[%dma_start3A_11, %dma_start3A_12] : memref<250x80xi32, #tpu.memory_space<vmem>> -> memref<1x80xi32, #tpu.memory_space<vmem>>
    %dma_start3A_14 = tpu.memref_squeeze %dma_start3A_13 : memref<1x80xi32, #tpu.memory_space<vmem>> -> memref<80xi32, #tpu.memory_space<vmem>>
    %dma_start3A_15 = arith.constant 0 : i32
    %dma_start3A_16 = arith.constant 0 : i32
    %dma_start3A_17 = tpu.memref_slice %arg2[%arg0, %dma_start3A_15, %dma_start3A_16] : memref<2x10000x64xf32, #tpu.memory_space<hbm>> -> memref<1x10000x64xf32, #tpu.memory_space<hbm>>
    %dma_start3A_18 = tpu.memref_squeeze %dma_start3A_17 : memref<1x10000x64xf32, #tpu.memory_space<hbm>> -> memref<10000x64xf32, #tpu.memory_space<hbm>>
    %dma_start3A_19 = arith.constant 0 : i32
    %dma_start3A_20 = arith.constant 0 : i32
    %dma_start3A_21 = tpu.memref_slice %dma_start3A_18[%dma_start3A_19, %dma_start3A_20] : memref<10000x64xf32, #tpu.memory_space<hbm>> -> memref<10000x64xf32, #tpu.memory_space<hbm>>
    tpu.enqueue_indirect_dma source(%dma_start3A_21 : memref<10000x64xf32, #tpu.memory_space<hbm>>) target(%arg10 : memref<80x64xf32, #tpu.memory_space<vmem>>) offsets(%dma_start3A_14 : memref<80xi32, #tpu.memory_space<vmem>>) semaphore(%arg19 : memref<!tpu.dma_semaphore, #tpu.memory_space<semaphore_mem>>)
    %dma_start3A_22 = arith.constant 2 : i32
    %dma_start3A_23 = arith.constant 0 : i32
    %dma_start3A_24 = tpu.memref_slice %arg7[%dma_start3A_22, %dma_start3A_23] : memref<250x80xi32, #tpu.memory_space<vmem>> -> memref<1x80xi32, #tpu.memory_space<vmem>>
    %dma_start3A_25 = tpu.memref_squeeze %dma_start3A_24 : memref<1x80xi32, #tpu.memory_space<vmem>> -> memref<80xi32, #tpu.memory_space<vmem>>
    %dma_start3A_26 = arith.constant 0 : i32
    %dma_start3A_27 = arith.constant 0 : i32
    %dma_start3A_28 = tpu.memref_slice %arg2[%arg0, %dma_start3A_26, %dma_start3A_27] : memref<2x10000x64xf32, #tpu.memory_space<hbm>> -> memref<1x10000x64xf32, #tpu.memory_space<hbm>>
    %dma_start3A_29 = tpu.memref_squeeze %dma_start3A_28 : memref<1x10000x64xf32, #tpu.memory_space<hbm>> -> memref<10000x64xf32, #tpu.memory_space<hbm>>
    %dma_start3A_30 = arith.constant 0 : i32
    %dma_start3A_31 = arith.constant 0 : i32
    %dma_start3A_32 = tpu.memref_slice %dma_start3A_29[%dma_start3A_30, %dma_start3A_31] : memref<10000x64xf32, #tpu.memory_space<hbm>> -> memref<10000x64xf32, #tpu.memory_space<hbm>>
    tpu.enqueue_indirect_dma source(%dma_start3A_32 : memref<10000x64xf32, #tpu.memory_space<hbm>>) target(%arg11 : memref<80x64xf32, #tpu.memory_space<vmem>>) offsets(%dma_start3A_25 : memref<80xi32, #tpu.memory_space<vmem>>) semaphore(%arg20 : memref<!tpu.dma_semaphore, #tpu.memory_space<semaphore_mem>>)
    %dma_start3A_33 = arith.constant 3 : i32
    %dma_start3A_34 = arith.constant 0 : i32
    %dma_start3A_35 = tpu.memref_slice %arg7[%dma_start3A_33, %dma_start3A_34] : memref<250x80xi32, #tpu.memory_space<vmem>> -> memref<1x80xi32, #tpu.memory_space<vmem>>
    %dma_start3A_36 = tpu.memref_squeeze %dma_start3A_35 : memref<1x80xi32, #tpu.memory_space<vmem>> -> memref<80xi32, #tpu.memory_space<vmem>>
    %dma_start3A_37 = arith.constant 0 : i32
    %dma_start3A_38 = arith.constant 0 : i32
    %dma_start3A_39 = tpu.memref_slice %arg2[%arg0, %dma_start3A_37, %dma_start3A_38] : memref<2x10000x64xf32, #tpu.memory_space<hbm>> -> memref<1x10000x64xf32, #tpu.memory_space<hbm>>
    %dma_start3A_40 = tpu.memref_squeeze %dma_start3A_39 : memref<1x10000x64xf32, #tpu.memory_space<hbm>> -> memref<10000x64xf32, #tpu.memory_space<hbm>>
    %dma_start3A_41 = arith.constant 0 : i32
    %dma_start3A_42 = arith.constant 0 : i32
    %dma_start3A_43 = tpu.memref_slice %dma_start3A_40[%dma_start3A_41, %dma_start3A_42] : memref<10000x64xf32, #tpu.memory_space<hbm>> -> memref<10000x64xf32, #tpu.memory_space<hbm>>
    tpu.enqueue_indirect_dma source(%dma_start3A_43 : memref<10000x64xf32, #tpu.memory_space<hbm>>) target(%arg12 : memref<80x64xf32, #tpu.memory_space<vmem>>) offsets(%dma_start3A_36 : memref<80xi32, #tpu.memory_space<vmem>>) semaphore(%arg21 : memref<!tpu.dma_semaphore, #tpu.memory_space<semaphore_mem>>)
    %dma_start3A_44 = arith.constant 4 : i32
    %dma_start3A_45 = arith.constant 0 : i32
    %dma_start3A_46 = tpu.memref_slice %arg7[%dma_start3A_44, %dma_start3A_45] : memref<250x80xi32, #tpu.memory_space<vmem>> -> memref<1x80xi32, #tpu.memory_space<vmem>>
    %dma_start3A_47 = tpu.memref_squeeze %dma_start3A_46 : memref<1x80xi32, #tpu.memory_space<vmem>> -> memref<80xi32, #tpu.memory_space<vmem>>
    %dma_start3A_48 = arith.constant 0 : i32
    %dma_start3A_49 = arith.constant 0 : i32
    %dma_start3A_50 = tpu.memref_slice %arg2[%arg0, %dma_start3A_48, %dma_start3A_49] : memref<2x10000x64xf32, #tpu.memory_space<hbm>> -> memref<1x10000x64xf32, #tpu.memory_space<hbm>>
    %dma_start3A_51 = tpu.memref_squeeze %dma_start3A_50 : memref<1x10000x64xf32, #tpu.memory_space<hbm>> -> memref<10000x64xf32, #tpu.memory_space<hbm>>
    %dma_start3A_52 = arith.constant 0 : i32
    %dma_start3A_53 = arith.constant 0 : i32
    %dma_start3A_54 = tpu.memref_slice %dma_start3A_51[%dma_start3A_52, %dma_start3A_53] : memref<10000x64xf32, #tpu.memory_space<hbm>> -> memref<10000x64xf32, #tpu.memory_space<hbm>>
    tpu.enqueue_indirect_dma source(%dma_start3A_54 : memref<10000x64xf32, #tpu.memory_space<hbm>>) target(%arg13 : memref<80x64xf32, #tpu.memory_space<vmem>>) offsets(%dma_start3A_47 : memref<80xi32, #tpu.memory_space<vmem>>) semaphore(%arg22 : memref<!tpu.dma_semaphore, #tpu.memory_space<semaphore_mem>>)
    %dma_start3A_55 = arith.constant 5 : i32
    %dma_start3A_56 = arith.constant 0 : i32
    %dma_start3A_57 = tpu.memref_slice %arg7[%dma_start3A_55, %dma_start3A_56] : memref<250x80xi32, #tpu.memory_space<vmem>> -> memref<1x80xi32, #tpu.memory_space<vmem>>
    %dma_start3A_58 = tpu.memref_squeeze %dma_start3A_57 : memref<1x80xi32, #tpu.memory_space<vmem>> -> memref<80xi32, #tpu.memory_space<vmem>>
    %dma_start3A_59 = arith.constant 0 : i32
    %dma_start3A_60 = arith.constant 0 : i32
    %dma_start3A_61 = tpu.memref_slice %arg2[%arg0, %dma_start3A_59, %dma_start3A_60] : memref<2x10000x64xf32, #tpu.memory_space<hbm>> -> memref<1x10000x64xf32, #tpu.memory_space<hbm>>
    %dma_start3A_62 = tpu.memref_squeeze %dma_start3A_61 : memref<1x10000x64xf32, #tpu.memory_space<hbm>> -> memref<10000x64xf32, #tpu.memory_space<hbm>>
    %dma_start3A_63 = arith.constant 0 : i32
    %dma_start3A_64 = arith.constant 0 : i32
    %dma_start3A_65 = tpu.memref_slice %dma_start3A_62[%dma_start3A_63, %dma_start3A_64] : memref<10000x64xf32, #tpu.memory_space<hbm>> -> memref<10000x64xf32, #tpu.memory_space<hbm>>
    tpu.enqueue_indirect_dma source(%dma_start3A_65 : memref<10000x64xf32, #tpu.memory_space<hbm>>) target(%arg14 : memref<80x64xf32, #tpu.memory_space<vmem>>) offsets(%dma_start3A_58 : memref<80xi32, #tpu.memory_space<vmem>>) semaphore(%arg23 : memref<!tpu.dma_semaphore, #tpu.memory_space<semaphore_mem>>)
    %dma_start3A_66 = arith.constant 6 : i32
    %dma_start3A_67 = arith.constant 0 : i32
    %dma_start3A_68 = tpu.memref_slice %arg7[%dma_start3A_66, %dma_start3A_67] : memref<250x80xi32, #tpu.memory_space<vmem>> -> memref<1x80xi32, #tpu.memory_space<vmem>>
    %dma_start3A_69 = tpu.memref_squeeze %dma_start3A_68 : memref<1x80xi32, #tpu.memory_space<vmem>> -> memref<80xi32, #tpu.memory_space<vmem>>
    %dma_start3A_70 = arith.constant 0 : i32
    %dma_start3A_71 = arith.constant 0 : i32
    %dma_start3A_72 = tpu.memref_slice %arg2[%arg0, %dma_start3A_70, %dma_start3A_71] : memref<2x10000x64xf32, #tpu.memory_space<hbm>> -> memref<1x10000x64xf32, #tpu.memory_space<hbm>>
    %dma_start3A_73 = tpu.memref_squeeze %dma_start3A_72 : memref<1x10000x64xf32, #tpu.memory_space<hbm>> -> memref<10000x64xf32, #tpu.memory_space<hbm>>
    %dma_start3A_74 = arith.constant 0 : i32
    %dma_start3A_75 = arith.constant 0 : i32
    %dma_start3A_76 = tpu.memref_slice %dma_start3A_73[%dma_start3A_74, %dma_start3A_75] : memref<10000x64xf32, #tpu.memory_space<hbm>> -> memref<10000x64xf32, #tpu.memory_space<hbm>>
    tpu.enqueue_indirect_dma source(%dma_start3A_76 : memref<10000x64xf32, #tpu.memory_space<hbm>>) target(%arg15 : memref<80x64xf32, #tpu.memory_space<vmem>>) offsets(%dma_start3A_69 : memref<80xi32, #tpu.memory_space<vmem>>) semaphore(%arg24 : memref<!tpu.dma_semaphore, #tpu.memory_space<semaphore_mem>>)
    %scan3A = arith.constant 0 : i32
    %scan3A_77 = arith.constant 0 : i32
    %scan3A_78 = arith.constant 31 : i32
    %scan3A_79 = arith.addi %scan3A_77, %scan3A_78 : i32
    %scan3A_80 = arith.constant 1 : i32
    scf.for %scan3A_105 = %scan3A_77 to %scan3A_79 step %scan3A_80  : i32 {
      %mul3A_106 = arith.constant 8 : i32
      %mul3A_107 = arith.muli %mul3A_106, %scan3A_105 : i32
      %add3A = arith.constant 0 : i32
      %add3A_108 = arith.addi %mul3A_107, %add3A : i32
      %add3A_109 = arith.constant 8 : i32
      %add3A_110 = arith.addi %add3A_108, %add3A_109 : i32
      %sub3A = arith.constant 1 : i32
      %sub3A_111 = arith.subi %add3A_110, %sub3A : i32
      %lt3A = arith.constant 250 : i32
      %lt3A_112 = arith.cmpi slt, %sub3A_111, %lt3A : i32
      %convert_element_type3A = arith.extui %lt3A_112 : i1 to i32
      %cond3A = arith.constant 0 : i32
      %cond3A_113 = arith.cmpi ne, %convert_element_type3A, %cond3A : i32
      scf.if %cond3A_113 {
        %dma_start3A_271 = arith.constant 0 : i32
        %dma_start3A_272 = tpu.memref_slice %arg7[%sub3A_111, %dma_start3A_271] : memref<250x80xi32, #tpu.memory_space<vmem>> -> memref<1x80xi32, #tpu.memory_space<vmem>>
        %dma_start3A_273 = tpu.memref_squeeze %dma_start3A_272 : memref<1x80xi32, #tpu.memory_space<vmem>> -> memref<80xi32, #tpu.memory_space<vmem>>
        %dma_start3A_274 = arith.constant 0 : i32
        %dma_start3A_275 = arith.constant 0 : i32
        %dma_start3A_276 = tpu.memref_slice %arg2[%arg0, %dma_start3A_274, %dma_start3A_275] : memref<2x10000x64xf32, #tpu.memory_space<hbm>> -> memref<1x10000x64xf32, #tpu.memory_space<hbm>>
        %dma_start3A_277 = tpu.memref_squeeze %dma_start3A_276 : memref<1x10000x64xf32, #tpu.memory_space<hbm>> -> memref<10000x64xf32, #tpu.memory_space<hbm>>
        %dma_start3A_278 = arith.constant 0 : i32
        %dma_start3A_279 = arith.constant 0 : i32
        %dma_start3A_280 = tpu.memref_slice %dma_start3A_277[%dma_start3A_278, %dma_start3A_279] : memref<10000x64xf32, #tpu.memory_space<hbm>> -> memref<10000x64xf32, #tpu.memory_space<hbm>>
        tpu.enqueue_indirect_dma source(%dma_start3A_280 : memref<10000x64xf32, #tpu.memory_space<hbm>>) target(%arg16 : memref<80x64xf32, #tpu.memory_space<vmem>>) offsets(%dma_start3A_273 : memref<80xi32, #tpu.memory_space<vmem>>) semaphore(%arg25 : memref<!tpu.dma_semaphore, #tpu.memory_space<semaphore_mem>>)
      } else {
      }
      %dma_wait3A_114 = arith.constant 0 : i32
      %dma_wait3A_115 = tpu.memref_slice %arg7[%add3A_108, %dma_wait3A_114] : memref<250x80xi32, #tpu.memory_space<vmem>> -> memref<1x80xi32, #tpu.memory_space<vmem>>
      %dma_wait3A_116 = tpu.memref_squeeze %dma_wait3A_115 : memref<1x80xi32, #tpu.memory_space<vmem>> -> memref<80xi32, #tpu.memory_space<vmem>>
      %dma_wait3A_117 = arith.constant 0 : i32
      %dma_wait3A_118 = arith.constant 0 : i32
      %dma_wait3A_119 = tpu.memref_slice %arg2[%arg0, %dma_wait3A_117, %dma_wait3A_118] : memref<2x10000x64xf32, #tpu.memory_space<hbm>> -> memref<1x10000x64xf32, #tpu.memory_space<hbm>>
      %dma_wait3A_120 = tpu.memref_squeeze %dma_wait3A_119 : memref<1x10000x64xf32, #tpu.memory_space<hbm>> -> memref<10000x64xf32, #tpu.memory_space<hbm>>
      %dma_wait3A_121 = arith.constant 0 : i32
      %dma_wait3A_122 = arith.constant 0 : i32
      %dma_wait3A_123 = tpu.memref_slice %dma_wait3A_120[%dma_wait3A_121, %dma_wait3A_122] : memref<10000x64xf32, #tpu.memory_space<hbm>> -> memref<10000x64xf32, #tpu.memory_space<hbm>>
      tpu.wait_indirect_dma semaphore(%arg18 : memref<!tpu.dma_semaphore, #tpu.memory_space<semaphore_mem>>) src(%dma_wait3A_123 : memref<10000x64xf32, #tpu.memory_space<hbm>>) dst(%arg9 : memref<80x64xf32, #tpu.memory_space<vmem>>)
      "tpu.region"() ({
        %run_scoped3A_271 = tpu.sem_alloc : memref<!tpu.dma_semaphore, #tpu.memory_space<semaphore_mem>>
        %dma_start3A_272 = arith.constant 0 : i32
        %dma_start3A_273 = tpu.memref_slice %arg8[%add3A_108, %dma_start3A_272] : memref<250x80xi32, #tpu.memory_space<vmem>> -> memref<1x80xi32, #tpu.memory_space<vmem>>
        %dma_start3A_274 = tpu.memref_squeeze %dma_start3A_273 : memref<1x80xi32, #tpu.memory_space<vmem>> -> memref<80xi32, #tpu.memory_space<vmem>>
        %dma_start3A_275 = arith.constant 0 : i32
        %dma_start3A_276 = arith.constant 0 : i32
        %dma_start3A_277 = tpu.memref_slice %arg17[%dma_start3A_275, %dma_start3A_276] : memref<10112x64xf32, #tpu.memory_space<vmem_shared>> -> memref<10112x64xf32, #tpu.memory_space<vmem_shared>>
        tpu.enqueue_indirect_dma source(%arg9 : memref<80x64xf32, #tpu.memory_space<vmem>>) target(%dma_start3A_277 : memref<10112x64xf32, #tpu.memory_space<vmem_shared>>) offsets(%dma_start3A_274 : memref<80xi32, #tpu.memory_space<vmem>>) semaphore(%run_scoped3A_271 : memref<!tpu.dma_semaphore, #tpu.memory_space<semaphore_mem>>) {add = true}
        %dma_wait3A_278 = arith.constant 0 : i32
        %dma_wait3A_279 = tpu.memref_slice %arg8[%add3A_108, %dma_wait3A_278] : memref<250x80xi32, #tpu.memory_space<vmem>> -> memref<1x80xi32, #tpu.memory_space<vmem>>
        %dma_wait3A_280 = tpu.memref_squeeze %dma_wait3A_279 : memref<1x80xi32, #tpu.memory_space<vmem>> -> memref<80xi32, #tpu.memory_space<vmem>>
        %dma_wait3A_281 = arith.constant 0 : i32
        %dma_wait3A_282 = arith.constant 0 : i32
        %dma_wait3A_283 = tpu.memref_slice %arg17[%dma_wait3A_281, %dma_wait3A_282] : memref<10112x64xf32, #tpu.memory_space<vmem_shared>> -> memref<10112x64xf32, #tpu.memory_space<vmem_shared>>
        tpu.wait_indirect_dma semaphore(%run_scoped3A_271 : memref<!tpu.dma_semaphore, #tpu.memory_space<semaphore_mem>>) src(%arg9 : memref<80x64xf32, #tpu.memory_space<vmem>>) dst(%dma_wait3A_283 : memref<10112x64xf32, #tpu.memory_space<vmem_shared>>)
        tpu.yield
      }) : () -> ()
      %add3A_124 = arith.constant 1 : i32
      %add3A_125 = arith.addi %mul3A_107, %add3A_124 : i32
      %add3A_126 = arith.constant 8 : i32
      %add3A_127 = arith.addi %add3A_125, %add3A_126 : i32
      %sub3A_128 = arith.constant 1 : i32
      %sub3A_129 = arith.subi %add3A_127, %sub3A_128 : i32
      %lt3A_130 = arith.constant 250 : i32
      %lt3A_131 = arith.cmpi slt, %sub3A_129, %lt3A_130 : i32
      %convert_element_type3A_132 = arith.extui %lt3A_131 : i1 to i32
      %cond3A_133 = arith.constant 0 : i32
      %cond3A_134 = arith.cmpi ne, %convert_element_type3A_132, %cond3A_133 : i32
      scf.if %cond3A_134 {
        %dma_start3A_271 = arith.constant 0 : i32
        %dma_start3A_272 = tpu.memref_slice %arg7[%sub3A_129, %dma_start3A_271] : memref<250x80xi32, #tpu.memory_space<vmem>> -> memref<1x80xi32, #tpu.memory_space<vmem>>
        %dma_start3A_273 = tpu.memref_squeeze %dma_start3A_272 : memref<1x80xi32, #tpu.memory_space<vmem>> -> memref<80xi32, #tpu.memory_space<vmem>>
        %dma_start3A_274 = arith.constant 0 : i32
        %dma_start3A_275 = arith.constant 0 : i32
        %dma_start3A_276 = tpu.memref_slice %arg2[%arg0, %dma_start3A_274, %dma_start3A_275] : memref<2x10000x64xf32, #tpu.memory_space<hbm>> -> memref<1x10000x64xf32, #tpu.memory_space<hbm>>
        %dma_start3A_277 = tpu.memref_squeeze %dma_start3A_276 : memref<1x10000x64xf32, #tpu.memory_space<hbm>> -> memref<10000x64xf32, #tpu.memory_space<hbm>>
        %dma_start3A_278 = arith.constant 0 : i32
        %dma_start3A_279 = arith.constant 0 : i32
        %dma_start3A_280 = tpu.memref_slice %dma_start3A_277[%dma_start3A_278, %dma_start3A_279] : memref<10000x64xf32, #tpu.memory_space<hbm>> -> memref<10000x64xf32, #tpu.memory_space<hbm>>
        tpu.enqueue_indirect_dma source(%dma_start3A_280 : memref<10000x64xf32, #tpu.memory_space<hbm>>) target(%arg9 : memref<80x64xf32, #tpu.memory_space<vmem>>) offsets(%dma_start3A_273 : memref<80xi32, #tpu.memory_space<vmem>>) semaphore(%arg18 : memref<!tpu.dma_semaphore, #tpu.memory_space<semaphore_mem>>)
      } else {
      }
      %dma_wait3A_135 = arith.constant 0 : i32
      %dma_wait3A_136 = tpu.memref_slice %arg7[%add3A_125, %dma_wait3A_135] : memref<250x80xi32, #tpu.memory_space<vmem>> -> memref<1x80xi32, #tpu.memory_space<vmem>>
      %dma_wait3A_137 = tpu.memref_squeeze %dma_wait3A_136 : memref<1x80xi32, #tpu.memory_space<vmem>> -> memref<80xi32, #tpu.memory_space<vmem>>
      %dma_wait3A_138 = arith.constant 0 : i32
      %dma_wait3A_139 = arith.constant 0 : i32
      %dma_wait3A_140 = tpu.memref_slice %arg2[%arg0, %dma_wait3A_138, %dma_wait3A_139] : memref<2x10000x64xf32, #tpu.memory_space<hbm>> -> memref<1x10000x64xf32, #tpu.memory_space<hbm>>
      %dma_wait3A_141 = tpu.memref_squeeze %dma_wait3A_140 : memref<1x10000x64xf32, #tpu.memory_space<hbm>> -> memref<10000x64xf32, #tpu.memory_space<hbm>>
      %dma_wait3A_142 = arith.constant 0 : i32
      %dma_wait3A_143 = arith.constant 0 : i32
      %dma_wait3A_144 = tpu.memref_slice %dma_wait3A_141[%dma_wait3A_142, %dma_wait3A_143] : memref<10000x64xf32, #tpu.memory_space<hbm>> -> memref<10000x64xf32, #tpu.memory_space<hbm>>
      tpu.wait_indirect_dma semaphore(%arg19 : memref<!tpu.dma_semaphore, #tpu.memory_space<semaphore_mem>>) src(%dma_wait3A_144 : memref<10000x64xf32, #tpu.memory_space<hbm>>) dst(%arg10 : memref<80x64xf32, #tpu.memory_space<vmem>>)
      "tpu.region"() ({
        %run_scoped3A_271 = tpu.sem_alloc : memref<!tpu.dma_semaphore, #tpu.memory_space<semaphore_mem>>
        %dma_start3A_272 = arith.constant 0 : i32
        %dma_start3A_273 = tpu.memref_slice %arg8[%add3A_125, %dma_start3A_272] : memref<250x80xi32, #tpu.memory_space<vmem>> -> memref<1x80xi32, #tpu.memory_space<vmem>>
        %dma_start3A_274 = tpu.memref_squeeze %dma_start3A_273 : memref<1x80xi32, #tpu.memory_space<vmem>> -> memref<80xi32, #tpu.memory_space<vmem>>
        %dma_start3A_275 = arith.constant 0 : i32
        %dma_start3A_276 = arith.constant 0 : i32
        %dma_start3A_277 = tpu.memref_slice %arg17[%dma_start3A_275, %dma_start3A_276] : memref<10112x64xf32, #tpu.memory_space<vmem_shared>> -> memref<10112x64xf32, #tpu.memory_space<vmem_shared>>
        tpu.enqueue_indirect_dma source(%arg10 : memref<80x64xf32, #tpu.memory_space<vmem>>) target(%dma_start3A_277 : memref<10112x64xf32, #tpu.memory_space<vmem_shared>>) offsets(%dma_start3A_274 : memref<80xi32, #tpu.memory_space<vmem>>) semaphore(%run_scoped3A_271 : memref<!tpu.dma_semaphore, #tpu.memory_space<semaphore_mem>>) {add = true}
        %dma_wait3A_278 = arith.constant 0 : i32
        %dma_wait3A_279 = tpu.memref_slice %arg8[%add3A_125, %dma_wait3A_278] : memref<250x80xi32, #tpu.memory_space<vmem>> -> memref<1x80xi32, #tpu.memory_space<vmem>>
        %dma_wait3A_280 = tpu.memref_squeeze %dma_wait3A_279 : memref<1x80xi32, #tpu.memory_space<vmem>> -> memref<80xi32, #tpu.memory_space<vmem>>
        %dma_wait3A_281 = arith.constant 0 : i32
        %dma_wait3A_282 = arith.constant 0 : i32
        %dma_wait3A_283 = tpu.memref_slice %arg17[%dma_wait3A_281, %dma_wait3A_282] : memref<10112x64xf32, #tpu.memory_space<vmem_shared>> -> memref<10112x64xf32, #tpu.memory_space<vmem_shared>>
        tpu.wait_indirect_dma semaphore(%run_scoped3A_271 : memref<!tpu.dma_semaphore, #tpu.memory_space<semaphore_mem>>) src(%arg10 : memref<80x64xf32, #tpu.memory_space<vmem>>) dst(%dma_wait3A_283 : memref<10112x64xf32, #tpu.memory_space<vmem_shared>>)
        tpu.yield
      }) : () -> ()
      %add3A_145 = arith.constant 2 : i32
      %add3A_146 = arith.addi %mul3A_107, %add3A_145 : i32
      %add3A_147 = arith.constant 8 : i32
      %add3A_148 = arith.addi %add3A_146, %add3A_147 : i32
      %sub3A_149 = arith.constant 1 : i32
      %sub3A_150 = arith.subi %add3A_148, %sub3A_149 : i32
      %lt3A_151 = arith.constant 250 : i32
      %lt3A_152 = arith.cmpi slt, %sub3A_150, %lt3A_151 : i32
      %convert_element_type3A_153 = arith.extui %lt3A_152 : i1 to i32
      %cond3A_154 = arith.constant 0 : i32
      %cond3A_155 = arith.cmpi ne, %convert_element_type3A_153, %cond3A_154 : i32
      scf.if %cond3A_155 {
        %dma_start3A_271 = arith.constant 0 : i32
        %dma_start3A_272 = tpu.memref_slice %arg7[%sub3A_150, %dma_start3A_271] : memref<250x80xi32, #tpu.memory_space<vmem>> -> memref<1x80xi32, #tpu.memory_space<vmem>>
        %dma_start3A_273 = tpu.memref_squeeze %dma_start3A_272 : memref<1x80xi32, #tpu.memory_space<vmem>> -> memref<80xi32, #tpu.memory_space<vmem>>
        %dma_start3A_274 = arith.constant 0 : i32
        %dma_start3A_275 = arith.constant 0 : i32
        %dma_start3A_276 = tpu.memref_slice %arg2[%arg0, %dma_start3A_274, %dma_start3A_275] : memref<2x10000x64xf32, #tpu.memory_space<hbm>> -> memref<1x10000x64xf32, #tpu.memory_space<hbm>>
        %dma_start3A_277 = tpu.memref_squeeze %dma_start3A_276 : memref<1x10000x64xf32, #tpu.memory_space<hbm>> -> memref<10000x64xf32, #tpu.memory_space<hbm>>
        %dma_start3A_278 = arith.constant 0 : i32
        %dma_start3A_279 = arith.constant 0 : i32
        %dma_start3A_280 = tpu.memref_slice %dma_start3A_277[%dma_start3A_278, %dma_start3A_279] : memref<10000x64xf32, #tpu.memory_space<hbm>> -> memref<10000x64xf32, #tpu.memory_space<hbm>>
        tpu.enqueue_indirect_dma source(%dma_start3A_280 : memref<10000x64xf32, #tpu.memory_space<hbm>>) target(%arg10 : memref<80x64xf32, #tpu.memory_space<vmem>>) offsets(%dma_start3A_273 : memref<80xi32, #tpu.memory_space<vmem>>) semaphore(%arg19 : memref<!tpu.dma_semaphore, #tpu.memory_space<semaphore_mem>>)
      } else {
      }
      %dma_wait3A_156 = arith.constant 0 : i32
      %dma_wait3A_157 = tpu.memref_slice %arg7[%add3A_146, %dma_wait3A_156] : memref<250x80xi32, #tpu.memory_space<vmem>> -> memref<1x80xi32, #tpu.memory_space<vmem>>
      %dma_wait3A_158 = tpu.memref_squeeze %dma_wait3A_157 : memref<1x80xi32, #tpu.memory_space<vmem>> -> memref<80xi32, #tpu.memory_space<vmem>>
      %dma_wait3A_159 = arith.constant 0 : i32
      %dma_wait3A_160 = arith.constant 0 : i32
      %dma_wait3A_161 = tpu.memref_slice %arg2[%arg0, %dma_wait3A_159, %dma_wait3A_160] : memref<2x10000x64xf32, #tpu.memory_space<hbm>> -> memref<1x10000x64xf32, #tpu.memory_space<hbm>>
      %dma_wait3A_162 = tpu.memref_squeeze %dma_wait3A_161 : memref<1x10000x64xf32, #tpu.memory_space<hbm>> -> memref<10000x64xf32, #tpu.memory_space<hbm>>
      %dma_wait3A_163 = arith.constant 0 : i32
      %dma_wait3A_164 = arith.constant 0 : i32
      %dma_wait3A_165 = tpu.memref_slice %dma_wait3A_162[%dma_wait3A_163, %dma_wait3A_164] : memref<10000x64xf32, #tpu.memory_space<hbm>> -> memref<10000x64xf32, #tpu.memory_space<hbm>>
      tpu.wait_indirect_dma semaphore(%arg20 : memref<!tpu.dma_semaphore, #tpu.memory_space<semaphore_mem>>) src(%dma_wait3A_165 : memref<10000x64xf32, #tpu.memory_space<hbm>>) dst(%arg11 : memref<80x64xf32, #tpu.memory_space<vmem>>)
      "tpu.region"() ({
        %run_scoped3A_271 = tpu.sem_alloc : memref<!tpu.dma_semaphore, #tpu.memory_space<semaphore_mem>>
        %dma_start3A_272 = arith.constant 0 : i32
        %dma_start3A_273 = tpu.memref_slice %arg8[%add3A_146, %dma_start3A_272] : memref<250x80xi32, #tpu.memory_space<vmem>> -> memref<1x80xi32, #tpu.memory_space<vmem>>
        %dma_start3A_274 = tpu.memref_squeeze %dma_start3A_273 : memref<1x80xi32, #tpu.memory_space<vmem>> -> memref<80xi32, #tpu.memory_space<vmem>>
        %dma_start3A_275 = arith.constant 0 : i32
        %dma_start3A_276 = arith.constant 0 : i32
        %dma_start3A_277 = tpu.memref_slice %arg17[%dma_start3A_275, %dma_start3A_276] : memref<10112x64xf32, #tpu.memory_space<vmem_shared>> -> memref<10112x64xf32, #tpu.memory_space<vmem_shared>>
        tpu.enqueue_indirect_dma source(%arg11 : memref<80x64xf32, #tpu.memory_space<vmem>>) target(%dma_start3A_277 : memref<10112x64xf32, #tpu.memory_space<vmem_shared>>) offsets(%dma_start3A_274 : memref<80xi32, #tpu.memory_space<vmem>>) semaphore(%run_scoped3A_271 : memref<!tpu.dma_semaphore, #tpu.memory_space<semaphore_mem>>) {add = true}
        %dma_wait3A_278 = arith.constant 0 : i32
        %dma_wait3A_279 = tpu.memref_slice %arg8[%add3A_146, %dma_wait3A_278] : memref<250x80xi32, #tpu.memory_space<vmem>> -> memref<1x80xi32, #tpu.memory_space<vmem>>
        %dma_wait3A_280 = tpu.memref_squeeze %dma_wait3A_279 : memref<1x80xi32, #tpu.memory_space<vmem>> -> memref<80xi32, #tpu.memory_space<vmem>>
        %dma_wait3A_281 = arith.constant 0 : i32
        %dma_wait3A_282 = arith.constant 0 : i32
        %dma_wait3A_283 = tpu.memref_slice %arg17[%dma_wait3A_281, %dma_wait3A_282] : memref<10112x64xf32, #tpu.memory_space<vmem_shared>> -> memref<10112x64xf32, #tpu.memory_space<vmem_shared>>
        tpu.wait_indirect_dma semaphore(%run_scoped3A_271 : memref<!tpu.dma_semaphore, #tpu.memory_space<semaphore_mem>>) src(%arg11 : memref<80x64xf32, #tpu.memory_space<vmem>>) dst(%dma_wait3A_283 : memref<10112x64xf32, #tpu.memory_space<vmem_shared>>)
        tpu.yield
      }) : () -> ()
      %add3A_166 = arith.constant 3 : i32
      %add3A_167 = arith.addi %mul3A_107, %add3A_166 : i32
      %add3A_168 = arith.constant 8 : i32
      %add3A_169 = arith.addi %add3A_167, %add3A_168 : i32
      %sub3A_170 = arith.constant 1 : i32
      %sub3A_171 = arith.subi %add3A_169, %sub3A_170 : i32
      %lt3A_172 = arith.constant 250 : i32
      %lt3A_173 = arith.cmpi slt, %sub3A_171, %lt3A_172 : i32
      %convert_element_type3A_174 = arith.extui %lt3A_173 : i1 to i32
      %cond3A_175 = arith.constant 0 : i32
      %cond3A_176 = arith.cmpi ne, %convert_element_type3A_174, %cond3A_175 : i32
      scf.if %cond3A_176 {
        %dma_start3A_271 = arith.constant 0 : i32
        %dma_start3A_272 = tpu.memref_slice %arg7[%sub3A_171, %dma_start3A_271] : memref<250x80xi32, #tpu.memory_space<vmem>> -> memref<1x80xi32, #tpu.memory_space<vmem>>
        %dma_start3A_273 = tpu.memref_squeeze %dma_start3A_272 : memref<1x80xi32, #tpu.memory_space<vmem>> -> memref<80xi32, #tpu.memory_space<vmem>>
        %dma_start3A_274 = arith.constant 0 : i32
        %dma_start3A_275 = arith.constant 0 : i32
        %dma_start3A_276 = tpu.memref_slice %arg2[%arg0, %dma_start3A_274, %dma_start3A_275] : memref<2x10000x64xf32, #tpu.memory_space<hbm>> -> memref<1x10000x64xf32, #tpu.memory_space<hbm>>
        %dma_start3A_277 = tpu.memref_squeeze %dma_start3A_276 : memref<1x10000x64xf32, #tpu.memory_space<hbm>> -> memref<10000x64xf32, #tpu.memory_space<hbm>>
        %dma_start3A_278 = arith.constant 0 : i32
        %dma_start3A_279 = arith.constant 0 : i32
        %dma_start3A_280 = tpu.memref_slice %dma_start3A_277[%dma_start3A_278, %dma_start3A_279] : memref<10000x64xf32, #tpu.memory_space<hbm>> -> memref<10000x64xf32, #tpu.memory_space<hbm>>
        tpu.enqueue_indirect_dma source(%dma_start3A_280 : memref<10000x64xf32, #tpu.memory_space<hbm>>) target(%arg11 : memref<80x64xf32, #tpu.memory_space<vmem>>) offsets(%dma_start3A_273 : memref<80xi32, #tpu.memory_space<vmem>>) semaphore(%arg20 : memref<!tpu.dma_semaphore, #tpu.memory_space<semaphore_mem>>)
      } else {
      }
      %dma_wait3A_177 = arith.constant 0 : i32
      %dma_wait3A_178 = tpu.memref_slice %arg7[%add3A_167, %dma_wait3A_177] : memref<250x80xi32, #tpu.memory_space<vmem>> -> memref<1x80xi32, #tpu.memory_space<vmem>>
      %dma_wait3A_179 = tpu.memref_squeeze %dma_wait3A_178 : memref<1x80xi32, #tpu.memory_space<vmem>> -> memref<80xi32, #tpu.memory_space<vmem>>
      %dma_wait3A_180 = arith.constant 0 : i32
      %dma_wait3A_181 = arith.constant 0 : i32
      %dma_wait3A_182 = tpu.memref_slice %arg2[%arg0, %dma_wait3A_180, %dma_wait3A_181] : memref<2x10000x64xf32, #tpu.memory_space<hbm>> -> memref<1x10000x64xf32, #tpu.memory_space<hbm>>
      %dma_wait3A_183 = tpu.memref_squeeze %dma_wait3A_182 : memref<1x10000x64xf32, #tpu.memory_space<hbm>> -> memref<10000x64xf32, #tpu.memory_space<hbm>>
      %dma_wait3A_184 = arith.constant 0 : i32
      %dma_wait3A_185 = arith.constant 0 : i32
      %dma_wait3A_186 = tpu.memref_slice %dma_wait3A_183[%dma_wait3A_184, %dma_wait3A_185] : memref<10000x64xf32, #tpu.memory_space<hbm>> -> memref<10000x64xf32, #tpu.memory_space<hbm>>
      tpu.wait_indirect_dma semaphore(%arg21 : memref<!tpu.dma_semaphore, #tpu.memory_space<semaphore_mem>>) src(%dma_wait3A_186 : memref<10000x64xf32, #tpu.memory_space<hbm>>) dst(%arg12 : memref<80x64xf32, #tpu.memory_space<vmem>>)
      "tpu.region"() ({
        %run_scoped3A_271 = tpu.sem_alloc : memref<!tpu.dma_semaphore, #tpu.memory_space<semaphore_mem>>
        %dma_start3A_272 = arith.constant 0 : i32
        %dma_start3A_273 = tpu.memref_slice %arg8[%add3A_167, %dma_start3A_272] : memref<250x80xi32, #tpu.memory_space<vmem>> -> memref<1x80xi32, #tpu.memory_space<vmem>>
        %dma_start3A_274 = tpu.memref_squeeze %dma_start3A_273 : memref<1x80xi32, #tpu.memory_space<vmem>> -> memref<80xi32, #tpu.memory_space<vmem>>
        %dma_start3A_275 = arith.constant 0 : i32
        %dma_start3A_276 = arith.constant 0 : i32
        %dma_start3A_277 = tpu.memref_slice %arg17[%dma_start3A_275, %dma_start3A_276] : memref<10112x64xf32, #tpu.memory_space<vmem_shared>> -> memref<10112x64xf32, #tpu.memory_space<vmem_shared>>
        tpu.enqueue_indirect_dma source(%arg12 : memref<80x64xf32, #tpu.memory_space<vmem>>) target(%dma_start3A_277 : memref<10112x64xf32, #tpu.memory_space<vmem_shared>>) offsets(%dma_start3A_274 : memref<80xi32, #tpu.memory_space<vmem>>) semaphore(%run_scoped3A_271 : memref<!tpu.dma_semaphore, #tpu.memory_space<semaphore_mem>>) {add = true}
        %dma_wait3A_278 = arith.constant 0 : i32
        %dma_wait3A_279 = tpu.memref_slice %arg8[%add3A_167, %dma_wait3A_278] : memref<250x80xi32, #tpu.memory_space<vmem>> -> memref<1x80xi32, #tpu.memory_space<vmem>>
        %dma_wait3A_280 = tpu.memref_squeeze %dma_wait3A_279 : memref<1x80xi32, #tpu.memory_space<vmem>> -> memref<80xi32, #tpu.memory_space<vmem>>
        %dma_wait3A_281 = arith.constant 0 : i32
        %dma_wait3A_282 = arith.constant 0 : i32
        %dma_wait3A_283 = tpu.memref_slice %arg17[%dma_wait3A_281, %dma_wait3A_282] : memref<10112x64xf32, #tpu.memory_space<vmem_shared>> -> memref<10112x64xf32, #tpu.memory_space<vmem_shared>>
        tpu.wait_indirect_dma semaphore(%run_scoped3A_271 : memref<!tpu.dma_semaphore, #tpu.memory_space<semaphore_mem>>) src(%arg12 : memref<80x64xf32, #tpu.memory_space<vmem>>) dst(%dma_wait3A_283 : memref<10112x64xf32, #tpu.memory_space<vmem_shared>>)
        tpu.yield
      }) : () -> ()
      %add3A_187 = arith.constant 4 : i32
      %add3A_188 = arith.addi %mul3A_107, %add3A_187 : i32
      %add3A_189 = arith.constant 8 : i32
      %add3A_190 = arith.addi %add3A_188, %add3A_189 : i32
      %sub3A_191 = arith.constant 1 : i32
      %sub3A_192 = arith.subi %add3A_190, %sub3A_191 : i32
      %lt3A_193 = arith.constant 250 : i32
      %lt3A_194 = arith.cmpi slt, %sub3A_192, %lt3A_193 : i32
      %convert_element_type3A_195 = arith.extui %lt3A_194 : i1 to i32
      %cond3A_196 = arith.constant 0 : i32
      %cond3A_197 = arith.cmpi ne, %convert_element_type3A_195, %cond3A_196 : i32
      scf.if %cond3A_197 {
        %dma_start3A_271 = arith.constant 0 : i32
        %dma_start3A_272 = tpu.memref_slice %arg7[%sub3A_192, %dma_start3A_271] : memref<250x80xi32, #tpu.memory_space<vmem>> -> memref<1x80xi32, #tpu.memory_space<vmem>>
        %dma_start3A_273 = tpu.memref_squeeze %dma_start3A_272 : memref<1x80xi32, #tpu.memory_space<vmem>> -> memref<80xi32, #tpu.memory_space<vmem>>
        %dma_start3A_274 = arith.constant 0 : i32
        %dma_start3A_275 = arith.constant 0 : i32
        %dma_start3A_276 = tpu.memref_slice %arg2[%arg0, %dma_start3A_274, %dma_start3A_275] : memref<2x10000x64xf32, #tpu.memory_space<hbm>> -> memref<1x10000x64xf32, #tpu.memory_space<hbm>>
        %dma_start3A_277 = tpu.memref_squeeze %dma_start3A_276 : memref<1x10000x64xf32, #tpu.memory_space<hbm>> -> memref<10000x64xf32, #tpu.memory_space<hbm>>
        %dma_start3A_278 = arith.constant 0 : i32
        %dma_start3A_279 = arith.constant 0 : i32
        %dma_start3A_280 = tpu.memref_slice %dma_start3A_277[%dma_start3A_278, %dma_start3A_279] : memref<10000x64xf32, #tpu.memory_space<hbm>> -> memref<10000x64xf32, #tpu.memory_space<hbm>>
        tpu.enqueue_indirect_dma source(%dma_start3A_280 : memref<10000x64xf32, #tpu.memory_space<hbm>>) target(%arg12 : memref<80x64xf32, #tpu.memory_space<vmem>>) offsets(%dma_start3A_273 : memref<80xi32, #tpu.memory_space<vmem>>) semaphore(%arg21 : memref<!tpu.dma_semaphore, #tpu.memory_space<semaphore_mem>>)
      } else {
      }
      %dma_wait3A_198 = arith.constant 0 : i32
      %dma_wait3A_199 = tpu.memref_slice %arg7[%add3A_188, %dma_wait3A_198] : memref<250x80xi32, #tpu.memory_space<vmem>> -> memref<1x80xi32, #tpu.memory_space<vmem>>
      %dma_wait3A_200 = tpu.memref_squeeze %dma_wait3A_199 : memref<1x80xi32, #tpu.memory_space<vmem>> -> memref<80xi32, #tpu.memory_space<vmem>>
      %dma_wait3A_201 = arith.constant 0 : i32
      %dma_wait3A_202 = arith.constant 0 : i32
      %dma_wait3A_203 = tpu.memref_slice %arg2[%arg0, %dma_wait3A_201, %dma_wait3A_202] : memref<2x10000x64xf32, #tpu.memory_space<hbm>> -> memref<1x10000x64xf32, #tpu.memory_space<hbm>>
      %dma_wait3A_204 = tpu.memref_squeeze %dma_wait3A_203 : memref<1x10000x64xf32, #tpu.memory_space<hbm>> -> memref<10000x64xf32, #tpu.memory_space<hbm>>
      %dma_wait3A_205 = arith.constant 0 : i32
      %dma_wait3A_206 = arith.constant 0 : i32
      %dma_wait3A_207 = tpu.memref_slice %dma_wait3A_204[%dma_wait3A_205, %dma_wait3A_206] : memref<10000x64xf32, #tpu.memory_space<hbm>> -> memref<10000x64xf32, #tpu.memory_space<hbm>>
      tpu.wait_indirect_dma semaphore(%arg22 : memref<!tpu.dma_semaphore, #tpu.memory_space<semaphore_mem>>) src(%dma_wait3A_207 : memref<10000x64xf32, #tpu.memory_space<hbm>>) dst(%arg13 : memref<80x64xf32, #tpu.memory_space<vmem>>)
      "tpu.region"() ({
        %run_scoped3A_271 = tpu.sem_alloc : memref<!tpu.dma_semaphore, #tpu.memory_space<semaphore_mem>>
        %dma_start3A_272 = arith.constant 0 : i32
        %dma_start3A_273 = tpu.memref_slice %arg8[%add3A_188, %dma_start3A_272] : memref<250x80xi32, #tpu.memory_space<vmem>> -> memref<1x80xi32, #tpu.memory_space<vmem>>
        %dma_start3A_274 = tpu.memref_squeeze %dma_start3A_273 : memref<1x80xi32, #tpu.memory_space<vmem>> -> memref<80xi32, #tpu.memory_space<vmem>>
        %dma_start3A_275 = arith.constant 0 : i32
        %dma_start3A_276 = arith.constant 0 : i32
        %dma_start3A_277 = tpu.memref_slice %arg17[%dma_start3A_275, %dma_start3A_276] : memref<10112x64xf32, #tpu.memory_space<vmem_shared>> -> memref<10112x64xf32, #tpu.memory_space<vmem_shared>>
        tpu.enqueue_indirect_dma source(%arg13 : memref<80x64xf32, #tpu.memory_space<vmem>>) target(%dma_start3A_277 : memref<10112x64xf32, #tpu.memory_space<vmem_shared>>) offsets(%dma_start3A_274 : memref<80xi32, #tpu.memory_space<vmem>>) semaphore(%run_scoped3A_271 : memref<!tpu.dma_semaphore, #tpu.memory_space<semaphore_mem>>) {add = true}
        %dma_wait3A_278 = arith.constant 0 : i32
        %dma_wait3A_279 = tpu.memref_slice %arg8[%add3A_188, %dma_wait3A_278] : memref<250x80xi32, #tpu.memory_space<vmem>> -> memref<1x80xi32, #tpu.memory_space<vmem>>
        %dma_wait3A_280 = tpu.memref_squeeze %dma_wait3A_279 : memref<1x80xi32, #tpu.memory_space<vmem>> -> memref<80xi32, #tpu.memory_space<vmem>>
        %dma_wait3A_281 = arith.constant 0 : i32
        %dma_wait3A_282 = arith.constant 0 : i32
        %dma_wait3A_283 = tpu.memref_slice %arg17[%dma_wait3A_281, %dma_wait3A_282] : memref<10112x64xf32, #tpu.memory_space<vmem_shared>> -> memref<10112x64xf32, #tpu.memory_space<vmem_shared>>
        tpu.wait_indirect_dma semaphore(%run_scoped3A_271 : memref<!tpu.dma_semaphore, #tpu.memory_space<semaphore_mem>>) src(%arg13 : memref<80x64xf32, #tpu.memory_space<vmem>>) dst(%dma_wait3A_283 : memref<10112x64xf32, #tpu.memory_space<vmem_shared>>)
        tpu.yield
      }) : () -> ()
      %add3A_208 = arith.constant 5 : i32
      %add3A_209 = arith.addi %mul3A_107, %add3A_208 : i32
      %add3A_210 = arith.constant 8 : i32
      %add3A_211 = arith.addi %add3A_209, %add3A_210 : i32
      %sub3A_212 = arith.constant 1 : i32
      %sub3A_213 = arith.subi %add3A_211, %sub3A_212 : i32
      %lt3A_214 = arith.constant 250 : i32
      %lt3A_215 = arith.cmpi slt, %sub3A_213, %lt3A_214 : i32
      %convert_element_type3A_216 = arith.extui %lt3A_215 : i1 to i32
      %cond3A_217 = arith.constant 0 : i32
      %cond3A_218 = arith.cmpi ne, %convert_element_type3A_216, %cond3A_217 : i32
      scf.if %cond3A_218 {
        %dma_start3A_271 = arith.constant 0 : i32
        %dma_start3A_272 = tpu.memref_slice %arg7[%sub3A_213, %dma_start3A_271] : memref<250x80xi32, #tpu.memory_space<vmem>> -> memref<1x80xi32, #tpu.memory_space<vmem>>
        %dma_start3A_273 = tpu.memref_squeeze %dma_start3A_272 : memref<1x80xi32, #tpu.memory_space<vmem>> -> memref<80xi32, #tpu.memory_space<vmem>>
        %dma_start3A_274 = arith.constant 0 : i32
        %dma_start3A_275 = arith.constant 0 : i32
        %dma_start3A_276 = tpu.memref_slice %arg2[%arg0, %dma_start3A_274, %dma_start3A_275] : memref<2x10000x64xf32, #tpu.memory_space<hbm>> -> memref<1x10000x64xf32, #tpu.memory_space<hbm>>
        %dma_start3A_277 = tpu.memref_squeeze %dma_start3A_276 : memref<1x10000x64xf32, #tpu.memory_space<hbm>> -> memref<10000x64xf32, #tpu.memory_space<hbm>>
        %dma_start3A_278 = arith.constant 0 : i32
        %dma_start3A_279 = arith.constant 0 : i32
        %dma_start3A_280 = tpu.memref_slice %dma_start3A_277[%dma_start3A_278, %dma_start3A_279] : memref<10000x64xf32, #tpu.memory_space<hbm>> -> memref<10000x64xf32, #tpu.memory_space<hbm>>
        tpu.enqueue_indirect_dma source(%dma_start3A_280 : memref<10000x64xf32, #tpu.memory_space<hbm>>) target(%arg13 : memref<80x64xf32, #tpu.memory_space<vmem>>) offsets(%dma_start3A_273 : memref<80xi32, #tpu.memory_space<vmem>>) semaphore(%arg22 : memref<!tpu.dma_semaphore, #tpu.memory_space<semaphore_mem>>)
      } else {
      }
      %dma_wait3A_219 = arith.constant 0 : i32
      %dma_wait3A_220 = tpu.memref_slice %arg7[%add3A_209, %dma_wait3A_219] : memref<250x80xi32, #tpu.memory_space<vmem>> -> memref<1x80xi32, #tpu.memory_space<vmem>>
      %dma_wait3A_221 = tpu.memref_squeeze %dma_wait3A_220 : memref<1x80xi32, #tpu.memory_space<vmem>> -> memref<80xi32, #tpu.memory_space<vmem>>
      %dma_wait3A_222 = arith.constant 0 : i32
      %dma_wait3A_223 = arith.constant 0 : i32
      %dma_wait3A_224 = tpu.memref_slice %arg2[%arg0, %dma_wait3A_222, %dma_wait3A_223] : memref<2x10000x64xf32, #tpu.memory_space<hbm>> -> memref<1x10000x64xf32, #tpu.memory_space<hbm>>
      %dma_wait3A_225 = tpu.memref_squeeze %dma_wait3A_224 : memref<1x10000x64xf32, #tpu.memory_space<hbm>> -> memref<10000x64xf32, #tpu.memory_space<hbm>>
      %dma_wait3A_226 = arith.constant 0 : i32
      %dma_wait3A_227 = arith.constant 0 : i32
      %dma_wait3A_228 = tpu.memref_slice %dma_wait3A_225[%dma_wait3A_226, %dma_wait3A_227] : memref<10000x64xf32, #tpu.memory_space<hbm>> -> memref<10000x64xf32, #tpu.memory_space<hbm>>
      tpu.wait_indirect_dma semaphore(%arg23 : memref<!tpu.dma_semaphore, #tpu.memory_space<semaphore_mem>>) src(%dma_wait3A_228 : memref<10000x64xf32, #tpu.memory_space<hbm>>) dst(%arg14 : memref<80x64xf32, #tpu.memory_space<vmem>>)
      "tpu.region"() ({
        %run_scoped3A_271 = tpu.sem_alloc : memref<!tpu.dma_semaphore, #tpu.memory_space<semaphore_mem>>
        %dma_start3A_272 = arith.constant 0 : i32
        %dma_start3A_273 = tpu.memref_slice %arg8[%add3A_209, %dma_start3A_272] : memref<250x80xi32, #tpu.memory_space<vmem>> -> memref<1x80xi32, #tpu.memory_space<vmem>>
        %dma_start3A_274 = tpu.memref_squeeze %dma_start3A_273 : memref<1x80xi32, #tpu.memory_space<vmem>> -> memref<80xi32, #tpu.memory_space<vmem>>
        %dma_start3A_275 = arith.constant 0 : i32
        %dma_start3A_276 = arith.constant 0 : i32
        %dma_start3A_277 = tpu.memref_slice %arg17[%dma_start3A_275, %dma_start3A_276] : memref<10112x64xf32, #tpu.memory_space<vmem_shared>> -> memref<10112x64xf32, #tpu.memory_space<vmem_shared>>
        tpu.enqueue_indirect_dma source(%arg14 : memref<80x64xf32, #tpu.memory_space<vmem>>) target(%dma_start3A_277 : memref<10112x64xf32, #tpu.memory_space<vmem_shared>>) offsets(%dma_start3A_274 : memref<80xi32, #tpu.memory_space<vmem>>) semaphore(%run_scoped3A_271 : memref<!tpu.dma_semaphore, #tpu.memory_space<semaphore_mem>>) {add = true}
        %dma_wait3A_278 = arith.constant 0 : i32
        %dma_wait3A_279 = tpu.memref_slice %arg8[%add3A_209, %dma_wait3A_278] : memref<250x80xi32, #tpu.memory_space<vmem>> -> memref<1x80xi32, #tpu.memory_space<vmem>>
        %dma_wait3A_280 = tpu.memref_squeeze %dma_wait3A_279 : memref<1x80xi32, #tpu.memory_space<vmem>> -> memref<80xi32, #tpu.memory_space<vmem>>
        %dma_wait3A_281 = arith.constant 0 : i32
        %dma_wait3A_282 = arith.constant 0 : i32
        %dma_wait3A_283 = tpu.memref_slice %arg17[%dma_wait3A_281, %dma_wait3A_282] : memref<10112x64xf32, #tpu.memory_space<vmem_shared>> -> memref<10112x64xf32, #tpu.memory_space<vmem_shared>>
        tpu.wait_indirect_dma semaphore(%run_scoped3A_271 : memref<!tpu.dma_semaphore, #tpu.memory_space<semaphore_mem>>) src(%arg14 : memref<80x64xf32, #tpu.memory_space<vmem>>) dst(%dma_wait3A_283 : memref<10112x64xf32, #tpu.memory_space<vmem_shared>>)
        tpu.yield
      }) : () -> ()
      %add3A_229 = arith.constant 6 : i32
      %add3A_230 = arith.addi %mul3A_107, %add3A_229 : i32
      %add3A_231 = arith.constant 8 : i32
      %add3A_232 = arith.addi %add3A_230, %add3A_231 : i32
      %sub3A_233 = arith.constant 1 : i32
      %sub3A_234 = arith.subi %add3A_232, %sub3A_233 : i32
      %lt3A_235 = arith.constant 250 : i32
      %lt3A_236 = arith.cmpi slt, %sub3A_234, %lt3A_235 : i32
      %convert_element_type3A_237 = arith.extui %lt3A_236 : i1 to i32
      %cond3A_238 = arith.constant 0 : i32
      %cond3A_239 = arith.cmpi ne, %convert_element_type3A_237, %cond3A_238 : i32
      scf.if %cond3A_239 {
        %dma_start3A_271 = arith.constant 0 : i32
        %dma_start3A_272 = tpu.memref_slice %arg7[%sub3A_234, %dma_start3A_271] : memref<250x80xi32, #tpu.memory_space<vmem>> -> memref<1x80xi32, #tpu.memory_space<vmem>>
        %dma_start3A_273 = tpu.memref_squeeze %dma_start3A_272 : memref<1x80xi32, #tpu.memory_space<vmem>> -> memref<80xi32, #tpu.memory_space<vmem>>
        %dma_start3A_274 = arith.constant 0 : i32
        %dma_start3A_275 = arith.constant 0 : i32
        %dma_start3A_276 = tpu.memref_slice %arg2[%arg0, %dma_start3A_274, %dma_start3A_275] : memref<2x10000x64xf32, #tpu.memory_space<hbm>> -> memref<1x10000x64xf32, #tpu.memory_space<hbm>>
        %dma_start3A_277 = tpu.memref_squeeze %dma_start3A_276 : memref<1x10000x64xf32, #tpu.memory_space<hbm>> -> memref<10000x64xf32, #tpu.memory_space<hbm>>
        %dma_start3A_278 = arith.constant 0 : i32
        %dma_start3A_279 = arith.constant 0 : i32
        %dma_start3A_280 = tpu.memref_slice %dma_start3A_277[%dma_start3A_278, %dma_start3A_279] : memref<10000x64xf32, #tpu.memory_space<hbm>> -> memref<10000x64xf32, #tpu.memory_space<hbm>>
        tpu.enqueue_indirect_dma source(%dma_start3A_280 : memref<10000x64xf32, #tpu.memory_space<hbm>>) target(%arg14 : memref<80x64xf32, #tpu.memory_space<vmem>>) offsets(%dma_start3A_273 : memref<80xi32, #tpu.memory_space<vmem>>) semaphore(%arg23 : memref<!tpu.dma_semaphore, #tpu.memory_space<semaphore_mem>>)
      } else {
      }
      %dma_wait3A_240 = arith.constant 0 : i32
      %dma_wait3A_241 = tpu.memref_slice %arg7[%add3A_230, %dma_wait3A_240] : memref<250x80xi32, #tpu.memory_space<vmem>> -> memref<1x80xi32, #tpu.memory_space<vmem>>
      %dma_wait3A_242 = tpu.memref_squeeze %dma_wait3A_241 : memref<1x80xi32, #tpu.memory_space<vmem>> -> memref<80xi32, #tpu.memory_space<vmem>>
      %dma_wait3A_243 = arith.constant 0 : i32
      %dma_wait3A_244 = arith.constant 0 : i32
      %dma_wait3A_245 = tpu.memref_slice %arg2[%arg0, %dma_wait3A_243, %dma_wait3A_244] : memref<2x10000x64xf32, #tpu.memory_space<hbm>> -> memref<1x10000x64xf32, #tpu.memory_space<hbm>>
      %dma_wait3A_246 = tpu.memref_squeeze %dma_wait3A_245 : memref<1x10000x64xf32, #tpu.memory_space<hbm>> -> memref<10000x64xf32, #tpu.memory_space<hbm>>
      %dma_wait3A_247 = arith.constant 0 : i32
      %dma_wait3A_248 = arith.constant 0 : i32
      %dma_wait3A_249 = tpu.memref_slice %dma_wait3A_246[%dma_wait3A_247, %dma_wait3A_248] : memref<10000x64xf32, #tpu.memory_space<hbm>> -> memref<10000x64xf32, #tpu.memory_space<hbm>>
      tpu.wait_indirect_dma semaphore(%arg24 : memref<!tpu.dma_semaphore, #tpu.memory_space<semaphore_mem>>) src(%dma_wait3A_249 : memref<10000x64xf32, #tpu.memory_space<hbm>>) dst(%arg15 : memref<80x64xf32, #tpu.memory_space<vmem>>)
      "tpu.region"() ({
        %run_scoped3A_271 = tpu.sem_alloc : memref<!tpu.dma_semaphore, #tpu.memory_space<semaphore_mem>>
        %dma_start3A_272 = arith.constant 0 : i32
        %dma_start3A_273 = tpu.memref_slice %arg8[%add3A_230, %dma_start3A_272] : memref<250x80xi32, #tpu.memory_space<vmem>> -> memref<1x80xi32, #tpu.memory_space<vmem>>
        %dma_start3A_274 = tpu.memref_squeeze %dma_start3A_273 : memref<1x80xi32, #tpu.memory_space<vmem>> -> memref<80xi32, #tpu.memory_space<vmem>>
        %dma_start3A_275 = arith.constant 0 : i32
        %dma_start3A_276 = arith.constant 0 : i32
        %dma_start3A_277 = tpu.memref_slice %arg17[%dma_start3A_275, %dma_start3A_276] : memref<10112x64xf32, #tpu.memory_space<vmem_shared>> -> memref<10112x64xf32, #tpu.memory_space<vmem_shared>>
        tpu.enqueue_indirect_dma source(%arg15 : memref<80x64xf32, #tpu.memory_space<vmem>>) target(%dma_start3A_277 : memref<10112x64xf32, #tpu.memory_space<vmem_shared>>) offsets(%dma_start3A_274 : memref<80xi32, #tpu.memory_space<vmem>>) semaphore(%run_scoped3A_271 : memref<!tpu.dma_semaphore, #tpu.memory_space<semaphore_mem>>) {add = true}
        %dma_wait3A_278 = arith.constant 0 : i32
        %dma_wait3A_279 = tpu.memref_slice %arg8[%add3A_230, %dma_wait3A_278] : memref<250x80xi32, #tpu.memory_space<vmem>> -> memref<1x80xi32, #tpu.memory_space<vmem>>
        %dma_wait3A_280 = tpu.memref_squeeze %dma_wait3A_279 : memref<1x80xi32, #tpu.memory_space<vmem>> -> memref<80xi32, #tpu.memory_space<vmem>>
        %dma_wait3A_281 = arith.constant 0 : i32
        %dma_wait3A_282 = arith.constant 0 : i32
        %dma_wait3A_283 = tpu.memref_slice %arg17[%dma_wait3A_281, %dma_wait3A_282] : memref<10112x64xf32, #tpu.memory_space<vmem_shared>> -> memref<10112x64xf32, #tpu.memory_space<vmem_shared>>
        tpu.wait_indirect_dma semaphore(%run_scoped3A_271 : memref<!tpu.dma_semaphore, #tpu.memory_space<semaphore_mem>>) src(%arg15 : memref<80x64xf32, #tpu.memory_space<vmem>>) dst(%dma_wait3A_283 : memref<10112x64xf32, #tpu.memory_space<vmem_shared>>)
        tpu.yield
      }) : () -> ()
      %add3A_250 = arith.constant 7 : i32
      %add3A_251 = arith.addi %mul3A_107, %add3A_250 : i32
      %add3A_252 = arith.constant 8 : i32
      %add3A_253 = arith.addi %add3A_251, %add3A_252 : i32
      %sub3A_254 = arith.constant 1 : i32
      %sub3A_255 = arith.subi %add3A_253, %sub3A_254 : i32
      %lt3A_256 = arith.constant 250 : i32
      %lt3A_257 = arith.cmpi slt, %sub3A_255, %lt3A_256 : i32
      %convert_element_type3A_258 = arith.extui %lt3A_257 : i1 to i32
      %cond3A_259 = arith.constant 0 : i32
      %cond3A_260 = arith.cmpi ne, %convert_element_type3A_258, %cond3A_259 : i32
      scf.if %cond3A_260 {
        %dma_start3A_271 = arith.constant 0 : i32
        %dma_start3A_272 = tpu.memref_slice %arg7[%sub3A_255, %dma_start3A_271] : memref<250x80xi32, #tpu.memory_space<vmem>> -> memref<1x80xi32, #tpu.memory_space<vmem>>
        %dma_start3A_273 = tpu.memref_squeeze %dma_start3A_272 : memref<1x80xi32, #tpu.memory_space<vmem>> -> memref<80xi32, #tpu.memory_space<vmem>>
        %dma_start3A_274 = arith.constant 0 : i32
        %dma_start3A_275 = arith.constant 0 : i32
        %dma_start3A_276 = tpu.memref_slice %arg2[%arg0, %dma_start3A_274, %dma_start3A_275] : memref<2x10000x64xf32, #tpu.memory_space<hbm>> -> memref<1x10000x64xf32, #tpu.memory_space<hbm>>
        %dma_start3A_277 = tpu.memref_squeeze %dma_start3A_276 : memref<1x10000x64xf32, #tpu.memory_space<hbm>> -> memref<10000x64xf32, #tpu.memory_space<hbm>>
        %dma_start3A_278 = arith.constant 0 : i32
        %dma_start3A_279 = arith.constant 0 : i32
        %dma_start3A_280 = tpu.memref_slice %dma_start3A_277[%dma_start3A_278, %dma_start3A_279] : memref<10000x64xf32, #tpu.memory_space<hbm>> -> memref<10000x64xf32, #tpu.memory_space<hbm>>
        tpu.enqueue_indirect_dma source(%dma_start3A_280 : memref<10000x64xf32, #tpu.memory_space<hbm>>) target(%arg15 : memref<80x64xf32, #tpu.memory_space<vmem>>) offsets(%dma_start3A_273 : memref<80xi32, #tpu.memory_space<vmem>>) semaphore(%arg24 : memref<!tpu.dma_semaphore, #tpu.memory_space<semaphore_mem>>)
      } else {
      }
      %dma_wait3A_261 = arith.constant 0 : i32
      %dma_wait3A_262 = tpu.memref_slice %arg7[%add3A_251, %dma_wait3A_261] : memref<250x80xi32, #tpu.memory_space<vmem>> -> memref<1x80xi32, #tpu.memory_space<vmem>>
      %dma_wait3A_263 = tpu.memref_squeeze %dma_wait3A_262 : memref<1x80xi32, #tpu.memory_space<vmem>> -> memref<80xi32, #tpu.memory_space<vmem>>
      %dma_wait3A_264 = arith.constant 0 : i32
      %dma_wait3A_265 = arith.constant 0 : i32
      %dma_wait3A_266 = tpu.memref_slice %arg2[%arg0, %dma_wait3A_264, %dma_wait3A_265] : memref<2x10000x64xf32, #tpu.memory_space<hbm>> -> memref<1x10000x64xf32, #tpu.memory_space<hbm>>
      %dma_wait3A_267 = tpu.memref_squeeze %dma_wait3A_266 : memref<1x10000x64xf32, #tpu.memory_space<hbm>> -> memref<10000x64xf32, #tpu.memory_space<hbm>>
      %dma_wait3A_268 = arith.constant 0 : i32
      %dma_wait3A_269 = arith.constant 0 : i32
      %dma_wait3A_270 = tpu.memref_slice %dma_wait3A_267[%dma_wait3A_268, %dma_wait3A_269] : memref<10000x64xf32, #tpu.memory_space<hbm>> -> memref<10000x64xf32, #tpu.memory_space<hbm>>
      tpu.wait_indirect_dma semaphore(%arg25 : memref<!tpu.dma_semaphore, #tpu.memory_space<semaphore_mem>>) src(%dma_wait3A_270 : memref<10000x64xf32, #tpu.memory_space<hbm>>) dst(%arg16 : memref<80x64xf32, #tpu.memory_space<vmem>>)
      "tpu.region"() ({
        %run_scoped3A_271 = tpu.sem_alloc : memref<!tpu.dma_semaphore, #tpu.memory_space<semaphore_mem>>
        %dma_start3A_272 = arith.constant 0 : i32
        %dma_start3A_273 = tpu.memref_slice %arg8[%add3A_251, %dma_start3A_272] : memref<250x80xi32, #tpu.memory_space<vmem>> -> memref<1x80xi32, #tpu.memory_space<vmem>>
        %dma_start3A_274 = tpu.memref_squeeze %dma_start3A_273 : memref<1x80xi32, #tpu.memory_space<vmem>> -> memref<80xi32, #tpu.memory_space<vmem>>
        %dma_start3A_275 = arith.constant 0 : i32
        %dma_start3A_276 = arith.constant 0 : i32
        %dma_start3A_277 = tpu.memref_slice %arg17[%dma_start3A_275, %dma_start3A_276] : memref<10112x64xf32, #tpu.memory_space<vmem_shared>> -> memref<10112x64xf32, #tpu.memory_space<vmem_shared>>
        tpu.enqueue_indirect_dma source(%arg16 : memref<80x64xf32, #tpu.memory_space<vmem>>) target(%dma_start3A_277 : memref<10112x64xf32, #tpu.memory_space<vmem_shared>>) offsets(%dma_start3A_274 : memref<80xi32, #tpu.memory_space<vmem>>) semaphore(%run_scoped3A_271 : memref<!tpu.dma_semaphore, #tpu.memory_space<semaphore_mem>>) {add = true}
        %dma_wait3A_278 = arith.constant 0 : i32
        %dma_wait3A_279 = tpu.memref_slice %arg8[%add3A_251, %dma_wait3A_278] : memref<250x80xi32, #tpu.memory_space<vmem>> -> memref<1x80xi32, #tpu.memory_space<vmem>>
        %dma_wait3A_280 = tpu.memref_squeeze %dma_wait3A_279 : memref<1x80xi32, #tpu.memory_space<vmem>> -> memref<80xi32, #tpu.memory_space<vmem>>
        %dma_wait3A_281 = arith.constant 0 : i32
        %dma_wait3A_282 = arith.constant 0 : i32
        %dma_wait3A_283 = tpu.memref_slice %arg17[%dma_wait3A_281, %dma_wait3A_282] : memref<10112x64xf32, #tpu.memory_space<vmem_shared>> -> memref<10112x64xf32, #tpu.memory_space<vmem_shared>>
        tpu.wait_indirect_dma semaphore(%run_scoped3A_271 : memref<!tpu.dma_semaphore, #tpu.memory_space<semaphore_mem>>) src(%arg16 : memref<80x64xf32, #tpu.memory_space<vmem>>) dst(%dma_wait3A_283 : memref<10112x64xf32, #tpu.memory_space<vmem_shared>>)
        tpu.yield
      }) : () -> ()
    }
    %scan3A_81 = arith.constant 31 : i32
    %dma_wait3A = arith.constant 248 : i32
    %dma_wait3A_82 = arith.constant 0 : i32
    %dma_wait3A_83 = tpu.memref_slice %arg7[%dma_wait3A, %dma_wait3A_82] : memref<250x80xi32, #tpu.memory_space<vmem>> -> memref<1x80xi32, #tpu.memory_space<vmem>>
    %dma_wait3A_84 = tpu.memref_squeeze %dma_wait3A_83 : memref<1x80xi32, #tpu.memory_space<vmem>> -> memref<80xi32, #tpu.memory_space<vmem>>
    %dma_wait3A_85 = arith.constant 0 : i32
    %dma_wait3A_86 = arith.constant 0 : i32
    %dma_wait3A_87 = tpu.memref_slice %arg2[%arg0, %dma_wait3A_85, %dma_wait3A_86] : memref<2x10000x64xf32, #tpu.memory_space<hbm>> -> memref<1x10000x64xf32, #tpu.memory_space<hbm>>
    %dma_wait3A_88 = tpu.memref_squeeze %dma_wait3A_87 : memref<1x10000x64xf32, #tpu.memory_space<hbm>> -> memref<10000x64xf32, #tpu.memory_space<hbm>>
    %dma_wait3A_89 = arith.constant 0 : i32
    %dma_wait3A_90 = arith.constant 0 : i32
    %dma_wait3A_91 = tpu.memref_slice %dma_wait3A_88[%dma_wait3A_89, %dma_wait3A_90] : memref<10000x64xf32, #tpu.memory_space<hbm>> -> memref<10000x64xf32, #tpu.memory_space<hbm>>
    tpu.wait_indirect_dma semaphore(%arg18 : memref<!tpu.dma_semaphore, #tpu.memory_space<semaphore_mem>>) src(%dma_wait3A_91 : memref<10000x64xf32, #tpu.memory_space<hbm>>) dst(%arg9 : memref<80x64xf32, #tpu.memory_space<vmem>>)
    %run_scoped3A = arith.constant 248 : i32
    "tpu.region"() ({
      %run_scoped3A_105 = tpu.sem_alloc : memref<!tpu.dma_semaphore, #tpu.memory_space<semaphore_mem>>
      %dma_start3A_106 = arith.constant 0 : i32
      %dma_start3A_107 = tpu.memref_slice %arg8[%run_scoped3A, %dma_start3A_106] : memref<250x80xi32, #tpu.memory_space<vmem>> -> memref<1x80xi32, #tpu.memory_space<vmem>>
      %dma_start3A_108 = tpu.memref_squeeze %dma_start3A_107 : memref<1x80xi32, #tpu.memory_space<vmem>> -> memref<80xi32, #tpu.memory_space<vmem>>
      %dma_start3A_109 = arith.constant 0 : i32
      %dma_start3A_110 = arith.constant 0 : i32
      %dma_start3A_111 = tpu.memref_slice %arg17[%dma_start3A_109, %dma_start3A_110] : memref<10112x64xf32, #tpu.memory_space<vmem_shared>> -> memref<10112x64xf32, #tpu.memory_space<vmem_shared>>
      tpu.enqueue_indirect_dma source(%arg9 : memref<80x64xf32, #tpu.memory_space<vmem>>) target(%dma_start3A_111 : memref<10112x64xf32, #tpu.memory_space<vmem_shared>>) offsets(%dma_start3A_108 : memref<80xi32, #tpu.memory_space<vmem>>) semaphore(%run_scoped3A_105 : memref<!tpu.dma_semaphore, #tpu.memory_space<semaphore_mem>>) {add = true}
      %dma_wait3A_112 = arith.constant 0 : i32
      %dma_wait3A_113 = tpu.memref_slice %arg8[%run_scoped3A, %dma_wait3A_112] : memref<250x80xi32, #tpu.memory_space<vmem>> -> memref<1x80xi32, #tpu.memory_space<vmem>>
      %dma_wait3A_114 = tpu.memref_squeeze %dma_wait3A_113 : memref<1x80xi32, #tpu.memory_space<vmem>> -> memref<80xi32, #tpu.memory_space<vmem>>
      %dma_wait3A_115 = arith.constant 0 : i32
      %dma_wait3A_116 = arith.constant 0 : i32
      %dma_wait3A_117 = tpu.memref_slice %arg17[%dma_wait3A_115, %dma_wait3A_116] : memref<10112x64xf32, #tpu.memory_space<vmem_shared>> -> memref<10112x64xf32, #tpu.memory_space<vmem_shared>>
      tpu.wait_indirect_dma semaphore(%run_scoped3A_105 : memref<!tpu.dma_semaphore, #tpu.memory_space<semaphore_mem>>) src(%arg9 : memref<80x64xf32, #tpu.memory_space<vmem>>) dst(%dma_wait3A_117 : memref<10112x64xf32, #tpu.memory_space<vmem_shared>>)
      tpu.yield
    }) : () -> ()
    %dma_wait3A_92 = arith.constant 249 : i32
    %dma_wait3A_93 = arith.constant 0 : i32
    %dma_wait3A_94 = tpu.memref_slice %arg7[%dma_wait3A_92, %dma_wait3A_93] : memref<250x80xi32, #tpu.memory_space<vmem>> -> memref<1x80xi32, #tpu.memory_space<vmem>>
    %dma_wait3A_95 = tpu.memref_squeeze %dma_wait3A_94 : memref<1x80xi32, #tpu.memory_space<vmem>> -> memref<80xi32, #tpu.memory_space<vmem>>
    %dma_wait3A_96 = arith.constant 0 : i32
    %dma_wait3A_97 = arith.constant 0 : i32
    %dma_wait3A_98 = tpu.memref_slice %arg2[%arg0, %dma_wait3A_96, %dma_wait3A_97] : memref<2x10000x64xf32, #tpu.memory_space<hbm>> -> memref<1x10000x64xf32, #tpu.memory_space<hbm>>
    %dma_wait3A_99 = tpu.memref_squeeze %dma_wait3A_98 : memref<1x10000x64xf32, #tpu.memory_space<hbm>> -> memref<10000x64xf32, #tpu.memory_space<hbm>>
    %dma_wait3A_100 = arith.constant 0 : i32
    %dma_wait3A_101 = arith.constant 0 : i32
    %dma_wait3A_102 = tpu.memref_slice %dma_wait3A_99[%dma_wait3A_100, %dma_wait3A_101] : memref<10000x64xf32, #tpu.memory_space<hbm>> -> memref<10000x64xf32, #tpu.memory_space<hbm>>
    tpu.wait_indirect_dma semaphore(%arg19 : memref<!tpu.dma_semaphore, #tpu.memory_space<semaphore_mem>>) src(%dma_wait3A_102 : memref<10000x64xf32, #tpu.memory_space<hbm>>) dst(%arg10 : memref<80x64xf32, #tpu.memory_space<vmem>>)
    %run_scoped3A_103 = arith.constant 249 : i32
    "tpu.region"() ({
      %run_scoped3A_105 = tpu.sem_alloc : memref<!tpu.dma_semaphore, #tpu.memory_space<semaphore_mem>>
      %dma_start3A_106 = arith.constant 0 : i32
      %dma_start3A_107 = tpu.memref_slice %arg8[%run_scoped3A_103, %dma_start3A_106] : memref<250x80xi32, #tpu.memory_space<vmem>> -> memref<1x80xi32, #tpu.memory_space<vmem>>
      %dma_start3A_108 = tpu.memref_squeeze %dma_start3A_107 : memref<1x80xi32, #tpu.memory_space<vmem>> -> memref<80xi32, #tpu.memory_space<vmem>>
      %dma_start3A_109 = arith.constant 0 : i32
      %dma_start3A_110 = arith.constant 0 : i32
      %dma_start3A_111 = tpu.memref_slice %arg17[%dma_start3A_109, %dma_start3A_110] : memref<10112x64xf32, #tpu.memory_space<vmem_shared>> -> memref<10112x64xf32, #tpu.memory_space<vmem_shared>>
      tpu.enqueue_indirect_dma source(%arg10 : memref<80x64xf32, #tpu.memory_space<vmem>>) target(%dma_start3A_111 : memref<10112x64xf32, #tpu.memory_space<vmem_shared>>) offsets(%dma_start3A_108 : memref<80xi32, #tpu.memory_space<vmem>>) semaphore(%run_scoped3A_105 : memref<!tpu.dma_semaphore, #tpu.memory_space<semaphore_mem>>) {add = true}
      %dma_wait3A_112 = arith.constant 0 : i32
      %dma_wait3A_113 = tpu.memref_slice %arg8[%run_scoped3A_103, %dma_wait3A_112] : memref<250x80xi32, #tpu.memory_space<vmem>> -> memref<1x80xi32, #tpu.memory_space<vmem>>
      %dma_wait3A_114 = tpu.memref_squeeze %dma_wait3A_113 : memref<1x80xi32, #tpu.memory_space<vmem>> -> memref<80xi32, #tpu.memory_space<vmem>>
      %dma_wait3A_115 = arith.constant 0 : i32
      %dma_wait3A_116 = arith.constant 0 : i32
      %dma_wait3A_117 = tpu.memref_slice %arg17[%dma_wait3A_115, %dma_wait3A_116] : memref<10112x64xf32, #tpu.memory_space<vmem_shared>> -> memref<10112x64xf32, #tpu.memory_space<vmem_shared>>
      tpu.wait_indirect_dma semaphore(%run_scoped3A_105 : memref<!tpu.dma_semaphore, #tpu.memory_space<semaphore_mem>>) src(%arg10 : memref<80x64xf32, #tpu.memory_space<vmem>>) dst(%dma_wait3A_117 : memref<10112x64xf32, #tpu.memory_space<vmem_shared>>)
      tpu.yield
    }) : () -> ()
    %barrier3A_104 = arith.constant 0 : index
    tpu.barrier barrier_id(%barrier3A_104)
    "tpu.region"() ({
      %run_scoped3A_105 = tpu.sem_alloc : memref<!tpu.dma_semaphore, #tpu.memory_space<semaphore_mem>>
      %dma_start3A_106 = arith.constant 0 : i32
      %dma_start3A_107 = arith.constant 0 : i32
      %dma_start3A_108 = tpu.memref_slice %arg6[%arg0, %dma_start3A_106, %dma_start3A_107] : memref<2x10112x64xf32, #tpu.memory_space<hbm>> -> memref<1x10112x64xf32, #tpu.memory_space<hbm>>
      %dma_start3A_109 = tpu.memref_squeeze %dma_start3A_108 : memref<1x10112x64xf32, #tpu.memory_space<hbm>> -> memref<10112x64xf32, #tpu.memory_space<hbm>>
      %dma_start3A_110 = arith.constant 0 : i32
      %dma_start3A_111 = tpu.memref_slice %dma_start3A_109[%mul3A_0, %dma_start3A_110] : memref<10112x64xf32, #tpu.memory_space<hbm>> -> memref<632x64xf32, #tpu.memory_space<hbm>>
      %dma_start3A_112 = arith.constant 0 : i32
      %dma_start3A_113 = tpu.memref_slice %arg17[%mul3A_0, %dma_start3A_112] : memref<10112x64xf32, #tpu.memory_space<vmem_shared>> -> memref<632x64xf32, #tpu.memory_space<vmem_shared>>
      tpu.enqueue_dma source(%dma_start3A_113 : memref<632x64xf32, #tpu.memory_space<vmem_shared>>) target(%dma_start3A_111 : memref<632x64xf32, #tpu.memory_space<hbm>>) target_semaphore(%run_scoped3A_105 : memref<!tpu.dma_semaphore, #tpu.memory_space<semaphore_mem>>)
      %dma_wait3A_114 = arith.constant 0 : i32
      %dma_wait3A_115 = arith.constant 0 : i32
      %dma_wait3A_116 = tpu.memref_slice %arg6[%arg0, %dma_wait3A_114, %dma_wait3A_115] : memref<2x10112x64xf32, #tpu.memory_space<hbm>> -> memref<1x10112x64xf32, #tpu.memory_space<hbm>>
      %dma_wait3A_117 = tpu.memref_squeeze %dma_wait3A_116 : memref<1x10112x64xf32, #tpu.memory_space<hbm>> -> memref<10112x64xf32, #tpu.memory_space<hbm>>
      %dma_wait3A_118 = arith.constant 0 : i32
      %dma_wait3A_119 = tpu.memref_slice %dma_wait3A_117[%mul3A_0, %dma_wait3A_118] : memref<10112x64xf32, #tpu.memory_space<hbm>> -> memref<632x64xf32, #tpu.memory_space<hbm>>
      %dma_wait3A_120 = arith.constant 0 : i32
      %dma_wait3A_121 = tpu.memref_slice %arg17[%mul3A_0, %dma_wait3A_120] : memref<10112x64xf32, #tpu.memory_space<vmem_shared>> -> memref<632x64xf32, #tpu.memory_space<vmem_shared>>
      tpu.wait_dma2 semaphore(%run_scoped3A_105 : memref<!tpu.dma_semaphore, #tpu.memory_space<semaphore_mem>>) src(%dma_wait3A_121 : memref<632x64xf32, #tpu.memory_space<vmem_shared>>) dst(%dma_wait3A_119 : memref<632x64xf32, #tpu.memory_space<hbm>>)
      tpu.yield
    }) : () -> ()
    return
  }
}

module attributes {stable_mosaic.version = 14 : i64} {
  func.func @_tc1_body(%arg0: memref<2x10112x64xf32, #tpu.memory_space<vmem>>, %arg1: memref<2x10112x16xf32, #tpu.memory_space<vmem>>, %arg2: memref<10000x128xf32, #tpu.memory_space<vmem>>, %arg3: memref<128x128xf32, #tpu.memory_space<vmem>>, %arg4: memref<128x128xf32, #tpu.memory_space<vmem>>, %arg5: memref<1x128xf32, #tpu.memory_space<vmem>>, %arg6: memref<1x128xf32, #tpu.memory_space<vmem>>, %arg7: memref<1x128xf32, #tpu.memory_space<vmem>>, %arg8: memref<10000x128xf32, #tpu.memory_space<vmem>>, %arg9: memref<2x10000x64xf32, #tpu.memory_space<vmem>>) attributes {dimension_semantics = [], scalar_prefetch = 0 : i64, scratch_operands = 0 : i64, tpu.core_type = #tpu.core_type<tc>} {
    %get3A = arith.constant 0 : index
    %get3A_0 = arith.constant 0 : index
    %get3A_1 = arith.constant 0 : index
    %get3A_2 = vector.load %arg1[%get3A, %get3A_0, %get3A_1] : memref<2x10112x16xf32, #tpu.memory_space<vmem>>, vector<1x10000x16xf32>
    %get3A_3 = vector.shape_cast %get3A_2 : vector<1x10000x16xf32> to vector<10000x16xf32>
    %get3A_4 = arith.constant 1 : index
    %get3A_5 = arith.constant 0 : index
    %get3A_6 = arith.constant 0 : index
    %get3A_7 = vector.load %arg1[%get3A_4, %get3A_5, %get3A_6] : memref<2x10112x16xf32, #tpu.memory_space<vmem>>, vector<1x10000x16xf32>
    %get3A_8 = vector.shape_cast %get3A_7 : vector<1x10000x16xf32> to vector<10000x16xf32>
    %add3A = arith.addf %get3A_3, %get3A_8 : vector<10000x16xf32>
    %max3A = arith.constant 1.000000e+00 : f32
    %max3A_9 = vector.broadcast %max3A : f32 to vector<10000x16xf32>
    %max3A_10 = arith.maximumf %add3A, %max3A_9 : vector<10000x16xf32>
    %slice3A = vector.extract_strided_slice %max3A_10 {offsets = [0, 0], sizes = [10000, 1], strides = [1, 1]} : vector<10000x16xf32> to vector<10000x1xf32>
    %div3A = arith.constant 1.000000e+00 : f32
    %div3A_11 = vector.broadcast %div3A : f32 to vector<10000x1xf32>
    %div3A_12 = arith.divf %div3A_11, %slice3A : vector<10000x1xf32>
    %get3A_13 = arith.constant 0 : index
    %get3A_14 = arith.constant 0 : index
    %get3A_15 = arith.constant 0 : index
    %get3A_16 = vector.load %arg0[%get3A_13, %get3A_14, %get3A_15] : memref<2x10112x64xf32, #tpu.memory_space<vmem>>, vector<1x10000x64xf32>
    %get3A_17 = vector.shape_cast %get3A_16 : vector<1x10000x64xf32> to vector<10000x64xf32>
    %mul3A = vector.broadcast %div3A_12 : vector<10000x1xf32> to vector<10000x64xf32>
    %mul3A_18 = arith.mulf %get3A_17, %mul3A : vector<10000x64xf32>
    %get3A_19 = arith.constant 1 : index
    %get3A_20 = arith.constant 0 : index
    %get3A_21 = arith.constant 0 : index
    %get3A_22 = vector.load %arg0[%get3A_19, %get3A_20, %get3A_21] : memref<2x10112x64xf32, #tpu.memory_space<vmem>>, vector<1x10000x64xf32>
    %get3A_23 = vector.shape_cast %get3A_22 : vector<1x10000x64xf32> to vector<10000x64xf32>
    %mul3A_24 = vector.broadcast %div3A_12 : vector<10000x1xf32> to vector<10000x64xf32>
    %mul3A_25 = arith.mulf %get3A_23, %mul3A_24 : vector<10000x64xf32>
    %get3A_26 = arith.constant 0 : index
    %get3A_27 = arith.constant 0 : index
    %get3A_28 = vector.load %arg3[%get3A_26, %get3A_27] : memref<128x128xf32, #tpu.memory_space<vmem>>, vector<64x128xf32>
    %dot_general3A = arith.constant dense<0.000000e+00> : vector<10000x128xf32>
    %dot_general3A_29 = tpu.matmul %mul3A_18, %get3A_28, %dot_general3A {dimension_numbers = #tpu.dot_dimension_numbers<[1], [0], [0], [1], [0, 0, 1, 1], [], []>, transpose_lhs_hint = false} : vector<10000x64xf32>, vector<64x128xf32>, vector<10000x128xf32> -> vector<10000x128xf32>
    %get3A_30 = arith.constant 64 : index
    %get3A_31 = arith.constant 0 : index
    %get3A_32 = vector.load %arg3[%get3A_30, %get3A_31] : memref<128x128xf32, #tpu.memory_space<vmem>>, vector<64x128xf32>
    %dot_general3A_33 = arith.constant dense<0.000000e+00> : vector<10000x128xf32>
    %dot_general3A_34 = tpu.matmul %mul3A_25, %get3A_32, %dot_general3A_33 {dimension_numbers = #tpu.dot_dimension_numbers<[1], [0], [0], [1], [0, 0, 1, 1], [], []>, transpose_lhs_hint = false} : vector<10000x64xf32>, vector<64x128xf32>, vector<10000x128xf32> -> vector<10000x128xf32>
    %add3A_35 = arith.addf %dot_general3A_29, %dot_general3A_34 : vector<10000x128xf32>
    %get3A_36 = arith.constant 0 : index
    %get3A_37 = arith.constant 0 : index
    %get3A_38 = vector.load %arg2[%get3A_36, %get3A_37] : memref<10000x128xf32, #tpu.memory_space<vmem>>, vector<10000x128xf32>
    %get3A_39 = arith.constant 0 : index
    %get3A_40 = arith.constant 0 : index
    %get3A_41 = vector.load %arg4[%get3A_39, %get3A_40] : memref<128x128xf32, #tpu.memory_space<vmem>>, vector<128x128xf32>
    %dot_general3A_42 = arith.constant dense<0.000000e+00> : vector<10000x128xf32>
    %dot_general3A_43 = tpu.matmul %get3A_38, %get3A_41, %dot_general3A_42 {dimension_numbers = #tpu.dot_dimension_numbers<[1], [0], [0], [1], [0, 0, 1, 1], [], []>, transpose_lhs_hint = false} : vector<10000x128xf32>, vector<128x128xf32>, vector<10000x128xf32> -> vector<10000x128xf32>
    %add3A_44 = arith.addf %add3A_35, %dot_general3A_43 : vector<10000x128xf32>
    %get3A_45 = arith.constant 0 : index
    %get3A_46 = arith.constant 0 : index
    %get3A_47 = vector.load %arg5[%get3A_45, %get3A_46] : memref<1x128xf32, #tpu.memory_space<vmem>>, vector<1x128xf32>
    %add3A_48 = vector.broadcast %get3A_47 : vector<1x128xf32> to vector<10000x128xf32>
    %add3A_49 = arith.addf %add3A_44, %add3A_48 : vector<10000x128xf32>
    %mul3A_50 = arith.mulf %add3A_49, %add3A_49 : vector<10000x128xf32>
    %reduce_sum3A = arith.constant dense<0.000000e+00> : vector<10000xf32>
    %reduce_sum3A_51 = vector.multi_reduction <add>, %mul3A_50, %reduce_sum3A [1] : vector<10000x128xf32> to vector<10000xf32>
    %broadcast_in_dim3A = vector.shape_cast %reduce_sum3A_51 : vector<10000xf32> to vector<10000x1xf32>
    %max3A_52 = arith.constant 1.000000e-24 : f32
    %max3A_53 = vector.broadcast %max3A_52 : f32 to vector<10000x1xf32>
    %max3A_54 = arith.maximumf %broadcast_in_dim3A, %max3A_53 : vector<10000x1xf32>
    %rsqrt3A = math.rsqrt %max3A_54 : vector<10000x1xf32>
    %mul3A_55 = vector.broadcast %rsqrt3A : vector<10000x1xf32> to vector<10000x128xf32>
    %mul3A_56 = arith.mulf %add3A_49, %mul3A_55 : vector<10000x128xf32>
    %reduce_sum3A_57 = arith.constant dense<0.000000e+00> : vector<128xf32>
    %reduce_sum3A_58 = vector.multi_reduction <add>, %mul3A_56, %reduce_sum3A_57 [0] : vector<10000x128xf32> to vector<128xf32>
    %broadcast_in_dim3A_59 = vector.shape_cast %reduce_sum3A_58 : vector<128xf32> to vector<1x128xf32>
    %div3A_60 = arith.constant 1.000000e+04 : f32
    %div3A_61 = vector.broadcast %div3A_60 : f32 to vector<1x128xf32>
    %div3A_62 = arith.divf %broadcast_in_dim3A_59, %div3A_61 : vector<1x128xf32>
    %sub3A = vector.broadcast %div3A_62 : vector<1x128xf32> to vector<10000x128xf32>
    %sub3A_63 = arith.subf %mul3A_56, %sub3A : vector<10000x128xf32>
    %integer_pow3A = arith.mulf %sub3A_63, %sub3A_63 : vector<10000x128xf32>
    %reduce_sum3A_64 = arith.constant dense<0.000000e+00> : vector<128xf32>
    %reduce_sum3A_65 = vector.multi_reduction <add>, %integer_pow3A, %reduce_sum3A_64 [0] : vector<10000x128xf32> to vector<128xf32>
    %broadcast_in_dim3A_66 = vector.shape_cast %reduce_sum3A_65 : vector<128xf32> to vector<1x128xf32>
    %div3A_67 = arith.constant 1.000000e+04 : f32
    %div3A_68 = vector.broadcast %div3A_67 : f32 to vector<1x128xf32>
    %div3A_69 = arith.divf %broadcast_in_dim3A_66, %div3A_68 : vector<1x128xf32>
    %sub3A_70 = vector.broadcast %div3A_62 : vector<1x128xf32> to vector<10000x128xf32>
    %sub3A_71 = arith.subf %mul3A_56, %sub3A_70 : vector<10000x128xf32>
    %add3A_72 = arith.constant 9.99999974E-6 : f32
    %add3A_73 = vector.broadcast %add3A_72 : f32 to vector<1x128xf32>
    %add3A_74 = arith.addf %div3A_69, %add3A_73 : vector<1x128xf32>
    %rsqrt3A_75 = math.rsqrt %add3A_74 : vector<1x128xf32>
    %mul3A_76 = vector.broadcast %rsqrt3A_75 : vector<1x128xf32> to vector<10000x128xf32>
    %mul3A_77 = arith.mulf %sub3A_71, %mul3A_76 : vector<10000x128xf32>
    %get3A_78 = arith.constant 0 : index
    %get3A_79 = arith.constant 0 : index
    %get3A_80 = vector.load %arg6[%get3A_78, %get3A_79] : memref<1x128xf32, #tpu.memory_space<vmem>>, vector<1x128xf32>
    %mul3A_81 = vector.broadcast %get3A_80 : vector<1x128xf32> to vector<10000x128xf32>
    %mul3A_82 = arith.mulf %mul3A_77, %mul3A_81 : vector<10000x128xf32>
    %get3A_83 = arith.constant 0 : index
    %get3A_84 = arith.constant 0 : index
    %get3A_85 = vector.load %arg7[%get3A_83, %get3A_84] : memref<1x128xf32, #tpu.memory_space<vmem>>, vector<1x128xf32>
    %add3A_86 = vector.broadcast %get3A_85 : vector<1x128xf32> to vector<10000x128xf32>
    %add3A_87 = arith.addf %mul3A_82, %add3A_86 : vector<10000x128xf32>
    %max3A_88 = arith.constant 0.000000e+00 : f32
    %max3A_89 = vector.broadcast %max3A_88 : f32 to vector<10000x128xf32>
    %max3A_90 = arith.maximumf %add3A_87, %max3A_89 : vector<10000x128xf32>
    %swap3A = arith.constant 0 : index
    %swap3A_91 = arith.constant 0 : index
    %swap3A_92 = vector.load %arg8[%swap3A, %swap3A_91] : memref<10000x128xf32, #tpu.memory_space<vmem>>, vector<10000x128xf32>
    tpu.vector_store %arg8[%swap3A, %swap3A_91], %max3A_90 {strides = array<i32>} : memref<10000x128xf32, #tpu.memory_space<vmem>>, vector<10000x128xf32>,
    %slice3A_93 = vector.extract_strided_slice %max3A_90 {offsets = [0, 0], sizes = [10000, 64], strides = [1, 1]} : vector<10000x128xf32> to vector<10000x64xf32>
    %swap3A_94 = arith.constant 0 : index
    %swap3A_95 = arith.constant 0 : index
    %swap3A_96 = arith.constant 0 : index
    %swap3A_97 = vector.load %arg9[%swap3A_94, %swap3A_95, %swap3A_96] : memref<2x10000x64xf32, #tpu.memory_space<vmem>>, vector<1x10000x64xf32>
    %swap3A_98 = vector.shape_cast %swap3A_97 : vector<1x10000x64xf32> to vector<10000x64xf32>
    %swap3A_99 = vector.shape_cast %slice3A_93 : vector<10000x64xf32> to vector<1x10000x64xf32>
    tpu.vector_store %arg9[%swap3A_94, %swap3A_95, %swap3A_96], %swap3A_99 {strides = array<i32>} : memref<2x10000x64xf32, #tpu.memory_space<vmem>>, vector<1x10000x64xf32>,
    %slice3A_100 = vector.extract_strided_slice %max3A_90 {offsets = [0, 64], sizes = [10000, 64], strides = [1, 1]} : vector<10000x128xf32> to vector<10000x64xf32>
    %swap3A_101 = arith.constant 1 : index
    %swap3A_102 = arith.constant 0 : index
    %swap3A_103 = arith.constant 0 : index
    %swap3A_104 = vector.load %arg9[%swap3A_101, %swap3A_102, %swap3A_103] : memref<2x10000x64xf32, #tpu.memory_space<vmem>>, vector<1x10000x64xf32>
    %swap3A_105 = vector.shape_cast %swap3A_104 : vector<1x10000x64xf32> to vector<10000x64xf32>
    %swap3A_106 = vector.shape_cast %slice3A_100 : vector<10000x64xf32> to vector<1x10000x64xf32>
    tpu.vector_store %arg9[%swap3A_101, %swap3A_102, %swap3A_103], %swap3A_106 {strides = array<i32>} : memref<2x10000x64xf32, #tpu.memory_space<vmem>>, vector<1x10000x64xf32>,
    return
  }
}

module attributes {stable_mosaic.version = 14 : i64} {
  func.func @_tc2_body(%arg0: memref<2x10112x64xf32, #tpu.memory_space<vmem>>, %arg1: memref<2x10112x16xf32, #tpu.memory_space<vmem>>, %arg2: memref<10000x128xf32, #tpu.memory_space<vmem>>, %arg3: memref<128x128xf32, #tpu.memory_space<vmem>>, %arg4: memref<128x128xf32, #tpu.memory_space<vmem>>, %arg5: memref<1x128xf32, #tpu.memory_space<vmem>>, %arg6: memref<1x128xf32, #tpu.memory_space<vmem>>, %arg7: memref<1x128xf32, #tpu.memory_space<vmem>>, %arg8: memref<128x47xf32, #tpu.memory_space<vmem>>, %arg9: memref<1x47xf32, #tpu.memory_space<vmem>>, %arg10: memref<10000x47xf32, #tpu.memory_space<vmem>>) attributes {dimension_semantics = [], scalar_prefetch = 0 : i64, scratch_operands = 0 : i64, tpu.core_type = #tpu.core_type<tc>} {
    %get3A = arith.constant 0 : index
    %get3A_0 = arith.constant 0 : index
    %get3A_1 = arith.constant 0 : index
    %get3A_2 = vector.load %arg1[%get3A, %get3A_0, %get3A_1] : memref<2x10112x16xf32, #tpu.memory_space<vmem>>, vector<1x10000x16xf32>
    %get3A_3 = vector.shape_cast %get3A_2 : vector<1x10000x16xf32> to vector<10000x16xf32>
    %get3A_4 = arith.constant 1 : index
    %get3A_5 = arith.constant 0 : index
    %get3A_6 = arith.constant 0 : index
    %get3A_7 = vector.load %arg1[%get3A_4, %get3A_5, %get3A_6] : memref<2x10112x16xf32, #tpu.memory_space<vmem>>, vector<1x10000x16xf32>
    %get3A_8 = vector.shape_cast %get3A_7 : vector<1x10000x16xf32> to vector<10000x16xf32>
    %add3A = arith.addf %get3A_3, %get3A_8 : vector<10000x16xf32>
    %max3A = arith.constant 1.000000e+00 : f32
    %max3A_9 = vector.broadcast %max3A : f32 to vector<10000x16xf32>
    %max3A_10 = arith.maximumf %add3A, %max3A_9 : vector<10000x16xf32>
    %slice3A = vector.extract_strided_slice %max3A_10 {offsets = [0, 0], sizes = [10000, 1], strides = [1, 1]} : vector<10000x16xf32> to vector<10000x1xf32>
    %div3A = arith.constant 1.000000e+00 : f32
    %div3A_11 = vector.broadcast %div3A : f32 to vector<10000x1xf32>
    %div3A_12 = arith.divf %div3A_11, %slice3A : vector<10000x1xf32>
    %get3A_13 = arith.constant 0 : index
    %get3A_14 = arith.constant 0 : index
    %get3A_15 = arith.constant 0 : index
    %get3A_16 = vector.load %arg0[%get3A_13, %get3A_14, %get3A_15] : memref<2x10112x64xf32, #tpu.memory_space<vmem>>, vector<1x10000x64xf32>
    %get3A_17 = vector.shape_cast %get3A_16 : vector<1x10000x64xf32> to vector<10000x64xf32>
    %mul3A = vector.broadcast %div3A_12 : vector<10000x1xf32> to vector<10000x64xf32>
    %mul3A_18 = arith.mulf %get3A_17, %mul3A : vector<10000x64xf32>
    %get3A_19 = arith.constant 1 : index
    %get3A_20 = arith.constant 0 : index
    %get3A_21 = arith.constant 0 : index
    %get3A_22 = vector.load %arg0[%get3A_19, %get3A_20, %get3A_21] : memref<2x10112x64xf32, #tpu.memory_space<vmem>>, vector<1x10000x64xf32>
    %get3A_23 = vector.shape_cast %get3A_22 : vector<1x10000x64xf32> to vector<10000x64xf32>
    %mul3A_24 = vector.broadcast %div3A_12 : vector<10000x1xf32> to vector<10000x64xf32>
    %mul3A_25 = arith.mulf %get3A_23, %mul3A_24 : vector<10000x64xf32>
    %get3A_26 = arith.constant 0 : index
    %get3A_27 = arith.constant 0 : index
    %get3A_28 = vector.load %arg3[%get3A_26, %get3A_27] : memref<128x128xf32, #tpu.memory_space<vmem>>, vector<64x128xf32>
    %dot_general3A = arith.constant dense<0.000000e+00> : vector<10000x128xf32>
    %dot_general3A_29 = tpu.matmul %mul3A_18, %get3A_28, %dot_general3A {dimension_numbers = #tpu.dot_dimension_numbers<[1], [0], [0], [1], [0, 0, 1, 1], [], []>, transpose_lhs_hint = false} : vector<10000x64xf32>, vector<64x128xf32>, vector<10000x128xf32> -> vector<10000x128xf32>
    %get3A_30 = arith.constant 64 : index
    %get3A_31 = arith.constant 0 : index
    %get3A_32 = vector.load %arg3[%get3A_30, %get3A_31] : memref<128x128xf32, #tpu.memory_space<vmem>>, vector<64x128xf32>
    %dot_general3A_33 = arith.constant dense<0.000000e+00> : vector<10000x128xf32>
    %dot_general3A_34 = tpu.matmul %mul3A_25, %get3A_32, %dot_general3A_33 {dimension_numbers = #tpu.dot_dimension_numbers<[1], [0], [0], [1], [0, 0, 1, 1], [], []>, transpose_lhs_hint = false} : vector<10000x64xf32>, vector<64x128xf32>, vector<10000x128xf32> -> vector<10000x128xf32>
    %add3A_35 = arith.addf %dot_general3A_29, %dot_general3A_34 : vector<10000x128xf32>
    %get3A_36 = arith.constant 0 : index
    %get3A_37 = arith.constant 0 : index
    %get3A_38 = vector.load %arg2[%get3A_36, %get3A_37] : memref<10000x128xf32, #tpu.memory_space<vmem>>, vector<10000x128xf32>
    %get3A_39 = arith.constant 0 : index
    %get3A_40 = arith.constant 0 : index
    %get3A_41 = vector.load %arg4[%get3A_39, %get3A_40] : memref<128x128xf32, #tpu.memory_space<vmem>>, vector<128x128xf32>
    %dot_general3A_42 = arith.constant dense<0.000000e+00> : vector<10000x128xf32>
    %dot_general3A_43 = tpu.matmul %get3A_38, %get3A_41, %dot_general3A_42 {dimension_numbers = #tpu.dot_dimension_numbers<[1], [0], [0], [1], [0, 0, 1, 1], [], []>, transpose_lhs_hint = false} : vector<10000x128xf32>, vector<128x128xf32>, vector<10000x128xf32> -> vector<10000x128xf32>
    %add3A_44 = arith.addf %add3A_35, %dot_general3A_43 : vector<10000x128xf32>
    %get3A_45 = arith.constant 0 : index
    %get3A_46 = arith.constant 0 : index
    %get3A_47 = vector.load %arg5[%get3A_45, %get3A_46] : memref<1x128xf32, #tpu.memory_space<vmem>>, vector<1x128xf32>
    %add3A_48 = vector.broadcast %get3A_47 : vector<1x128xf32> to vector<10000x128xf32>
    %add3A_49 = arith.addf %add3A_44, %add3A_48 : vector<10000x128xf32>
    %mul3A_50 = arith.mulf %add3A_49, %add3A_49 : vector<10000x128xf32>
    %reduce_sum3A = arith.constant dense<0.000000e+00> : vector<10000xf32>
    %reduce_sum3A_51 = vector.multi_reduction <add>, %mul3A_50, %reduce_sum3A [1] : vector<10000x128xf32> to vector<10000xf32>
    %broadcast_in_dim3A = vector.shape_cast %reduce_sum3A_51 : vector<10000xf32> to vector<10000x1xf32>
    %max3A_52 = arith.constant 1.000000e-24 : f32
    %max3A_53 = vector.broadcast %max3A_52 : f32 to vector<10000x1xf32>
    %max3A_54 = arith.maximumf %broadcast_in_dim3A, %max3A_53 : vector<10000x1xf32>
    %rsqrt3A = math.rsqrt %max3A_54 : vector<10000x1xf32>
    %mul3A_55 = vector.broadcast %rsqrt3A : vector<10000x1xf32> to vector<10000x128xf32>
    %mul3A_56 = arith.mulf %add3A_49, %mul3A_55 : vector<10000x128xf32>
    %reduce_sum3A_57 = arith.constant dense<0.000000e+00> : vector<128xf32>
    %reduce_sum3A_58 = vector.multi_reduction <add>, %mul3A_56, %reduce_sum3A_57 [0] : vector<10000x128xf32> to vector<128xf32>
    %broadcast_in_dim3A_59 = vector.shape_cast %reduce_sum3A_58 : vector<128xf32> to vector<1x128xf32>
    %div3A_60 = arith.constant 1.000000e+04 : f32
    %div3A_61 = vector.broadcast %div3A_60 : f32 to vector<1x128xf32>
    %div3A_62 = arith.divf %broadcast_in_dim3A_59, %div3A_61 : vector<1x128xf32>
    %sub3A = vector.broadcast %div3A_62 : vector<1x128xf32> to vector<10000x128xf32>
    %sub3A_63 = arith.subf %mul3A_56, %sub3A : vector<10000x128xf32>
    %integer_pow3A = arith.mulf %sub3A_63, %sub3A_63 : vector<10000x128xf32>
    %reduce_sum3A_64 = arith.constant dense<0.000000e+00> : vector<128xf32>
    %reduce_sum3A_65 = vector.multi_reduction <add>, %integer_pow3A, %reduce_sum3A_64 [0] : vector<10000x128xf32> to vector<128xf32>
    %broadcast_in_dim3A_66 = vector.shape_cast %reduce_sum3A_65 : vector<128xf32> to vector<1x128xf32>
    %div3A_67 = arith.constant 1.000000e+04 : f32
    %div3A_68 = vector.broadcast %div3A_67 : f32 to vector<1x128xf32>
    %div3A_69 = arith.divf %broadcast_in_dim3A_66, %div3A_68 : vector<1x128xf32>
    %sub3A_70 = vector.broadcast %div3A_62 : vector<1x128xf32> to vector<10000x128xf32>
    %sub3A_71 = arith.subf %mul3A_56, %sub3A_70 : vector<10000x128xf32>
    %add3A_72 = arith.constant 9.99999974E-6 : f32
    %add3A_73 = vector.broadcast %add3A_72 : f32 to vector<1x128xf32>
    %add3A_74 = arith.addf %div3A_69, %add3A_73 : vector<1x128xf32>
    %rsqrt3A_75 = math.rsqrt %add3A_74 : vector<1x128xf32>
    %mul3A_76 = vector.broadcast %rsqrt3A_75 : vector<1x128xf32> to vector<10000x128xf32>
    %mul3A_77 = arith.mulf %sub3A_71, %mul3A_76 : vector<10000x128xf32>
    %get3A_78 = arith.constant 0 : index
    %get3A_79 = arith.constant 0 : index
    %get3A_80 = vector.load %arg6[%get3A_78, %get3A_79] : memref<1x128xf32, #tpu.memory_space<vmem>>, vector<1x128xf32>
    %mul3A_81 = vector.broadcast %get3A_80 : vector<1x128xf32> to vector<10000x128xf32>
    %mul3A_82 = arith.mulf %mul3A_77, %mul3A_81 : vector<10000x128xf32>
    %get3A_83 = arith.constant 0 : index
    %get3A_84 = arith.constant 0 : index
    %get3A_85 = vector.load %arg7[%get3A_83, %get3A_84] : memref<1x128xf32, #tpu.memory_space<vmem>>, vector<1x128xf32>
    %add3A_86 = vector.broadcast %get3A_85 : vector<1x128xf32> to vector<10000x128xf32>
    %add3A_87 = arith.addf %mul3A_82, %add3A_86 : vector<10000x128xf32>
    %max3A_88 = arith.constant 0.000000e+00 : f32
    %max3A_89 = vector.broadcast %max3A_88 : f32 to vector<10000x128xf32>
    %max3A_90 = arith.maximumf %add3A_87, %max3A_89 : vector<10000x128xf32>
    %get3A_91 = arith.constant 0 : index
    %get3A_92 = arith.constant 0 : index
    %get3A_93 = vector.load %arg2[%get3A_91, %get3A_92] : memref<10000x128xf32, #tpu.memory_space<vmem>>, vector<10000x128xf32>
    %add3A_94 = arith.addf %max3A_90, %get3A_93 : vector<10000x128xf32>
    %get3A_95 = arith.constant 0 : index
    %get3A_96 = arith.constant 0 : index
    %get3A_97 = vector.load %arg8[%get3A_95, %get3A_96] : memref<128x47xf32, #tpu.memory_space<vmem>>, vector<128x47xf32>
    %dot_general3A_98 = arith.constant dense<0.000000e+00> : vector<10000x47xf32>
    %dot_general3A_99 = tpu.matmul %add3A_94, %get3A_97, %dot_general3A_98 {dimension_numbers = #tpu.dot_dimension_numbers<[1], [0], [0], [1], [0, 0, 1, 1], [], []>, transpose_lhs_hint = false} : vector<10000x128xf32>, vector<128x47xf32>, vector<10000x47xf32> -> vector<10000x47xf32>
    %get3A_100 = arith.constant 0 : index
    %get3A_101 = arith.constant 0 : index
    %get3A_102 = vector.load %arg9[%get3A_100, %get3A_101] : memref<1x47xf32, #tpu.memory_space<vmem>>, vector<1x47xf32>
    %add3A_103 = vector.broadcast %get3A_102 : vector<1x47xf32> to vector<10000x47xf32>
    %add3A_104 = arith.addf %dot_general3A_99, %add3A_103 : vector<10000x47xf32>
    %reduce_max3A = arith.constant dense<0xFF800000> : vector<10000xf32>
    %reduce_max3A_105 = vector.multi_reduction <maximumf>, %add3A_104, %reduce_max3A [1] : vector<10000x47xf32> to vector<10000xf32>
    %broadcast_in_dim3A_106 = vector.shape_cast %reduce_max3A_105 : vector<10000xf32> to vector<10000x1xf32>
    %sub3A_107 = vector.broadcast %broadcast_in_dim3A_106 : vector<10000x1xf32> to vector<10000x47xf32>
    %sub3A_108 = arith.subf %add3A_104, %sub3A_107 : vector<10000x47xf32>
    %exp3A = math.exp %sub3A_108 : vector<10000x47xf32>
    %reduce_sum3A_109 = arith.constant dense<0.000000e+00> : vector<10000xf32>
    %reduce_sum3A_110 = vector.multi_reduction <add>, %exp3A, %reduce_sum3A_109 [1] : vector<10000x47xf32> to vector<10000xf32>
    %broadcast_in_dim3A_111 = vector.shape_cast %reduce_sum3A_110 : vector<10000xf32> to vector<10000x1xf32>
    %log3A = math.log %broadcast_in_dim3A_111 : vector<10000x1xf32>
    %sub3A_112 = vector.broadcast %log3A : vector<10000x1xf32> to vector<10000x47xf32>
    %sub3A_113 = arith.subf %sub3A_108, %sub3A_112 : vector<10000x47xf32>
    %swap3A = arith.constant 0 : index
    %swap3A_114 = arith.constant 0 : index
    %swap3A_115 = vector.load %arg10[%swap3A, %swap3A_114] : memref<10000x47xf32, #tpu.memory_space<vmem>>, vector<10000x47xf32>
    tpu.vector_store %arg10[%swap3A, %swap3A_114], %sub3A_113 {strides = array<i32>} : memref<10000x47xf32, #tpu.memory_space<vmem>>, vector<10000x47xf32>,
    return
  }
}

</mosaic_0001>

<sc_bundles>
// kernel: kernel.6.cloned.1.call-start
scs
__scs_entry_jumppad:
0x0: {  	(pc) =	sbr.rel $0x88, $3  }
0x1: {  	(tag) =	ssettag $0x0;
	lr =	simm.s32 $0x1  }
0x2: {  	[smem:$0x3F93] =	sst lr;
	_ =	strace $0xD0000000  }
0x3: {  	_ = 	snop  }
0x4: {  	_ = 	snop  }
0x5: {  	_ = 	snop  }
0x6: {  	_ = 	snop  }
0x7: {  	_ = 	snop  }
__scs_overlays_trampoline_lowered:
0x8: {  	[smem:$0x3FA2] =	sst s0  }
0x9: {  	[smem:$0x3FA3] =	sst s1  }
0xa: {  	[smem:$0x3FA4] =	sst s2  }
0xb: {  	[smem:$0x3FA5] =	sst s3  }
0xc: {  	[smem:$0x3FA6] =	sst s4  }
0xd: {  	[smem:$0x3FA7] =	sst s5  }
0xe: {  	[smem:$0x3FA8] =	sst s6  }
0xf: {  	[smem:$0x3FA9] =	sst s7  }
0x10: {  	[smem:$0x3FAA] =	sst s8  }
0x11: {  	[smem:$0x3FAB] =	sst s9;
	s0 =	simm.s32 @!p0 $0x0  }
0x12: {  	s1 =	sld [smem:$0x3F91];
	s0 =	simm.s32 @p0 $0x1  }
0x13: {  	[smem:$0x3FAC] =	sst s0;
	s0 =	simm.s32 @!p1 $0x0  }
0x14: {  	s2 =	sld [smem:$0x3F90];
	s0 =	simm.s32 @p1 $0x1  }
0x15: {  	[smem:$0x3FAD] =	sst s0;
	s0 =	simm.s32 @!p2 $0x0  }
0x16: {  	s3 =	sld [smem:$0x3FDB];
	s0 =	simm.s32 @p2 $0x1  }
0x17: {  	s4 =	simm.s32 $0x1BF5;
	[smem:$0x3FAF] =	sst s0  }
0x18: {  	s0 =	sld [smem:$0x3F92];
	_ =	swait.ge [sflag:s4], $0x0  }
0x19: {  	s7 =	sld [smem:$0x3F93]  }
0x1a: {  	s8 =	sadd.s32 $0xFFFFE003, lr  }
0x1b: {  	s9 =	sadd.s32 $0xFFFFFEF7, lr;
	s5 =	simm.s32 $0xFFFFFFFF;
	p2 =	slt.u32 s8, $0xFFFFF086  }
0x1c: {  	p1 =	slt.u32 s9, $0xF7A;
	s5 =	simm.s32 @!p2 $0x0  }
0x1d: {  	s5 =	simm.s32 @p1 $0x1;
	p0 =	seq.s32 s7, s2  }
0x1e: {  	s7 =	smul.u32 @!p0 $0xF7A, s2;
	p2 =	seq.s32 @!p0 s5, $0x0  }
0x1f: {  	s9 =	smul.u32 $0xF7A, s1;
	s8 =	simm.s32 @!p0 $0x1BF5;
	p2 =	por !p2, p0  }
0x20: {  	[sflag:s8] =	ssyncset.s32 @!p0 $0xFFFFF086;
	s6 =	sadd.s32 @!p0 s3, s7;
	s7 =	simm.s32 @!p0 $0x108  }
0x21: {  	s3 =	sadd.s32 s3, s9;
	s6 =	sadd.s32 @!p0 $0x88, s6;
	s7 =	simm.s32 @p2 $0x1082  }
0x22: {  	[simem:s7], [sflag:s8] =	dma.local @!p0 [hbm:s6], $0xF7A  }
0x23: {  	s9 =	sor.u32 $0xD0000000, s2;
	s6 =	simm.s32 $0x108;
	_ =	swait.ge @!p0 [sflag:s8], $0x0  }
0x24: {  	s3 =	sadd.s32 $0x88, s3;
	s6 =	simm.s32 @!p1 $0x1082;
	[sflag:s4] =	ssyncset.s32 $0xFFFFF086  }
0x25: {  	[simem:s6], [sflag:s4] =	dma.local [hbm:s3], $0xF7A  }
0x26: {  	[smem:$0x3F93] =	sst s1;
	(tag) =	ssettag s2;
	_ =	strace s9  }
0x27: {  	s1 =	sld [smem:$0x3FA3]  }
0x28: {  	s2 =	sld [smem:$0x3FA4]  }
0x29: {  	s4 =	sld [smem:$0x3FA6]  }
0x2a: {  	p0 =	seq.s32 s5, $0x0;
	s5 =	sld [smem:$0x3FA7]  }
0x2b: {  	s6 =	sld [smem:$0x3FA8]  }
0x2c: {  	s7 =	sld [smem:$0x3FA9]  }
0x2d: {  	s3 =	simm.s32 $0x108;
	s8 =	sld [smem:$0x3FAA]  }
0x2e: {  	s3 =	simm.s32 @!p0 $0x1082;
	s9 =	sld [smem:$0x3FAB]  }
0x2f: {  	lr =	sadd.s32 s0, s3;
	s0 =	sld [smem:$0x3FA2]  }
0x30: {  	s3 =	sld [smem:$0x3FA5]  }
0x31: {  	[smem:$0x3FAE] =	sst s10  }
0x32: {  	s10 =	sld [smem:$0x3FAC];
	_ =	sdelay $0x3  }
0x33: {  	p0 =	seq.s32 s10, $0x1;
	s10 =	sld [smem:$0x3FAE];
	_ =	sdelay $0x3  }
0x34: {  	[smem:$0x3FAE] =	sst s10  }
0x35: {  	s10 =	sld [smem:$0x3FAD];
	_ =	sdelay $0x3  }
0x36: {  	p1 =	seq.s32 s10, $0x1;
	s10 =	sld [smem:$0x3FAE];
	_ =	sdelay $0x3  }
0x37: {  	[smem:$0x3FAE] =	sst s10  }
0x38: {  	s10 =	sld [smem:$0x3FAF]  }
0x39: {  	_ = 	snop;
	(pc) =	sbr.ind lr, $3  }
0x3a: {  	_ = 	snop  }
0x3b: {  	_ = 	snop  }
0x3c: {  	p2 =	seq.s32 s10, $0x1;
	s10 =	sld [smem:$0x3FAE]  }
0x3d: {  	_ =	shalt  }
0x3e: {  	_ =	shalt  }
0x3f: {  	_ =	shalt  }
0x40: {  	_ =	shalt  }
0x41: {  	_ =	shalt  }
0x42: {  	_ =	shalt  }
0x43: {  	_ =	shalt  }
0x44: {  	_ =	shalt  }
0x45: {  	_ =	shalt  }
0x46: {  	_ =	shalt  }
0x47: {  	_ =	shalt  }
0x48: {  	_ =	shalt  }
0x49: {  	_ =	shalt  }
0x4a: {  	_ =	shalt  }
0x4b: {  	_ =	shalt  }
0x4c: {  	_ =	shalt  }
0x4d: {  	_ =	shalt  }
0x4e: {  	_ =	shalt  }
0x4f: {  	_ =	shalt  }
0x50: {  	_ =	shalt  }
0x51: {  	_ =	shalt  }
0x52: {  	_ =	shalt  }
0x53: {  	_ =	shalt  }
0x54: {  	_ =	shalt  }
0x55: {  	_ =	shalt  }
0x56: {  	_ =	shalt  }
0x57: {  	_ =	shalt  }
0x58: {  	_ =	shalt  }
0x59: {  	_ =	shalt  }
0x5a: {  	_ =	shalt  }
0x5b: {  	_ =	shalt  }
0x5c: {  	_ =	shalt  }
0x5d: {  	_ =	shalt  }
0x5e: {  	_ =	shalt  }
0x5f: {  	_ =	shalt  }
0x60: {  	_ =	shalt  }
0x61: {  	_ =	shalt  }
0x62: {  	_ =	shalt  }
0x63: {  	_ =	shalt  }
0x64: {  	_ =	shalt  }
0x65: {  	_ =	shalt  }
0x66: {  	_ =	shalt  }
0x67: {  	_ =	shalt  }
0x68: {  	_ =	shalt  }
0x69: {  	_ =	shalt  }
0x6a: {  	_ =	shalt  }
0x6b: {  	_ =	shalt  }
0x6c: {  	_ =	shalt  }
0x6d: {  	_ =	shalt  }
0x6e: {  	_ =	shalt  }
0x6f: {  	_ =	shalt  }
0x70: {  	_ =	shalt  }
0x71: {  	_ =	shalt  }
0x72: {  	_ =	shalt  }
0x73: {  	_ =	shalt  }
0x74: {  	_ =	shalt  }
0x75: {  	_ =	shalt  }
0x76: {  	_ =	shalt  }
0x77: {  	_ =	shalt  }
0x78: {  	_ =	shalt  }
0x79: {  	_ =	shalt  }
0x7a: {  	_ =	shalt  }
0x7b: {  	_ =	shalt  }
0x7c: {  	_ =	shalt  }
0x7d: {  	_ =	shalt  }
0x7e: {  	_ =	shalt  }
0x7f: {  	_ =	shalt  }
0x80: {  	_ =	shalt  }
0x81: {  	_ =	shalt  }
0x82: {  	_ =	shalt  }
0x83: {  	_ =	shalt  }
0x84: {  	_ =	shalt  }
0x85: {  	_ =	shalt  }
0x86: {  	_ =	shalt  }
0x87: {  	_ =	shalt  }
.Lfunc_end0:
.L_simem_size_0:
called_computation_lowered:
.L_overlay_start_0:
0x88: {  	s2 =	sld [smem:$0x3FD9]  }
0x89: {  	s3 =	sld [smem:$0x3FFE];
	_ =	sdelay $0x1  }
0x8a: {  	s1 =	srdreg.scid  }
0x8b: {  	s0 =	sand.u32 $0x1, s1  }
0x8c: {  	s17 =	sshll.u32 s0, $0xA;
	s2 =	sadd.s32 s3, s2  }
0x8d: {  	s2 =	sadd.s32 s2, s17  }
0x8e: {  	[smem:$0x3FBA] =	sst s2  }
0x8f: {  	_ = 	snop  }
0x90: {  	s2 =	sld [smem:$0x3FD0];
	(tm) =	ssettm $0x1  }
0x91: {  	s18 =	sld [smem:$0x3FFB];
	_ =	sdelay $0x3  }
0x92: {  	_ =	strace s18  }
0x93: {  	s3 =	sld [smem:$0x3FFC];
	_ =	sdelay $0x3  }
0x94: {  	_ =	strace s3  }
0x95: {  	s3 =	sld [smem:$0x3FFD];
	_ =	sdelay $0x3  }
0x96: {  	_ =	strace s3  }
0x97: {  	_ =	strace $0x8FFFFFFF  }
0x98: {  	s19 =	sld [smem:$0x3FDB];
	_ =	sdelay $0x1  }
0x99: {  	s4 =	simm.s32 $_scs_section_size  }
0x9a: {  	s5 =	simm.s32 $_size__tile_overlayer_lowered;
	s6 =	simm.s32 $_tile_overlayer_lowered  }
0x9b: {  	s22 =	simm.s32 $0x1BFF;
	s21 =	sshll.u32 s6, $0x1;
	s3 =	sadd.s32 s4, s19  }
0x9c: {  	s7 =	simm.s32 $0x0;
	s20 =	sshll.u32 s5, $0x1;
	s5 =	sadd.s32 s21, s3  }
0x9d: {  	[timem:s7], [sflag:s22] =	dma.local [hbm:s5], s20  }
0x9e: {  	_ =	swait.ge [sflag:s22], s20  }
0x9f: {  	s4 =	ssub.s32 $0x0, s20;
	[sflag:s22] =	ssyncset.done $0x0  }
0xa0: {  	[sflag:s22] =	ssyncadd.s32 s4;
	_ =	sdelay $0x1  }
0xa1: {  	s23 =	simm.s32 $0x1B8B  }
0xa2: {  	_ =	swait.ge [sflag:s23], $0x1  }
0xa3: {  	[sflag:s23] =	ssyncset.done $0x0  }
0xa4: {  	s25 =	simm.s32 $0x1B8E;
	s24 =	sld [smem:$0x3FFE];
	[sflag:s23] =	ssyncadd.s32 $0xFFFFFFFF  }
0xa5: {  	s26 =	simm.s32 $execute0_lowered;
	[smem:$0x3FD2] =	sst s25  }
0xa6: {  	s5 =	sshll.u32 s26, $0x1;
	_ =	strace $0x80000046;
	[dreg:$0x1] =	wrdreg $0xFFFFFFFF  }
0xa7: {  	s28 =	simm.s32 $_size_execute0_lowered;
	s3 =	sadd.s32 s3, s5;
	[dreg:$0x0] =	wrdreg $0x0  }
0xa8: {  	s5 =	sshll.u32 s28, $0x1;
	[dreg:$0x2] =	wrdreg s3  }
0xa9: {  	[dreg:$0x3] =	wrdreg s5  }
0xaa: {  	[dreg:$0x4] =	wrdreg $0xC0  }
0xab: {  	_ =	task [dreg:s7], $0x5FFFF  }
0xac: {  	[dreg:$0x1] =	wrdreg $0xFFFFFFFF  }
0xad: {  	[dreg:$0x0] =	wrdreg $0x60  }
0xae: {  	[dreg:$0x2] =	wrdreg s24  }
0xaf: {  	[dreg:$0x3] =	wrdreg s2  }
0xb0: {  	[dreg:$0x4] =	wrdreg $0x119400  }
0xb1: {  	[dreg:$0x5] =	wrdreg $0x1B7400  }
0xb2: {  	[dreg:$0x6] =	wrdreg $0x9  }
0xb3: {  	_ =	task.clear_ibuf [dreg:s7], $0x7FFFF;
	_ =	strace $0x90000046  }
0xb4: {  	s29 =	simm.s32 $0x9;
	_ =	strace $0x80000048  }
0xb5: {  	_ =	swait.ge [sflag:s29], $0x1  }
0xb6: {  	[sflag:s29] =	ssyncadd.s32 $0xFFFFFFFF  }
0xb7: {  	_ =	strace $0x90000048  }
0xb8: {  	_ =	sfence  }
0xb9: {  	s30 =	sld [smem:$0x0];
	_ =	sdelay $0x2  }
0xba: {  	s31 =	sshll.u32 s1, $0xD;
	s1 =	sshrl.u32 s1, $0x2  }
0xbb: {  	s3 =	sand.u32 $0x4000, s31;
	s1 =	sadd.s32 s1, s30  }
0xbc: {  	s0 =	sor.u32 s3, s0;
	s1 =	sshll.u32 s1, $0x11  }
0xbd: {  	s0 =	sor.u32 s1, s0  }
0xbe: {  	s0 =	sadd.s32 $0x8F2B, s0  }
0xbf: {  	[sflag:s0] =	ssyncadd.remote.s32 $0x1  }
0xc0: {  	_ =	sfence.sel $0xFFFF  }
0xc1: {  	[dreg:$0x0] =	wrdreg $0xFFFFFFFF;
	(pc) =	sbr.abs _section_cstart, $3  }
0xc2: {  	[dreg:$0x1] =	wrdreg $0xFFFFFFFF  }
0xc3: {  	_ =	task.clear_ibuf [dreg:s7], $0x2FFFF;
	_ =	strace $0x9FFFFFFF  }
0xc4: {  	(tm) =	ssettm $0x7FFFFFFF  }
0xc5: {  	_ =	shalt  }
tec
execute0_lowered:
.L_overlay_start_1:
0x0: {  	(tag) =	ssettag $0x1  }
0x1: {  	s0 =	rddreg [dreg:$0x0]  }
0x2: {  	s3 =	rddreg [dreg:$0x1]  }
0x3: {  	s1 =	rddreg [dreg:$0x2]  }
0x4: {  	s2 =	rddreg [dreg:$0x3];
	s4 =	srdreg.scid  }
0x5: {  	s7 =	simm.s32 $0x0;
	s16 =	stileid.u32;
	s29 =	simm.s32 $0xEC40  }
0x6: {  	s30 =	simm.s32 $0x10040;
	s31 =	simm.s32 $0x1;
	s5 =	sand.u32 $0x1, s4  }
0x7: {  	[smem:$0x7FF] =	sst s7;
	s17 =	smul.u32 $0x9C4, s16;
	s8 =	sadd.s32 $0x3F400, s0  }
0x8: {  	s9 =	sadd.s32 $0x3DA00, s0;
	s19 =	sadd.s32 $0x3EE00, s0;
	s11 =	smul.u32 $0x9E00, s16  }
0x9: {  	s23 =	smul.u32 $0x2780, s16;
	_ =	strace $0x80000047;
	[dreg:$0x5] =	wrdreg s8  }
0xa: {  	s26 =	sshll.u32 s16, $0x6;
	s6 =	smul.u32 $0x13880, s5;
	[dreg:$0x6] =	wrdreg s9  }
0xb: {  	s16 =	simm.s32 $0x5;
	s18 =	smul.u32 $0x13C00, s5;
	[dreg:$0x7] =	wrdreg s19  }
0xc: {  	s20 =	ssub.s32 $0x2, s5;
	s12 =	smul.u32 $0x4F00, s5;
	s19 =	simm.s32 $0x9C40  }
0xd: {  	p0 =	seq.s32 s5, $0x0;
	s5 =	simm.s32 $0x0;
	s7 =	sadd.s32 s17, s0  }
0xe: {  	s21 =	sshrl.u32 s20, $0x1;
	s24 =	sadd.s32 s11, s1;
	s13 =	sadd.s32 s23, s2  }
0xf: {  	s25 =	sshrl.u32 s11, $0x3;
	s9 =	sshrl.u32 s23, $0x3;
	s23 =	simm.s32 $0xC440  }
0x10: {  	s6 =	sadd.s32 s6, s0;
	s0 =	sadd.s32 s18, s0;
	s8 =	ssub.s32 s20, s21  }
0x11: {  	s22 =	sadd.s32 $0x33C00, s7;
	s7 =	sadd.s32 $0x29E00, s7;
	s3 =	sadd.s32 s3, s12  }
0x12: {  	s12 =	simm.s32 $0x7;
	s11 =	sshrl.u32 s13, $0x3;
	[dreg:$0x8] =	wrdreg s22  }
0x13: {  	s18 =	simm.s32 $0x50;
	s20 =	simm.s32 $0xB040;
	[dreg:$0x9] =	wrdreg s7  }
0x14: {  	s13 =	simm.s32 $0x3;
	s8 =	smax.u32 s8, $0x1;
	[dreg:$0xd] =	wrdreg s11  }
0x15: {  	s21 =	simm.s32 $0x6;
	s28 =	sadd.s32 s9, s3;
	[dreg:$0xa] =	wrdreg s8  }
0x16: {  	s0 =	sadd.s32 $0x3F600, s0;
	s7 =	sshrl.u32 s24, $0x3;
	[dreg:$0xf] =	wrdreg s28  }
0x17: {  	s10 =	sadd.s32 $0x2C00, s6;
	s0 =	sadd.s32 s25, s0;
	[dreg:$0xc] =	wrdreg s7  }
0x18: {  	s3 =	simm.s32 $0x2;
	s8 =	sor.u32 $0x1C07, s26;
	[dreg:$0xe] =	wrdreg s0  }
0x19: {  	s26 =	simm.s32 $0xD840;
	s0 =	simm.s32 $0x8;
	[dreg:$0xb] =	wrdreg s8  }
.LBB2_1:
0x1a: {  	[dreg:$0x10] =	wrdreg s5  }
0x1b: {  	s4 =	simm.s32 $0x0;
	s22 =	rddreg [dreg:$0x8]  }
0x1c: {  	[tilespmem:s4], [sflag:$0x7] =	stream.linear.gather [hbm4b:s22+s4], $0x4E20, $0x38;
	[tilespmem:$0x1DEC0] =	vst v63  }
0x1d: {  	_ =	swait.ge [sflag:s12], $0x4E20  }
0x1e: {  	[sflag:s12] =	ssyncset.done $0x0  }
0x1f: {  	s6 =	simm.s32 $0x4E20;
	s24 =	rddreg [dreg:$0x9];
	[sflag:s12] =	ssyncadd.s32 $0xFFFFB1E0  }
0x20: {  	[tilespmem:s6], [sflag:$0x7] =	stream.linear.gather [hbm4b:s24+s4], $0x4E20, $0x38;
	[tilespmem:$0x1DEC0] =	vst v63  }
0x21: {  	_ =	swait.ge [sflag:s12], $0x4E20  }
0x22: {  	[sflag:s12] =	ssyncset.done $0x0  }
0x23: {  	s25 =	rddreg [dreg:$0x6];
	[sflag:s12] =	ssyncadd.s32 $0xFFFFB1E0  }
0x24: {  	[spmem:s7], [sflag:s8] =	dma.local [hbm:s25], $0x13C0  }
0x25: {  	_ =	swait.ge [sflag:s12], $0x13C0  }
0x26: {  	[sflag:s12] =	ssyncset.done $0x0  }
0x27: {  	s7 =	simm.s32 $0x11440;
	s6 =	rddreg [dreg:$0x5];
	[sflag:s12] =	ssyncadd.s32 $0xFFFFEC40  }
0x28: {  	[tilespmem:s7], [sflag:$0x7] =	stream.linear.gather [hbm4b:s6+s4], $0x500, $0x38;
	[tilespmem:$0x1DEC0] =	vst v63  }
0x29: {  	_ =	swait.ge [sflag:s12], $0x500  }
0x2a: {  	[sflag:s12] =	ssyncset.done $0x0  }
0x2b: {  	s9 =	rddreg [dreg:$0x7];
	[sflag:s12] =	ssyncadd.s32 $0xFFFFFB00  }
0x2c: {  	[spmem:s11], [sflag:s8] =	dma.local [hbm:s9], $0x4F0  }
0x2d: {  	_ =	swait.ge [sflag:s12], $0x4F0  }
0x2e: {  	[sflag:s12] =	ssyncset.done $0x0  }
0x2f: {  	[sflag:s12] =	ssyncadd.s32 $0xFFFFFB10  }
0x30: {  	[bflag:$0x0] =	sbarrier.arrive $0xFFFF  }
0x31: {  	[tilespmem:s19], [sflag:$0x1] =	stream.indirect.gather [hbm4b:s10+s18], $0x40, s4, s18, $0xb8;
	[tilespmem:$0x1DEC0] =	vst v63  }
0x32: {  	_ = 	snop  }
0x33: {  	[tilespmem:s20], [sflag:$0x2] =	stream.indirect.gather [hbm4b:s10+s18], $0x40, s18, s18, $0xb8;
	[tilespmem:$0x1DEC0] =	vst v63  }
0x34: {  	s11 =	simm.s32 $0xA0  }
0x35: {  	[tilespmem:s23], [sflag:$0x3] =	stream.indirect.gather [hbm4b:s10+s18], $0x40, s11, s18, $0xb8;
	[tilespmem:$0x1DEC0] =	vst v63  }
0x36: {  	s14 =	simm.s32 $0xF0  }
0x37: {  	[tilespmem:s26], [sflag:$0x4] =	stream.indirect.gather [hbm4b:s10+s18], $0x40, s14, s18, $0xb8;
	[tilespmem:$0x1DEC0] =	vst v63  }
0x38: {  	s15 =	simm.s32 $0x140  }
0x39: {  	[tilespmem:s29], [sflag:$0x5] =	stream.indirect.gather [hbm4b:s10+s18], $0x40, s15, s18, $0xb8;
	[tilespmem:$0x1DEC0] =	vst v63  }
0x3a: {  	s17 =	simm.s32 $0x190  }
0x3b: {  	[tilespmem:s30], [sflag:$0x6] =	stream.indirect.gather [hbm4b:s10+s18], $0x40, s17, s18, $0xb8;
	[tilespmem:$0x1DEC0] =	vst v63  }
0x3c: {  	s28 =	simm.s32 $0x1;
	p2 =	por $0x0, $0x0;
	_ =	swait.ge [sflag:s31], $0x1400  }
0x3d: {  	s5 =	simm.s32 $0x1;
	s28 =	simm.s32 @!p0 $0x0;
	[sflag:s31] =	ssyncset.done $0x0  }
0x3e: {  	s5 =	simm.s32 @!p2 $0x0;
	s6 =	simm.s32 $0x4E20;
	[sflag:s31] =	ssyncadd.s32 $0xFFFFEC00  }
0x3f: {  	[spmem:s1] =	stream.indirect.scatter.add.f32 [tilespmem:s19], [sflag:$0x8], $0x40, s6, s18, $0xb8;
	[tilespmem:$0x1DEC0] =	vst v63  }
0x40: {  	p1 =	seq.s32 s28, s5;
	_ =	swait.ge [sflag:s0], $0x1400  }
0x41: {  	s5 =	simm.s32 @!p1 $0x50;
	[sflag:s0] =	ssyncset.done $0x0  }
0x42: {  	s7 =	simm.s32 @!p1 $0x11440;
	s8 =	simm.s32 @!p1 $0x8;
	[sflag:s0] =	ssyncadd.s32 $0xFFFFEC00  }
0x43: {  	[spmem:s2] =	stream.indirect.scatter.add.f32 @!p1 [tilespmem:s7], [sflag:$0x8], $0x10, s6, s5, $0xb8;
	[tilespmem:$0x1DEC0] =	vst v63  }
0x44: {  	_ =	swait.ge @!p1 [sflag:s8], $0x500  }
0x45: {  	[sflag:s8] =	ssyncset.done @!p1 $0x0  }
0x46: {  	s22 =	simm.s32 $0x1E0;
	[sflag:s8] =	ssyncadd.s32 @!p1 $0xFFFFFB00  }
0x47: {  	[tilespmem:s19], [sflag:$0x1] =	stream.indirect.gather [hbm4b:s10+s18], $0x40, s22, s18, $0xb8;
	[tilespmem:$0x1DEC0] =	vst v63  }
0x48: {  	_ =	swait.ge [sflag:s3], $0x1400  }
0x49: {  	[sflag:s3] =	ssyncset.done $0x0  }
0x4a: {  	s5 =	simm.s32 $0x4E70;
	p1 =	por $0x1, $0x1;
	[sflag:s3] =	ssyncadd.s32 $0xFFFFEC00  }
0x4b: {  	[spmem:s1] =	stream.indirect.scatter.add.f32 [tilespmem:s20], [sflag:$0x8], $0x40, s5, s18, $0xb8;
	[tilespmem:$0x1DEC0] =	vst v63  }
0x4c: {  	p1 =	por @!p0 p2, p2;
	_ =	swait.ge [sflag:s0], $0x1400  }
0x4d: {  	s6 =	simm.s32 @p1 $0x50;
	[sflag:s0] =	ssyncset.done $0x0  }
0x4e: {  	s7 =	simm.s32 @p1 $0x11440;
	s8 =	simm.s32 @p1 $0x8;
	[sflag:s0] =	ssyncadd.s32 $0xFFFFEC00  }
0x4f: {  	[spmem:s2] =	stream.indirect.scatter.add.f32 @p1 [tilespmem:s7], [sflag:$0x8], $0x10, s5, s6, $0xb8;
	[tilespmem:$0x1DEC0] =	vst v63  }
0x50: {  	_ =	swait.ge @p1 [sflag:s8], $0x500  }
0x51: {  	[sflag:s8] =	ssyncset.done @p1 $0x0  }
0x52: {  	s24 =	simm.s32 $0x230;
	[sflag:s8] =	ssyncadd.s32 @p1 $0xFFFFFB00  }
0x53: {  	[tilespmem:s20], [sflag:$0x2] =	stream.indirect.gather [hbm4b:s10+s18], $0x40, s24, s18, $0xb8;
	[tilespmem:$0x1DEC0] =	vst v63  }
0x54: {  	_ =	swait.ge [sflag:s13], $0x1400  }
0x55: {  	[sflag:s13] =	ssyncset.done $0x0  }
0x56: {  	s5 =	simm.s32 $0x4EC0;
	p1 =	por !p2, !p2;
	[sflag:s13] =	ssyncadd.s32 $0xFFFFEC00  }
0x57: {  	[spmem:s1] =	stream.indirect.scatter.add.f32 [tilespmem:s23], [sflag:$0x8], $0x40, s5, s18, $0xb8;
	[tilespmem:$0x1DEC0] =	vst v63  }
0x58: {  	p1 =	por @!p0 p2, p2;
	_ =	swait.ge [sflag:s0], $0x1400  }
0x59: {  	s6 =	simm.s32 @!p1 $0xC440;
	s7 =	simm.s32 @!p1 $0x280;
	[sflag:s0] =	ssyncset.done $0x0  }
0x5a: {  	s8 =	simm.s32 @!p1 $0x50;
	s9 =	simm.s32 @!p1 $0x4;
	[sflag:s0] =	ssyncadd.s32 $0xFFFFEC00  }
0x5b: {  	[tilespmem:s6], [sflag:$0x3] =	stream.indirect.gather @!p1 [hbm4b:s10+s8], $0x40, s7, s8, $0xb8;
	[tilespmem:$0x1DEC0] =	vst v63  }
0x5c: {  	_ =	swait.ge @!p1 [sflag:s9], $0x1400  }
0x5d: {  	s6 =	simm.s32 @!p1 $0x4F10;
	[sflag:s9] =	ssyncset.done @!p1 $0x0  }
0x5e: {  	s7 =	simm.s32 @!p1 $0xD840;
	[sflag:s9] =	ssyncadd.s32 @!p1 $0xFFFFEC00;
	s9 =	simm.s32 @!p1 $0x8  }
0x5f: {  	[spmem:s1] =	stream.indirect.scatter.add.f32 @!p1 [tilespmem:s7], [sflag:$0x8], $0x40, s6, s8, $0xb8;
	[tilespmem:$0x1DEC0] =	vst v63  }
0x60: {  	_ =	swait.ge @!p1 [sflag:s9], $0x1400  }
0x61: {  	s6 =	simm.s32 @p1 $0x50;
	[sflag:s9] =	ssyncset.done @!p1 $0x0  }
0x62: {  	s7 =	simm.s32 @p1 $0x11440;
	s8 =	simm.s32 @p1 $0x8;
	[sflag:s9] =	ssyncadd.s32 @!p1 $0xFFFFEC00  }
0x63: {  	[spmem:s2] =	stream.indirect.scatter.add.f32 @p1 [tilespmem:s7], [sflag:$0x8], $0x10, s5, s6, $0xb8;
	[tilespmem:$0x1DEC0] =	vst v63  }
0x64: {  	_ =	swait.ge @p1 [sflag:s8], $0x500  }
0x65: {  	[sflag:s8] =	ssyncset.done @p1 $0x0  }
0x66: {  	s9 =	simm.s32 @p1 $0xC440;
	s5 =	simm.s32 @p1 $0x280;
	[sflag:s8] =	ssyncadd.s32 @p1 $0xFFFFFB00  }
0x67: {  	[tilespmem:s9], [sflag:$0x3] =	stream.indirect.gather @p1 [hbm4b:s10+s6], $0x40, s5, s6, $0xb8;
	[tilespmem:$0x1DEC0] =	vst v63  }
0x68: {  	s5 =	simm.s32 @p1 $0x4  }
0x69: {  	_ =	swait.ge @p1 [sflag:s5], $0x1400  }
0x6a: {  	[sflag:s5] =	ssyncset.done @p1 $0x0  }
0x6b: {  	s9 =	simm.s32 @p1 $0x4F10;
	[sflag:s5] =	ssyncadd.s32 @p1 $0xFFFFEC00;
	s5 =	simm.s32 @p1 $0xD840  }
0x6c: {  	[spmem:s1] =	stream.indirect.scatter.add.f32 @p1 [tilespmem:s5], [sflag:$0x8], $0x40, s9, s6, $0xb8;
	[tilespmem:$0x1DEC0] =	vst v63  }
0x6d: {  	_ =	swait.ge @p1 [sflag:s8], $0x1400  }
0x6e: {  	[sflag:s8] =	ssyncset.done @p1 $0x0  }
0x6f: {  	[sflag:s8] =	ssyncadd.s32 @p1 $0xFFFFEC00  }
0x70: {  	[spmem:s2] =	stream.indirect.scatter.add.f32 @p1 [tilespmem:s7], [sflag:$0x8], $0x10, s9, s6, $0xb8;
	[tilespmem:$0x1DEC0] =	vst v63  }
0x71: {  	_ =	swait.ge @p1 [sflag:s8], $0x500  }
0x72: {  	[sflag:s8] =	ssyncset.done @p1 $0x0  }
0x73: {  	s25 =	simm.s32 $0x2D0;
	[sflag:s8] =	ssyncadd.s32 @p1 $0xFFFFFB00  }
0x74: {  	[tilespmem:s26], [sflag:$0x4] =	stream.indirect.gather [hbm4b:s10+s18], $0x40, s25, s18, $0xb8;
	[tilespmem:$0x1DEC0] =	vst v63  }
0x75: {  	_ =	swait.ge [sflag:s16], $0x1400  }
0x76: {  	[sflag:s16] =	ssyncset.done $0x0  }
0x77: {  	s5 =	simm.s32 $0x4F60;
	[sflag:s16] =	ssyncadd.s32 $0xFFFFEC00  }
0x78: {  	[spmem:s1] =	stream.indirect.scatter.add.f32 [tilespmem:s29], [sflag:$0x8], $0x40, s5, s18, $0xb8;
	[tilespmem:$0x1DEC0] =	vst v63  }
0x79: {  	_ =	swait.ge [sflag:s0], $0x1400  }
0x7a: {  	[sflag:s0] =	ssyncset.done $0x0  }
0x7b: {  	[sflag:s0] =	ssyncadd.s32 $0xFFFFEC00  }
0x7c: {  	[spmem:s2] =	stream.indirect.scatter.add.f32 @p1 [tilespmem:s7], [sflag:$0x8], $0x10, s5, s6, $0xb8;
	[tilespmem:$0x1DEC0] =	vst v63  }
0x7d: {  	p2 =	por $0x0, $0x0;
	_ =	swait.ge @p1 [sflag:s8], $0x500  }
0x7e: {  	s5 =	simm.s32 @!p2 $0xEC40;
	[sflag:s8] =	ssyncset.done @p1 $0x0  }
0x7f: {  	s6 =	simm.s32 @!p2 $0x320;
	s7 =	simm.s32 @!p2 $0x50;
	[sflag:s8] =	ssyncadd.s32 @p1 $0xFFFFFB00  }
0x80: {  	[tilespmem:s5], [sflag:$0x5] =	stream.indirect.gather @!p2 [hbm4b:s10+s7], $0x40, s6, s7, $0xb8;
	[tilespmem:$0x1DEC0] =	vst v63  }
0x81: {  	_ =	swait.ge [sflag:s21], $0x1400  }
0x82: {  	p1 =	por $0x0, $0x0;
	s6 =	simm.s32 $0x1;
	[sflag:s21] =	ssyncset.done $0x0  }
0x83: {  	s5 =	simm.s32 $0x4FB0;
	s6 =	simm.s32 @!p1 $0x0;
	[sflag:s21] =	ssyncadd.s32 $0xFFFFEC00  }
0x84: {  	[spmem:s1] =	stream.indirect.scatter.add.f32 [tilespmem:s30], [sflag:$0x8], $0x40, s5, s18, $0xb8;
	[tilespmem:$0x1DEC0] =	vst v63  }
0x85: {  	p2 =	seq.s32 s28, s6;
	_ =	swait.ge [sflag:s0], $0x1400  }
0x86: {  	s8 =	simm.s32 $0xF00;
	s6 =	simm.s32 @!p2 $0x50;
	[sflag:s0] =	ssyncset.done $0x0  }
0x87: {  	s7 =	simm.s32 @!p2 $0x11440;
	s22 =	simm.s32 @!p2 $0x7;
	[sflag:s0] =	ssyncadd.s32 $0xFFFFEC00  }
0x88: {  	[spmem:s2] =	stream.indirect.scatter.add.f32 @!p2 [tilespmem:s7], [sflag:$0x7], $0x10, s5, s6, $0xb8;
	[tilespmem:$0x1DEC0] =	vst v63  }
0x89: {  	s6 =	simm.s32 $0x780;
	s5 =	simm.s32 $0x1;
	s7 =	simm.s32 $0x7  }
.LBB2_2:
0x8a: {  	s9 =	sshra.s32 s6, $0x2  }
0x8b: {  	_ =	swait.ge @!p2 [sflag:s22], $0x500;
	s11 =	smov.u32 s8;
	s8 =	sadd.s32 $0x780, s8  }
0x8c: {  	p1 =	sne.s32 s8, $0x13380;
	s24 =	sadd.s32 $0x190, s9;
	[sflag:s22] =	ssyncset.done @!p2 $0x0  }
0x8d: {  	[sflag:s22] =	ssyncadd.s32 @!p2 $0xFFFFFB00  }
0x8e: {  	[tilespmem:s30], [sflag:$0x6] =	stream.indirect.gather [hbm4b:s10+s18], $0x40, s24, s18, $0xb8;
	[tilespmem:$0x1DEC0] =	vst v63  }
0x8f: {  	p3 =	sgt.u32 s5, $0x14;
	_ =	swait.ge [sflag:s31], $0x1400  }
0x90: {  	s22 =	sadd.s32 $0x4E20, s9;
	s24 =	simm.s32 $0x1;
	[sflag:s31] =	ssyncset.done $0x0  }
0x91: {  	p2 =	por !p3, !p3;
	s24 =	simm.s32 @!p3 $0x0;
	[sflag:s31] =	ssyncadd.s32 $0xFFFFEC00  }
0x92: {  	[spmem:s1] =	stream.indirect.scatter.add.f32 [tilespmem:s19], [sflag:$0x8], $0x40, s22, s18, $0xb8;
	[tilespmem:$0x1DEC0] =	vst v63  }
0x93: {  	p2 =	por @!p0 p3, p3;
	p4 =	seq.s32 s28, s24;
	_ =	swait.ge [sflag:s0], $0x1400  }
0x94: {  	s24 =	simm.s32 @!p4 $0x50;
	s4 =	simm.s32 @!p4 $0x11440;
	[sflag:s0] =	ssyncset.done $0x0  }
0x95: {  	s15 =	simm.s32 @!p4 $0x8;
	[sflag:s0] =	ssyncadd.s32 $0xFFFFEC00  }
0x96: {  	[spmem:s2] =	stream.indirect.scatter.add.f32 @!p4 [tilespmem:s4], [sflag:$0x8], $0x10, s22, s24, $0xb8;
	[tilespmem:$0x1DEC0] =	vst v63  }
0x97: {  	_ =	swait.ge @!p4 [sflag:s15], $0x500  }
0x98: {  	s4 =	sadd.s32 $0x1E0, s9;
	[sflag:s15] =	ssyncset.done @!p4 $0x0  }
0x99: {  	[sflag:s15] =	ssyncadd.s32 @!p4 $0xFFFFFB00  }
0x9a: {  	[tilespmem:s19], [sflag:$0x1] =	stream.indirect.gather [hbm4b:s10+s18], $0x40, s4, s18, $0xb8;
	[tilespmem:$0x1DEC0] =	vst v63  }
0x9b: {  	_ =	swait.ge [sflag:s3], $0x1400  }
0x9c: {  	s4 =	sadd.s32 $0x4E70, s9;
	[sflag:s3] =	ssyncset.done $0x0  }
0x9d: {  	p4 =	slt.u32 s7, $0x7D;
	[sflag:s3] =	ssyncadd.s32 $0xFFFFEC00  }
0x9e: {  	[spmem:s1] =	stream.indirect.scatter.add.f32 [tilespmem:s20], [sflag:$0x8], $0x40, s4, s18, $0xb8;
	[tilespmem:$0x1DEC0] =	vst v63  }
0x9f: {  	p4 =	por @!p0 p3, p3;
	_ =	swait.ge [sflag:s0], $0x1400  }
0xa0: {  	s15 =	simm.s32 @p4 $0x50;
	s22 =	simm.s32 @p4 $0x11440;
	[sflag:s0] =	ssyncset.done $0x0  }
0xa1: {  	s24 =	simm.s32 @p4 $0x8;
	[sflag:s0] =	ssyncadd.s32 $0xFFFFEC00  }
0xa2: {  	[spmem:s2] =	stream.indirect.scatter.add.f32 @p4 [tilespmem:s22], [sflag:$0x8], $0x10, s4, s15, $0xb8;
	[tilespmem:$0x1DEC0] =	vst v63  }
0xa3: {  	_ =	swait.ge @p4 [sflag:s24], $0x500  }
0xa4: {  	s4 =	sadd.s32 $0x230, s9;
	[sflag:s24] =	ssyncset.done @p4 $0x0  }
0xa5: {  	[sflag:s24] =	ssyncadd.s32 @p4 $0xFFFFFB00  }
0xa6: {  	[tilespmem:s20], [sflag:$0x2] =	stream.indirect.gather [hbm4b:s10+s18], $0x40, s4, s18, $0xb8;
	[tilespmem:$0x1DEC0] =	vst v63  }
0xa7: {  	_ =	swait.ge [sflag:s13], $0x1400  }
0xa8: {  	s4 =	sadd.s32 $0x4EC0, s9;
	[sflag:s13] =	ssyncset.done $0x0  }
0xa9: {  	[sflag:s13] =	ssyncadd.s32 $0xFFFFEC00  }
0xaa: {  	[spmem:s1] =	stream.indirect.scatter.add.f32 [tilespmem:s23], [sflag:$0x8], $0x40, s4, s18, $0xb8;
	[tilespmem:$0x1DEC0] =	vst v63  }
0xab: {  	s15 =	sshra.s32 @!p2 s6, $0x2;
	s22 =	simm.s32 @!p2 $0xC440;
	_ =	swait.ge [sflag:s0], $0x1400  }
0xac: {  	s17 =	simm.s32 @!p2 $0x50;
	s24 =	sadd.s32 @!p2 $0x280, s15;
	[sflag:s0] =	ssyncset.done $0x0  }
0xad: {  	s14 =	simm.s32 @!p2 $0x4;
	[sflag:s0] =	ssyncadd.s32 $0xFFFFEC00  }
0xae: {  	[tilespmem:s22], [sflag:$0x3] =	stream.indirect.gather @!p2 [hbm4b:s10+s17], $0x40, s24, s17, $0xb8;
	[tilespmem:$0x1DEC0] =	vst v63  }
0xaf: {  	_ =	swait.ge @!p2 [sflag:s14], $0x1400  }
0xb0: {  	s15 =	sadd.s32 @!p2 $0x4F10, s15;
	s22 =	simm.s32 @!p2 $0xD840;
	[sflag:s14] =	ssyncset.done @!p2 $0x0  }
0xb1: {  	[sflag:s14] =	ssyncadd.s32 @!p2 $0xFFFFEC00;
	s14 =	simm.s32 @!p2 $0x8  }
0xb2: {  	[spmem:s1] =	stream.indirect.scatter.add.f32 @!p2 [tilespmem:s22], [sflag:$0x8], $0x40, s15, s17, $0xb8;
	[tilespmem:$0x1DEC0] =	vst v63  }
0xb3: {  	_ =	swait.ge @!p2 [sflag:s14], $0x1400  }
0xb4: {  	s24 =	simm.s32 @p2 $0x50;
	s15 =	simm.s32 @p2 $0x11440;
	[sflag:s14] =	ssyncset.done @!p2 $0x0  }
0xb5: {  	s22 =	simm.s32 @p2 $0x8;
	[sflag:s14] =	ssyncadd.s32 @!p2 $0xFFFFEC00  }
0xb6: {  	[spmem:s2] =	stream.indirect.scatter.add.f32 @p2 [tilespmem:s15], [sflag:$0x8], $0x10, s4, s24, $0xb8;
	[tilespmem:$0x1DEC0] =	vst v63  }
0xb7: {  	s4 =	sshra.s32 @p2 s6, $0x2;
	_ =	swait.ge @p2 [sflag:s22], $0x500  }
0xb8: {  	s17 =	simm.s32 @p2 $0xC440;
	s14 =	sadd.s32 @p2 $0x280, s4;
	[sflag:s22] =	ssyncset.done @p2 $0x0  }
0xb9: {  	s25 =	simm.s32 @p2 $0x4;
	[sflag:s22] =	ssyncadd.s32 @p2 $0xFFFFFB00  }
0xba: {  	[tilespmem:s17], [sflag:$0x3] =	stream.indirect.gather @p2 [hbm4b:s10+s24], $0x40, s14, s24, $0xb8;
	[tilespmem:$0x1DEC0] =	vst v63  }
0xbb: {  	_ =	swait.ge @p2 [sflag:s25], $0x1400  }
0xbc: {  	s4 =	sadd.s32 @p2 $0x4F10, s4;
	s14 =	simm.s32 @p2 $0xD840;
	[sflag:s25] =	ssyncset.done @p2 $0x0  }
0xbd: {  	[sflag:s25] =	ssyncadd.s32 @p2 $0xFFFFEC00  }
0xbe: {  	[spmem:s1] =	stream.indirect.scatter.add.f32 @p2 [tilespmem:s14], [sflag:$0x8], $0x40, s4, s24, $0xb8;
	[tilespmem:$0x1DEC0] =	vst v63  }
0xbf: {  	_ =	swait.ge @p2 [sflag:s22], $0x1400  }
0xc0: {  	[sflag:s22] =	ssyncset.done @p2 $0x0  }
0xc1: {  	[sflag:s22] =	ssyncadd.s32 @p2 $0xFFFFEC00  }
0xc2: {  	[spmem:s2] =	stream.indirect.scatter.add.f32 @p2 [tilespmem:s15], [sflag:$0x8], $0x10, s4, s24, $0xb8;
	[tilespmem:$0x1DEC0] =	vst v63  }
0xc3: {  	_ =	swait.ge @p2 [sflag:s22], $0x500  }
0xc4: {  	s4 =	sadd.s32 $0x2D0, s9;
	[sflag:s22] =	ssyncset.done @p2 $0x0  }
0xc5: {  	[sflag:s22] =	ssyncadd.s32 @p2 $0xFFFFFB00  }
0xc6: {  	[tilespmem:s26], [sflag:$0x4] =	stream.indirect.gather [hbm4b:s10+s18], $0x40, s4, s18, $0xb8;
	[tilespmem:$0x1DEC0] =	vst v63  }
0xc7: {  	_ =	swait.ge [sflag:s16], $0x1400  }
0xc8: {  	s4 =	sadd.s32 $0x4F60, s9;
	[sflag:s16] =	ssyncset.done $0x0  }
0xc9: {  	[sflag:s16] =	ssyncadd.s32 $0xFFFFEC00  }
0xca: {  	[spmem:s1] =	stream.indirect.scatter.add.f32 [tilespmem:s29], [sflag:$0x8], $0x40, s4, s18, $0xb8;
	[tilespmem:$0x1DEC0] =	vst v63  }
0xcb: {  	_ =	swait.ge [sflag:s0], $0x1400  }
0xcc: {  	[sflag:s0] =	ssyncset.done $0x0  }
0xcd: {  	p3 =	seq.s32 s6, $0x12C00;
	[sflag:s0] =	ssyncadd.s32 $0xFFFFEC00  }
0xce: {  	[spmem:s2] =	stream.indirect.scatter.add.f32 @p2 [tilespmem:s15], [sflag:$0x8], $0x10, s4, s24, $0xb8;
	[tilespmem:$0x1DEC0] =	vst v63  }
0xcf: {  	s14 =	simm.s32 @!p3 $0xEC40;
	s4 =	sshra.s32 @!p3 s6, $0x2;
	_ =	swait.ge @p2 [sflag:s22], $0x500  }
0xd0: {  	s15 =	simm.s32 @!p3 $0x50;
	s4 =	sadd.s32 @!p3 $0x320, s4;
	[sflag:s22] =	ssyncset.done @p2 $0x0  }
0xd1: {  	s6 =	smov.u32 s11;
	[sflag:s22] =	ssyncadd.s32 @p2 $0xFFFFFB00  }
0xd2: {  	[tilespmem:s14], [sflag:$0x5] =	stream.indirect.gather @!p3 [hbm4b:s10+s15], $0x40, s4, s15, $0xb8;
	[tilespmem:$0x1DEC0] =	vst v63  }
0xd3: {  	_ =	swait.ge [sflag:s21], $0x1400  }
0xd4: {  	s4 =	sadd.s32 $0x4FB0, s9;
	[sflag:s21] =	ssyncset.done $0x0  }
0xd5: {  	p2 =	sgt.u32 s5, $0x13;
	s9 =	simm.s32 $0x1;
	[sflag:s21] =	ssyncadd.s32 $0xFFFFEC00  }
0xd6: {  	[spmem:s1] =	stream.indirect.scatter.add.f32 [tilespmem:s30], [sflag:$0x8], $0x40, s4, s18, $0xb8;
	[tilespmem:$0x1DEC0] =	vst v63  }
.Ltmp0:
0xd7: {  	s9 =	simm.s32 @!p2 $0x0;
	_ =	swait.ge [sflag:s0], $0x1400;
	(pc) =	sbr.rel @p1 .LBB2_2-.Ltmp0, $4  }
0xd8: {  	p2 =	seq.s32 s28, s9;
	[sflag:s0] =	ssyncset.done $0x0  }
0xd9: {  	s9 =	simm.s32 @!p2 $0x50;
	s11 =	simm.s32 @!p2 $0x11440;
	[sflag:s0] =	ssyncadd.s32 $0xFFFFEC00  }
0xda: {  	[spmem:s2] =	stream.indirect.scatter.add.f32 @!p2 [tilespmem:s11], [sflag:$0x7], $0x10, s4, s9, $0xb8;
	[tilespmem:$0x1DEC0] =	vst v63  }
0xdb: {  	s7 =	sadd.s32 $0x6, s7;
	s5 =	sadd.s32 $0x1, s5;
	s22 =	simm.s32 @!p2 $0x7  }
0xdc: {  	_ =	swait.ge @!p2 [sflag:s22], $0x500  }
0xdd: {  	s8 =	sshra.s32 s6, $0x2;
	[sflag:s22] =	ssyncset.done @!p2 $0x0  }
0xde: {  	s4 =	sadd.s32 $0x190, s8;
	[sflag:s22] =	ssyncadd.s32 @!p2 $0xFFFFFB00  }
0xdf: {  	[tilespmem:s30], [sflag:$0x6] =	stream.indirect.gather [hbm4b:s10+s18], $0x40, s4, s18, $0xb8;
	[tilespmem:$0x1DEC0] =	vst v63  }
0xe0: {  	_ =	swait.ge [sflag:s31], $0x1400  }
0xe1: {  	p2 =	sgt.u32 s5, $0x14;
	s4 =	simm.s32 $0x1;
	[sflag:s31] =	ssyncset.done $0x0  }
0xe2: {  	s9 =	sadd.s32 $0x4E20, s8;
	s4 =	simm.s32 @!p2 $0x0;
	[sflag:s31] =	ssyncadd.s32 $0xFFFFEC00  }
0xe3: {  	[spmem:s1] =	stream.indirect.scatter.add.f32 [tilespmem:s19], [sflag:$0x8], $0x40, s9, s18, $0xb8;
	[tilespmem:$0x1DEC0] =	vst v63  }
0xe4: {  	p1 =	seq.s32 s28, s4;
	_ =	swait.ge [sflag:s0], $0x1400  }
0xe5: {  	s4 =	simm.s32 @!p1 $0x50;
	[sflag:s0] =	ssyncset.done $0x0  }
0xe6: {  	s11 =	simm.s32 @!p1 $0x11440;
	s14 =	simm.s32 @!p1 $0x8;
	[sflag:s0] =	ssyncadd.s32 $0xFFFFEC00  }
0xe7: {  	[spmem:s2] =	stream.indirect.scatter.add.f32 @!p1 [tilespmem:s11], [sflag:$0x8], $0x10, s9, s4, $0xb8;
	[tilespmem:$0x1DEC0] =	vst v63  }
0xe8: {  	_ =	swait.ge @!p1 [sflag:s14], $0x500  }
0xe9: {  	[sflag:s14] =	ssyncset.done @!p1 $0x0  }
0xea: {  	s25 =	sadd.s32 $0x1E0, s8;
	[sflag:s14] =	ssyncadd.s32 @!p1 $0xFFFFFB00  }
0xeb: {  	[tilespmem:s19], [sflag:$0x1] =	stream.indirect.gather [hbm4b:s10+s18], $0x40, s25, s18, $0xb8;
	[tilespmem:$0x1DEC0] =	vst v63  }
0xec: {  	_ =	swait.ge [sflag:s3], $0x1400  }
0xed: {  	[sflag:s3] =	ssyncset.done $0x0  }
0xee: {  	s4 =	sadd.s32 $0x4E70, s8;
	p1 =	slt.u32 s7, $0x7D;
	[sflag:s3] =	ssyncadd.s32 $0xFFFFEC00  }
0xef: {  	[spmem:s1] =	stream.indirect.scatter.add.f32 [tilespmem:s20], [sflag:$0x8], $0x40, s4, s18, $0xb8;
	[tilespmem:$0x1DEC0] =	vst v63  }
0xf0: {  	p1 =	por @!p0 p2, p2;
	_ =	swait.ge [sflag:s0], $0x1400  }
0xf1: {  	s7 =	simm.s32 @p1 $0x50;
	[sflag:s0] =	ssyncset.done $0x0  }
0xf2: {  	s9 =	simm.s32 @p1 $0x11440;
	s11 =	simm.s32 @p1 $0x8;
	[sflag:s0] =	ssyncadd.s32 $0xFFFFEC00  }
0xf3: {  	[spmem:s2] =	stream.indirect.scatter.add.f32 @p1 [tilespmem:s9], [sflag:$0x8], $0x10, s4, s7, $0xb8;
	[tilespmem:$0x1DEC0] =	vst v63  }
0xf4: {  	_ =	swait.ge @p1 [sflag:s11], $0x500  }
0xf5: {  	[sflag:s11] =	ssyncset.done @p1 $0x0  }
0xf6: {  	s9 =	sadd.s32 $0x230, s8;
	[sflag:s11] =	ssyncadd.s32 @p1 $0xFFFFFB00  }
0xf7: {  	[tilespmem:s20], [sflag:$0x2] =	stream.indirect.gather [hbm4b:s10+s18], $0x40, s9, s18, $0xb8;
	[tilespmem:$0x1DEC0] =	vst v63  }
0xf8: {  	_ =	swait.ge [sflag:s13], $0x1400  }
0xf9: {  	p1 =	por !p2, !p2;
	[sflag:s13] =	ssyncset.done $0x0  }
0xfa: {  	s4 =	sadd.s32 $0x4EC0, s8;
	p1 =	por @!p0 p2, p2;
	[sflag:s13] =	ssyncadd.s32 $0xFFFFEC00  }
0xfb: {  	[spmem:s1] =	stream.indirect.scatter.add.f32 [tilespmem:s23], [sflag:$0x8], $0x40, s4, s18, $0xb8;
	[tilespmem:$0x1DEC0] =	vst v63  }
0xfc: {  	s7 =	sshra.s32 @!p1 s6, $0x2;
	_ =	swait.ge [sflag:s0], $0x1400  }
0xfd: {  	s9 =	simm.s32 @!p1 $0xC440;
	s14 =	simm.s32 @!p1 $0x50;
	[sflag:s0] =	ssyncset.done $0x0  }
0xfe: {  	s15 =	simm.s32 @!p1 $0x4;
	s11 =	sadd.s32 @!p1 $0x280, s7;
	[sflag:s0] =	ssyncadd.s32 $0xFFFFEC00  }
0xff: {  	[tilespmem:s9], [sflag:$0x3] =	stream.indirect.gather @!p1 [hbm4b:s10+s14], $0x40, s11, s14, $0xb8;
	[tilespmem:$0x1DEC0] =	vst v63  }
0x100: {  	_ =	swait.ge @!p1 [sflag:s15], $0x1400  }
0x101: {  	s7 =	sadd.s32 @!p1 $0x4F10, s7;
	[sflag:s15] =	ssyncset.done @!p1 $0x0  }
0x102: {  	s9 =	simm.s32 @!p1 $0xD840;
	s11 =	simm.s32 @!p1 $0x8;
	[sflag:s15] =	ssyncadd.s32 @!p1 $0xFFFFEC00  }
0x103: {  	[spmem:s1] =	stream.indirect.scatter.add.f32 @!p1 [tilespmem:s9], [sflag:$0x8], $0x40, s7, s14, $0xb8;
	[tilespmem:$0x1DEC0] =	vst v63  }
0x104: {  	_ =	swait.ge @!p1 [sflag:s11], $0x1400  }
0x105: {  	s7 =	simm.s32 @p1 $0x50;
	[sflag:s11] =	ssyncset.done @!p1 $0x0  }
0x106: {  	s9 =	simm.s32 @p1 $0x11440;
	[sflag:s11] =	ssyncadd.s32 @!p1 $0xFFFFEC00;
	s11 =	simm.s32 @p1 $0x8  }
0x107: {  	[spmem:s2] =	stream.indirect.scatter.add.f32 @p1 [tilespmem:s9], [sflag:$0x8], $0x10, s4, s7, $0xb8;
	[tilespmem:$0x1DEC0] =	vst v63  }
0x108: {  	_ =	swait.ge @p1 [sflag:s11], $0x500  }
0x109: {  	s4 =	sshra.s32 @p1 s6, $0x2;
	[sflag:s11] =	ssyncset.done @p1 $0x0  }
0x10a: {  	s15 =	simm.s32 @p1 $0xC440;
	s14 =	sadd.s32 @p1 $0x280, s4;
	[sflag:s11] =	ssyncadd.s32 @p1 $0xFFFFFB00  }
0x10b: {  	[tilespmem:s15], [sflag:$0x3] =	stream.indirect.gather @p1 [hbm4b:s10+s7], $0x40, s14, s7, $0xb8;
	[tilespmem:$0x1DEC0] =	vst v63  }
0x10c: {  	s14 =	simm.s32 @p1 $0x4  }
0x10d: {  	_ =	swait.ge @p1 [sflag:s14], $0x1400  }
0x10e: {  	[sflag:s14] =	ssyncset.done @p1 $0x0  }
0x10f: {  	s4 =	sadd.s32 @p1 $0x4F10, s4;
	[sflag:s14] =	ssyncadd.s32 @p1 $0xFFFFEC00;
	s14 =	simm.s32 @p1 $0xD840  }
0x110: {  	[spmem:s1] =	stream.indirect.scatter.add.f32 @p1 [tilespmem:s14], [sflag:$0x8], $0x40, s4, s7, $0xb8;
	[tilespmem:$0x1DEC0] =	vst v63  }
0x111: {  	_ =	swait.ge @p1 [sflag:s11], $0x1400  }
0x112: {  	[sflag:s11] =	ssyncset.done @p1 $0x0  }
0x113: {  	[sflag:s11] =	ssyncadd.s32 @p1 $0xFFFFEC00  }
0x114: {  	[spmem:s2] =	stream.indirect.scatter.add.f32 @p1 [tilespmem:s9], [sflag:$0x8], $0x10, s4, s7, $0xb8;
	[tilespmem:$0x1DEC0] =	vst v63  }
0x115: {  	_ =	swait.ge @p1 [sflag:s11], $0x500  }
0x116: {  	[sflag:s11] =	ssyncset.done @p1 $0x0  }
0x117: {  	s14 =	sadd.s32 $0x2D0, s8;
	[sflag:s11] =	ssyncadd.s32 @p1 $0xFFFFFB00  }
0x118: {  	[tilespmem:s26], [sflag:$0x4] =	stream.indirect.gather [hbm4b:s10+s18], $0x40, s14, s18, $0xb8;
	[tilespmem:$0x1DEC0] =	vst v63  }
0x119: {  	_ =	swait.ge [sflag:s16], $0x1400  }
0x11a: {  	[sflag:s16] =	ssyncset.done $0x0  }
0x11b: {  	s4 =	sadd.s32 $0x4F60, s8;
	[sflag:s16] =	ssyncadd.s32 $0xFFFFEC00  }
0x11c: {  	[spmem:s1] =	stream.indirect.scatter.add.f32 [tilespmem:s29], [sflag:$0x8], $0x40, s4, s18, $0xb8;
	[tilespmem:$0x1DEC0] =	vst v63  }
0x11d: {  	_ =	swait.ge [sflag:s0], $0x1400  }
0x11e: {  	[sflag:s0] =	ssyncset.done $0x0  }
0x11f: {  	[sflag:s0] =	ssyncadd.s32 $0xFFFFEC00  }
0x120: {  	[spmem:s2] =	stream.indirect.scatter.add.f32 @p1 [tilespmem:s9], [sflag:$0x8], $0x10, s4, s7, $0xb8;
	[tilespmem:$0x1DEC0] =	vst v63  }
0x121: {  	p2 =	seq.s32 s6, $0x12C00;
	_ =	swait.ge @p1 [sflag:s11], $0x500  }
0x122: {  	s4 =	sshra.s32 @!p2 s6, $0x2;
	s6 =	simm.s32 @!p2 $0xEC40;
	[sflag:s11] =	ssyncset.done @p1 $0x0  }
0x123: {  	s7 =	simm.s32 @!p2 $0x50;
	s4 =	sadd.s32 @!p2 $0x320, s4;
	[sflag:s11] =	ssyncadd.s32 @p1 $0xFFFFFB00  }
0x124: {  	[tilespmem:s6], [sflag:$0x5] =	stream.indirect.gather @!p2 [hbm4b:s10+s7], $0x40, s4, s7, $0xb8;
	[tilespmem:$0x1DEC0] =	vst v63  }
0x125: {  	_ =	swait.ge [sflag:s21], $0x1400  }
0x126: {  	p1 =	sgt.u32 s5, $0x13;
	[sflag:s21] =	ssyncset.done $0x0  }
0x127: {  	s5 =	simm.s32 $0x1;
	s4 =	sadd.s32 $0x4FB0, s8;
	[sflag:s21] =	ssyncadd.s32 $0xFFFFEC00  }
0x128: {  	[spmem:s1] =	stream.indirect.scatter.add.f32 [tilespmem:s30], [sflag:$0x8], $0x40, s4, s18, $0xb8;
	[tilespmem:$0x1DEC0] =	vst v63  }
0x129: {  	s5 =	simm.s32 @!p1 $0x0;
	_ =	swait.ge [sflag:s0], $0x1400  }
0x12a: {  	p1 =	seq.s32 s28, s5;
	[sflag:s0] =	ssyncset.done $0x0  }
0x12b: {  	s5 =	simm.s32 @!p1 $0x50;
	s6 =	simm.s32 @!p1 $0x11440;
	[sflag:s0] =	ssyncadd.s32 $0xFFFFEC00  }
0x12c: {  	[spmem:s2] =	stream.indirect.scatter.add.f32 @!p1 [tilespmem:s6], [sflag:$0x7], $0x10, s4, s5, $0xb8;
	[tilespmem:$0x1DEC0] =	vst v63  }
0x12d: {  	s4 =	simm.s32 @!p1 $0x7  }
0x12e: {  	_ =	swait.ge @!p1 [sflag:s4], $0x500  }
0x12f: {  	[sflag:s4] =	ssyncset.done @!p1 $0x0  }
0x130: {  	[sflag:s4] =	ssyncadd.s32 @!p1 $0xFFFFFB00  }
0x131: {  	_ =	swait.ge [sflag:s31], $0x1400  }
0x132: {  	[sflag:s31] =	ssyncset.done $0x0  }
0x133: {  	s15 =	simm.s32 $0x9B00;
	[sflag:s31] =	ssyncadd.s32 $0xFFFFEC00  }
0x134: {  	[spmem:s1] =	stream.indirect.scatter.add.f32 [tilespmem:s19], [sflag:$0x7], $0x40, s15, s18, $0xb8;
	[tilespmem:$0x1DEC0] =	vst v63  }
0x135: {  	_ =	swait.ge [sflag:s12], $0x1400  }
0x136: {  	[sflag:s12] =	ssyncset.done $0x0  }
0x137: {  	s4 =	simm.s32 @p0 $0x2;
	[sflag:s12] =	ssyncadd.s32 $0xFFFFEC00  }
0x138: {  	_ =	swait.ge @p0 [sflag:s4], $0x1400  }
0x139: {  	s5 =	simm.s32 @p0 $0x9B50;
	[sflag:s4] =	ssyncset.done @p0 $0x0  }
0x13a: {  	s6 =	simm.s32 @p0 $0xB040;
	[sflag:s4] =	ssyncadd.s32 @p0 $0xFFFFEC00;
	s4 =	simm.s32 @p0 $0x50  }
0x13b: {  	[spmem:s1] =	stream.indirect.scatter.add.f32 @p0 [tilespmem:s6], [sflag:$0x7], $0x40, s5, s4, $0xb8;
	[tilespmem:$0x1DEC0] =	vst v63  }
0x13c: {  	s5 =	simm.s32 @p0 $0x7  }
0x13d: {  	_ =	swait.ge @p0 [sflag:s5], $0x1400  }
0x13e: {  	s7 =	simm.s32 @!p0 $0x9B00;
	[sflag:s5] =	ssyncset.done @p0 $0x0  }
0x13f: {  	s8 =	simm.s32 @!p0 $0x11440;
	s6 =	simm.s32 @!p0 $0x50;
	[sflag:s5] =	ssyncadd.s32 @p0 $0xFFFFEC00  }
0x140: {  	[spmem:s2] =	stream.indirect.scatter.add.f32 @!p0 [tilespmem:s8], [sflag:$0x7], $0x10, s7, s6, $0xb8;
	[tilespmem:$0x1DEC0] =	vst v63  }
0x141: {  	s7 =	simm.s32 @!p0 $0x7  }
0x142: {  	_ =	swait.ge @!p0 [sflag:s7], $0x500  }
0x143: {  	[sflag:s7] =	ssyncset.done @!p0 $0x0  }
0x144: {  	s9 =	simm.s32 @!p0 $0x2;
	[sflag:s7] =	ssyncadd.s32 @!p0 $0xFFFFFB00  }
0x145: {  	_ =	swait.ge @!p0 [sflag:s9], $0x1400  }
0x146: {  	[sflag:s9] =	ssyncset.done @!p0 $0x0  }
0x147: {  	s11 =	simm.s32 @!p0 $0xB040;
	[sflag:s9] =	ssyncadd.s32 @!p0 $0xFFFFEC00;
	s9 =	simm.s32 @!p0 $0x9B50  }
0x148: {  	[spmem:s1] =	stream.indirect.scatter.add.f32 @!p0 [tilespmem:s11], [sflag:$0x7], $0x40, s9, s6, $0xb8;
	[tilespmem:$0x1DEC0] =	vst v63  }
0x149: {  	_ =	swait.ge @!p0 [sflag:s7], $0x1400  }
0x14a: {  	[sflag:s7] =	ssyncset.done @!p0 $0x0  }
0x14b: {  	[sflag:s7] =	ssyncadd.s32 @!p0 $0xFFFFEC00  }
0x14c: {  	[spmem:s2] =	stream.indirect.scatter.add.f32 @!p0 [tilespmem:s8], [sflag:$0x7], $0x10, s9, s6, $0xb8;
	[tilespmem:$0x1DEC0] =	vst v63  }
0x14d: {  	_ =	swait.ge @!p0 [sflag:s7], $0x500  }
0x14e: {  	[sflag:s7] =	ssyncset.done @!p0 $0x0  }
0x14f: {  	[sflag:s7] =	ssyncadd.s32 @!p0 $0xFFFFFB00  }
0x150: {  	_ =	swait.ge [sflag:s13], $0x1400  }
0x151: {  	[sflag:s13] =	ssyncset.done $0x0  }
0x152: {  	s17 =	simm.s32 $0x9BA0;
	[sflag:s13] =	ssyncadd.s32 $0xFFFFEC00  }
0x153: {  	[spmem:s1] =	stream.indirect.scatter.add.f32 [tilespmem:s23], [sflag:$0x7], $0x40, s17, s18, $0xb8;
	[tilespmem:$0x1DEC0] =	vst v63  }
0x154: {  	_ =	swait.ge [sflag:s12], $0x1400  }
0x155: {  	[sflag:s12] =	ssyncset.done $0x0  }
0x156: {  	s9 =	simm.s32 @p0 $0x4;
	[sflag:s12] =	ssyncadd.s32 $0xFFFFEC00  }
0x157: {  	_ =	swait.ge @p0 [sflag:s9], $0x1400  }
0x158: {  	[sflag:s9] =	ssyncset.done @p0 $0x0  }
0x159: {  	s11 =	simm.s32 @p0 $0xD840;
	[sflag:s9] =	ssyncadd.s32 @p0 $0xFFFFEC00;
	s9 =	simm.s32 @p0 $0x9BF0  }
0x15a: {  	[spmem:s1] =	stream.indirect.scatter.add.f32 @p0 [tilespmem:s11], [sflag:$0x7], $0x40, s9, s4, $0xb8;
	[tilespmem:$0x1DEC0] =	vst v63  }
0x15b: {  	_ =	swait.ge @p0 [sflag:s5], $0x1400  }
0x15c: {  	[sflag:s5] =	ssyncset.done @p0 $0x0  }
0x15d: {  	s4 =	simm.s32 @!p0 $0x9BA0;
	[sflag:s5] =	ssyncadd.s32 @p0 $0xFFFFEC00  }
0x15e: {  	[spmem:s2] =	stream.indirect.scatter.add.f32 @!p0 [tilespmem:s8], [sflag:$0x7], $0x10, s4, s6, $0xb8;
	[tilespmem:$0x1DEC0] =	vst v63  }
0x15f: {  	_ =	swait.ge @!p0 [sflag:s7], $0x500  }
0x160: {  	[sflag:s7] =	ssyncset.done @!p0 $0x0  }
0x161: {  	s4 =	simm.s32 @!p0 $0x4;
	[sflag:s7] =	ssyncadd.s32 @!p0 $0xFFFFFB00  }
0x162: {  	_ =	swait.ge @!p0 [sflag:s4], $0x1400  }
0x163: {  	[sflag:s4] =	ssyncset.done @!p0 $0x0  }
0x164: {  	s5 =	simm.s32 @!p0 $0xD840;
	[sflag:s4] =	ssyncadd.s32 @!p0 $0xFFFFEC00;
	s4 =	simm.s32 @!p0 $0x9BF0  }
0x165: {  	[spmem:s1] =	stream.indirect.scatter.add.f32 @!p0 [tilespmem:s5], [sflag:$0x7], $0x40, s4, s6, $0xb8;
	[tilespmem:$0x1DEC0] =	vst v63  }
0x166: {  	_ =	swait.ge @!p0 [sflag:s7], $0x1400  }
0x167: {  	[sflag:s7] =	ssyncset.done @!p0 $0x0  }
0x168: {  	[sflag:s7] =	ssyncadd.s32 @!p0 $0xFFFFEC00  }
0x169: {  	[spmem:s2] =	stream.indirect.scatter.add.f32 @!p0 [tilespmem:s8], [sflag:$0x7], $0x10, s4, s6, $0xb8;
	[tilespmem:$0x1DEC0] =	vst v63  }
0x16a: {  	_ =	swait.ge @!p0 [sflag:s7], $0x500  }
0x16b: {  	[sflag:s7] =	ssyncset.done @!p0 $0x0  }
0x16c: {  	[sflag:s7] =	ssyncadd.s32 @!p0 $0xFFFFFB00  }
0x16d: {  	[bflag:$0x0] =	sbarrier.arrive $0xFFFF  }
0x16e: {  	s8 =	rddreg [dreg:$0xb]  }
0x16f: {  	s7 =	rddreg [dreg:$0xc]  }
0x170: {  	s22 =	rddreg [dreg:$0xe]  }
0x171: {  	[hbm:s22], [sflag:s8] =	dma.local [spmem:s7], $0x13C0  }
0x172: {  	_ =	swait.ge [sflag:s12], $0x13C0  }
0x173: {  	[sflag:s12] =	ssyncset.done $0x0;
	s11 =	rddreg [dreg:$0xd]  }
0x174: {  	s24 =	rddreg [dreg:$0xf];
	[sflag:s12] =	ssyncadd.s32 $0xFFFFEC40  }
0x175: {  	[hbm:s24], [sflag:s8] =	dma.local [spmem:s11], $0x4F0  }
0x176: {  	_ =	swait.ge [sflag:s12], $0x4F0  }
0x177: {  	s25 =	rddreg [dreg:$0x10]  }
0x178: {  	s28 =	rddreg [dreg:$0xa];
	s5 =	sadd.s32 $0x1, s25  }
0x179: {  	p1 =	sne.s32 s5, s28  }
.Ltmp1:
0x17a: {  	_ = 	snop;
	(pc) =	sbr.rel @p1 .LBB2_1-.Ltmp1, $3  }
0x17b: {  	_ =	sdelay $0x1  }
0x17c: {  	[sflag:s12] =	ssyncset.done $0x0  }
0x17d: {  	[sflag:s12] =	ssyncadd.s32 $0xFFFFFB10  }
0x17e: {  	_ =	sfence.sel $0x180000  }
0x17f: {  	[bflag:$0x0] =	sbarrier.arrive $0xFFFF  }
0x180: {  	_ =	strace $0x90000047  }
0x181: {  	s0 =	stileid.u32;
	[bflag:$0x2] =	sbarrier.arrive $0xFFFF  }
0x182: {  	p0 =	sne.s32 s0, $0x0;
	s0 =	rddreg [dreg:$0x4]  }
0x183: {  	s0 =	sadd.s32 @!p0 $0x100000, s0  }
0x184: {  	[sflag:s0] =	ssyncadd.tile.s32 @!p0 $0x1;
	_ =	shalt  }
.Lfunc_end2:
_tile_overlayer_lowered:
.L_overlay_start_2:
0x185: {  	(tag) =	ssettag $0x2  }
0x186: {  	s0 =	rddreg [dreg:$0x0];
	s2 =	stileid.u32  }
0x187: {  	s1 =	rddreg [dreg:$0x1];
	p0 =	sne.s32 s2, $0x0  }
0x188: {  	s3 =	rddreg [dreg:$0x2];
	[bflag:$0x3] =	sbarrier.arrive $0xFFFF;
	s2 =	simm.s32 @!p0 $0x1C07  }
0x189: {  	[timem:s3], [sflag:s2] =	dma.local @!p0 [hbm:s0], s1  }
0x18a: {  	s0 =	simm.s32 @!p0 $0x7  }
0x18b: {  	_ =	swait.ge @!p0 [sflag:s0], s1  }
0x18c: {  	s1 =	ssub.s32 @!p0 $0x0, s1;
	[sflag:s0] =	ssyncset.done @!p0 $0x0  }
0x18d: {  	[sflag:s0] =	ssyncadd.s32 @!p0 s1  }
0x18e: {  	[bflag:$0x3] =	sbarrier.arrive $0xFFFF  }
0x18f: {  	_ =	shalt  }

// kernel: kernel.9.cloned.1.call-start
scs
__scs_entry_jumppad:
0x0: {  	(pc) =	sbr.rel $0x88, $3  }
0x1: {  	(tag) =	ssettag $0x0;
	lr =	simm.s32 $0x1  }
0x2: {  	[smem:$0x3F93] =	sst lr;
	_ =	strace $0xD0000000  }
0x3: {  	_ = 	snop  }
0x4: {  	_ = 	snop  }
0x5: {  	_ = 	snop  }
0x6: {  	_ = 	snop  }
0x7: {  	_ = 	snop  }
__scs_overlays_trampoline_lowered:
0x8: {  	[smem:$0x3FA2] =	sst s0  }
0x9: {  	[smem:$0x3FA3] =	sst s1  }
0xa: {  	[smem:$0x3FA4] =	sst s2  }
0xb: {  	[smem:$0x3FA5] =	sst s3  }
0xc: {  	[smem:$0x3FA6] =	sst s4  }
0xd: {  	[smem:$0x3FA7] =	sst s5  }
0xe: {  	[smem:$0x3FA8] =	sst s6  }
0xf: {  	[smem:$0x3FA9] =	sst s7  }
0x10: {  	[smem:$0x3FAA] =	sst s8  }
0x11: {  	[smem:$0x3FAB] =	sst s9;
	s0 =	simm.s32 @!p0 $0x0  }
0x12: {  	s1 =	sld [smem:$0x3F91];
	s0 =	simm.s32 @p0 $0x1  }
0x13: {  	[smem:$0x3FAC] =	sst s0;
	s0 =	simm.s32 @!p1 $0x0  }
0x14: {  	s2 =	sld [smem:$0x3F90];
	s0 =	simm.s32 @p1 $0x1  }
0x15: {  	[smem:$0x3FAD] =	sst s0;
	s0 =	simm.s32 @!p2 $0x0  }
0x16: {  	s3 =	sld [smem:$0x3FDB];
	s0 =	simm.s32 @p2 $0x1  }
0x17: {  	s4 =	simm.s32 $0x1BF5;
	[smem:$0x3FAF] =	sst s0  }
0x18: {  	s0 =	sld [smem:$0x3F92];
	_ =	swait.ge [sflag:s4], $0x0  }
0x19: {  	s7 =	sld [smem:$0x3F93]  }
0x1a: {  	s8 =	sadd.s32 $0xFFFFE003, lr  }
0x1b: {  	s9 =	sadd.s32 $0xFFFFFEF7, lr;
	s5 =	simm.s32 $0xFFFFFFFF;
	p2 =	slt.u32 s8, $0xFFFFF086  }
0x1c: {  	p1 =	slt.u32 s9, $0xF7A;
	s5 =	simm.s32 @!p2 $0x0  }
0x1d: {  	s5 =	simm.s32 @p1 $0x1;
	p0 =	seq.s32 s7, s2  }
0x1e: {  	s7 =	smul.u32 @!p0 $0xF7A, s2;
	p2 =	seq.s32 @!p0 s5, $0x0  }
0x1f: {  	s9 =	smul.u32 $0xF7A, s1;
	s8 =	simm.s32 @!p0 $0x1BF5;
	p2 =	por !p2, p0  }
0x20: {  	[sflag:s8] =	ssyncset.s32 @!p0 $0xFFFFF086;
	s6 =	sadd.s32 @!p0 s3, s7;
	s7 =	simm.s32 @!p0 $0x108  }
0x21: {  	s3 =	sadd.s32 s3, s9;
	s6 =	sadd.s32 @!p0 $0x88, s6;
	s7 =	simm.s32 @p2 $0x1082  }
0x22: {  	[simem:s7], [sflag:s8] =	dma.local @!p0 [hbm:s6], $0xF7A  }
0x23: {  	s9 =	sor.u32 $0xD0000000, s2;
	s6 =	simm.s32 $0x108;
	_ =	swait.ge @!p0 [sflag:s8], $0x0  }
0x24: {  	s3 =	sadd.s32 $0x88, s3;
	s6 =	simm.s32 @!p1 $0x1082;
	[sflag:s4] =	ssyncset.s32 $0xFFFFF086  }
0x25: {  	[simem:s6], [sflag:s4] =	dma.local [hbm:s3], $0xF7A  }
0x26: {  	[smem:$0x3F93] =	sst s1;
	(tag) =	ssettag s2;
	_ =	strace s9  }
0x27: {  	s1 =	sld [smem:$0x3FA3]  }
0x28: {  	s2 =	sld [smem:$0x3FA4]  }
0x29: {  	s4 =	sld [smem:$0x3FA6]  }
0x2a: {  	p0 =	seq.s32 s5, $0x0;
	s5 =	sld [smem:$0x3FA7]  }
0x2b: {  	s6 =	sld [smem:$0x3FA8]  }
0x2c: {  	s7 =	sld [smem:$0x3FA9]  }
0x2d: {  	s3 =	simm.s32 $0x108;
	s8 =	sld [smem:$0x3FAA]  }
0x2e: {  	s3 =	simm.s32 @!p0 $0x1082;
	s9 =	sld [smem:$0x3FAB]  }
0x2f: {  	lr =	sadd.s32 s0, s3;
	s0 =	sld [smem:$0x3FA2]  }
0x30: {  	s3 =	sld [smem:$0x3FA5]  }
0x31: {  	[smem:$0x3FAE] =	sst s10  }
0x32: {  	s10 =	sld [smem:$0x3FAC];
	_ =	sdelay $0x3  }
0x33: {  	p0 =	seq.s32 s10, $0x1;
	s10 =	sld [smem:$0x3FAE];
	_ =	sdelay $0x3  }
0x34: {  	[smem:$0x3FAE] =	sst s10  }
0x35: {  	s10 =	sld [smem:$0x3FAD];
	_ =	sdelay $0x3  }
0x36: {  	p1 =	seq.s32 s10, $0x1;
	s10 =	sld [smem:$0x3FAE];
	_ =	sdelay $0x3  }
0x37: {  	[smem:$0x3FAE] =	sst s10  }
0x38: {  	s10 =	sld [smem:$0x3FAF]  }
0x39: {  	_ = 	snop;
	(pc) =	sbr.ind lr, $3  }
0x3a: {  	_ = 	snop  }
0x3b: {  	_ = 	snop  }
0x3c: {  	p2 =	seq.s32 s10, $0x1;
	s10 =	sld [smem:$0x3FAE]  }
0x3d: {  	_ =	shalt  }
0x3e: {  	_ =	shalt  }
0x3f: {  	_ =	shalt  }
0x40: {  	_ =	shalt  }
0x41: {  	_ =	shalt  }
0x42: {  	_ =	shalt  }
0x43: {  	_ =	shalt  }
0x44: {  	_ =	shalt  }
0x45: {  	_ =	shalt  }
0x46: {  	_ =	shalt  }
0x47: {  	_ =	shalt  }
0x48: {  	_ =	shalt  }
0x49: {  	_ =	shalt  }
0x4a: {  	_ =	shalt  }
0x4b: {  	_ =	shalt  }
0x4c: {  	_ =	shalt  }
0x4d: {  	_ =	shalt  }
0x4e: {  	_ =	shalt  }
0x4f: {  	_ =	shalt  }
0x50: {  	_ =	shalt  }
0x51: {  	_ =	shalt  }
0x52: {  	_ =	shalt  }
0x53: {  	_ =	shalt  }
0x54: {  	_ =	shalt  }
0x55: {  	_ =	shalt  }
0x56: {  	_ =	shalt  }
0x57: {  	_ =	shalt  }
0x58: {  	_ =	shalt  }
0x59: {  	_ =	shalt  }
0x5a: {  	_ =	shalt  }
0x5b: {  	_ =	shalt  }
0x5c: {  	_ =	shalt  }
0x5d: {  	_ =	shalt  }
0x5e: {  	_ =	shalt  }
0x5f: {  	_ =	shalt  }
0x60: {  	_ =	shalt  }
0x61: {  	_ =	shalt  }
0x62: {  	_ =	shalt  }
0x63: {  	_ =	shalt  }
0x64: {  	_ =	shalt  }
0x65: {  	_ =	shalt  }
0x66: {  	_ =	shalt  }
0x67: {  	_ =	shalt  }
0x68: {  	_ =	shalt  }
0x69: {  	_ =	shalt  }
0x6a: {  	_ =	shalt  }
0x6b: {  	_ =	shalt  }
0x6c: {  	_ =	shalt  }
0x6d: {  	_ =	shalt  }
0x6e: {  	_ =	shalt  }
0x6f: {  	_ =	shalt  }
0x70: {  	_ =	shalt  }
0x71: {  	_ =	shalt  }
0x72: {  	_ =	shalt  }
0x73: {  	_ =	shalt  }
0x74: {  	_ =	shalt  }
0x75: {  	_ =	shalt  }
0x76: {  	_ =	shalt  }
0x77: {  	_ =	shalt  }
0x78: {  	_ =	shalt  }
0x79: {  	_ =	shalt  }
0x7a: {  	_ =	shalt  }
0x7b: {  	_ =	shalt  }
0x7c: {  	_ =	shalt  }
0x7d: {  	_ =	shalt  }
0x7e: {  	_ =	shalt  }
0x7f: {  	_ =	shalt  }
0x80: {  	_ =	shalt  }
0x81: {  	_ =	shalt  }
0x82: {  	_ =	shalt  }
0x83: {  	_ =	shalt  }
0x84: {  	_ =	shalt  }
0x85: {  	_ =	shalt  }
0x86: {  	_ =	shalt  }
0x87: {  	_ =	shalt  }
.Lfunc_end0:
.L_simem_size_0:
called_computation.1_lowered:
.L_overlay_start_0:
0x88: {  	s2 =	sld [smem:$0x3FD9]  }
0x89: {  	s3 =	sld [smem:$0x3FFE];
	_ =	sdelay $0x1  }
0x8a: {  	s1 =	srdreg.scid  }
0x8b: {  	s0 =	sand.u32 $0x1, s1  }
0x8c: {  	s16 =	sshll.u32 s0, $0xA;
	s2 =	sadd.s32 s3, s2  }
0x8d: {  	s2 =	sadd.s32 s2, s16  }
0x8e: {  	[smem:$0x3FBA] =	sst s2  }
0x8f: {  	_ = 	snop  }
0x90: {  	(tm) =	ssettm $0x1  }
0x91: {  	s17 =	sld [smem:$0x3FFB];
	_ =	sdelay $0x3  }
0x92: {  	_ =	strace s17  }
0x93: {  	s2 =	sld [smem:$0x3FFC];
	_ =	sdelay $0x3  }
0x94: {  	_ =	strace s2  }
0x95: {  	s2 =	sld [smem:$0x3FFD];
	_ =	sdelay $0x3  }
0x96: {  	_ =	strace s2  }
0x97: {  	_ =	strace $0x8FFFFFFF  }
0x98: {  	s18 =	sld [smem:$0x3FDB];
	_ =	sdelay $0x1  }
0x99: {  	s19 =	simm.s32 $_scs_section_size  }
0x9a: {  	s4 =	simm.s32 $_size__tile_overlayer_lowered;
	s5 =	simm.s32 $_tile_overlayer_lowered  }
0x9b: {  	s22 =	simm.s32 $0x1BFF;
	s21 =	sshll.u32 s5, $0x1;
	s2 =	sadd.s32 s19, s18  }
0x9c: {  	s6 =	simm.s32 $0x0;
	s20 =	sshll.u32 s4, $0x1;
	s4 =	sadd.s32 s21, s2  }
0x9d: {  	[timem:s6], [sflag:s22] =	dma.local [hbm:s4], s20  }
0x9e: {  	_ =	swait.ge [sflag:s22], s20  }
0x9f: {  	s3 =	ssub.s32 $0x0, s20;
	[sflag:s22] =	ssyncset.done $0x0  }
0xa0: {  	[sflag:s22] =	ssyncadd.s32 s3;
	_ =	sdelay $0x1  }
0xa1: {  	s23 =	simm.s32 $0x1B8B  }
0xa2: {  	_ =	swait.ge [sflag:s23], $0x1  }
0xa3: {  	[sflag:s23] =	ssyncset.done $0x0  }
0xa4: {  	s25 =	simm.s32 $0x1B8E;
	s24 =	sld [smem:$0x3FFE];
	[sflag:s23] =	ssyncadd.s32 $0xFFFFFFFF  }
0xa5: {  	s26 =	simm.s32 $execute0_lowered;
	[smem:$0x3FD2] =	sst s25  }
0xa6: {  	s4 =	sshll.u32 s26, $0x1;
	_ =	strace $0x80000049;
	[dreg:$0x1] =	wrdreg $0xFFFFFFFF  }
0xa7: {  	s28 =	simm.s32 $_size_execute0_lowered;
	s2 =	sadd.s32 s2, s4;
	[dreg:$0x0] =	wrdreg $0x0  }
0xa8: {  	s4 =	sshll.u32 s28, $0x1;
	[dreg:$0x2] =	wrdreg s2  }
0xa9: {  	[dreg:$0x3] =	wrdreg s4  }
0xaa: {  	[dreg:$0x4] =	wrdreg $0xC0  }
0xab: {  	_ =	task [dreg:s6], $0x5FFFF  }
0xac: {  	[dreg:$0x1] =	wrdreg $0xFFFFFFFF  }
0xad: {  	[dreg:$0x0] =	wrdreg $0x60  }
0xae: {  	[dreg:$0x2] =	wrdreg s24  }
0xaf: {  	[dreg:$0x3] =	wrdreg $0x13C400  }
0xb0: {  	[dreg:$0x4] =	wrdreg $0x9  }
0xb1: {  	_ =	task.clear_ibuf [dreg:s6], $0x5FFFF;
	_ =	strace $0x90000049  }
0xb2: {  	s29 =	simm.s32 $0x9;
	_ =	strace $0x8000004B  }
0xb3: {  	_ =	swait.ge [sflag:s29], $0x1  }
0xb4: {  	[sflag:s29] =	ssyncadd.s32 $0xFFFFFFFF  }
0xb5: {  	_ =	strace $0x9000004B  }
0xb6: {  	_ =	sfence  }
0xb7: {  	s30 =	sld [smem:$0x0];
	_ =	sdelay $0x2  }
0xb8: {  	s31 =	sshll.u32 s1, $0xD;
	s1 =	sshrl.u32 s1, $0x2  }
0xb9: {  	s3 =	sand.u32 $0x4000, s31;
	s1 =	sadd.s32 s1, s30  }
0xba: {  	s0 =	sor.u32 s3, s0;
	s1 =	sshll.u32 s1, $0x11  }
0xbb: {  	s0 =	sor.u32 s1, s0  }
0xbc: {  	s0 =	sadd.s32 $0x8F2B, s0  }
0xbd: {  	[sflag:s0] =	ssyncadd.remote.s32 $0x1  }
0xbe: {  	_ =	sfence.sel $0xFFFF  }
0xbf: {  	[dreg:$0x0] =	wrdreg $0xFFFFFFFF;
	(pc) =	sbr.abs _section_cstart, $3  }
0xc0: {  	[dreg:$0x1] =	wrdreg $0xFFFFFFFF  }
0xc1: {  	_ =	task.clear_ibuf [dreg:s6], $0x2FFFF;
	_ =	strace $0x9FFFFFFF  }
0xc2: {  	(tm) =	ssettm $0x7FFFFFFF  }
0xc3: {  	_ =	shalt  }
tec
execute0_lowered:
.L_overlay_start_1:
0x0: {  	(tag) =	ssettag $0x1  }
0x1: {  	s0 =	rddreg [dreg:$0x0]  }
0x2: {  	s1 =	rddreg [dreg:$0x1];
	s2 =	simm.s32 $0x0  }
0x3: {  	s3 =	srdreg.scid;
	s22 =	stileid.u32;
	s13 =	simm.s32 $0x50  }
0x4: {  	s14 =	simm.s32 $0x9C40;
	s15 =	simm.s32 $0xB040;
	s28 =	simm.s32 $0x12840  }
0x5: {  	s29 =	simm.s32 $0x1;
	s30 =	simm.s32 $0x2;
	s31 =	simm.s32 $0x3  }
0x6: {  	s10 =	simm.s32 $0x8;
	s21 =	simm.s32 $0xC440;
	s5 =	smul.u32 $0x9C4, s22  }
0x7: {  	[smem:$0x7FF] =	sst s2;
	s3 =	sand.u32 $0x1, s3;
	s8 =	smul.u32 $0x9E00, s22  }
0x8: {  	s9 =	sadd.s32 $0x3DA00, s0;
	s26 =	sshll.u32 s22, $0x6;
	s4 =	smul.u32 $0x13880, s3  }
0x9: {  	_ =	strace $0x8000004A;
	s6 =	smul.u32 $0x13C00, s3;
	s3 =	ssub.s32 $0x2, s3  }
0xa: {  	[dreg:$0x3] =	wrdreg s9;
	s9 =	simm.s32 $0x9;
	s5 =	sadd.s32 s5, s0  }
0xb: {  	s7 =	sshrl.u32 s3, $0x1;
	s24 =	sadd.s32 s8, s1;
	s25 =	sshrl.u32 s8, $0x3  }
0xc: {  	s4 =	sadd.s32 s4, s0;
	s0 =	sadd.s32 s6, s0;
	s23 =	sadd.s32 $0x33C00, s5  }
0xd: {  	s3 =	ssub.s32 s3, s7;
	s5 =	sadd.s32 $0x29E00, s5;
	[dreg:$0x4] =	wrdreg s23  }
0xe: {  	s6 =	sor.u32 $0x1C09, s26;
	s8 =	sshrl.u32 s24, $0x3;
	[dreg:$0x5] =	wrdreg s5  }
0xf: {  	s26 =	simm.s32 $0xEC40;
	s7 =	sadd.s32 $0x2C00, s4;
	[dreg:$0x7] =	wrdreg s6  }
0x10: {  	s0 =	sadd.s32 $0x3EE00, s0;
	s3 =	smax.u32 s3, $0x1;
	[dreg:$0x8] =	wrdreg s8  }
0x11: {  	s4 =	simm.s32 $0x0;
	[dreg:$0x6] =	wrdreg s3;
	s0 =	sadd.s32 s25, s0  }
0x12: {  	s3 =	simm.s32 $0x7;
	[dreg:$0x9] =	wrdreg s0;
	s0 =	simm.s32 $0x5  }
.LBB2_1:
0x13: {  	[dreg:$0xa] =	wrdreg s4  }
0x14: {  	s2 =	simm.s32 $0x0;
	s18 =	rddreg [dreg:$0x4]  }
0x15: {  	[tilespmem:s2], [sflag:$0x9] =	stream.linear.gather [hbm4b:s18+s2], $0x4E20, $0x38;
	[tilespmem:$0x1DA40] =	vst v63  }
0x16: {  	_ =	swait.ge [sflag:s9], $0x4E20  }
0x17: {  	[sflag:s9] =	ssyncset.done $0x0  }
0x18: {  	s5 =	simm.s32 $0x4E20;
	s19 =	rddreg [dreg:$0x5];
	[sflag:s9] =	ssyncadd.s32 $0xFFFFB1E0  }
0x19: {  	[tilespmem:s5], [sflag:$0x9] =	stream.linear.gather [hbm4b:s19+s2], $0x4E20, $0x38;
	[tilespmem:$0x1DA40] =	vst v63  }
0x1a: {  	_ =	swait.ge [sflag:s9], $0x4E20  }
0x1b: {  	[sflag:s9] =	ssyncset.done $0x0  }
0x1c: {  	s20 =	rddreg [dreg:$0x3];
	[sflag:s9] =	ssyncadd.s32 $0xFFFFB1E0  }
0x1d: {  	[spmem:s8], [sflag:s6] =	dma.local [hbm:s20], $0x13C0  }
0x1e: {  	_ =	swait.ge [sflag:s9], $0x13C0  }
0x1f: {  	[sflag:s9] =	ssyncset.done $0x0  }
0x20: {  	[sflag:s9] =	ssyncadd.s32 $0xFFFFEC40  }
0x21: {  	[bflag:$0x0] =	sbarrier.arrive $0xFFFF  }
0x22: {  	[tilespmem:s14], [sflag:$0x1] =	stream.indirect.gather [hbm4b:s7+s13], $0x40, s2, s13, $0xb8;
	[tilespmem:$0x1DA40] =	vst v63  }
0x23: {  	_ = 	snop  }
0x24: {  	[tilespmem:s15], [sflag:$0x2] =	stream.indirect.gather [hbm4b:s7+s13], $0x40, s13, s13, $0xb8;
	[tilespmem:$0x1DA40] =	vst v63  }
0x25: {  	s22 =	simm.s32 $0xA0;
	s5 =	simm.s32 $0xC440  }
0x26: {  	[tilespmem:s5], [sflag:$0x3] =	stream.indirect.gather [hbm4b:s7+s13], $0x40, s22, s13, $0xb8;
	[tilespmem:$0x1DA40] =	vst v63  }
0x27: {  	s23 =	simm.s32 $0xF0;
	s24 =	simm.s32 $0xD840  }
0x28: {  	[tilespmem:s24], [sflag:$0x4] =	stream.indirect.gather [hbm4b:s7+s13], $0x40, s23, s13, $0xb8;
	[tilespmem:$0x1DA40] =	vst v63  }
0x29: {  	s25 =	simm.s32 $0x140;
	s11 =	simm.s32 $0xEC40  }
0x2a: {  	[tilespmem:s11], [sflag:$0x5] =	stream.indirect.gather [hbm4b:s7+s13], $0x40, s25, s13, $0xb8;
	[tilespmem:$0x1DA40] =	vst v63  }
0x2b: {  	s4 =	simm.s32 $0x190;
	s6 =	simm.s32 $0x10040  }
0x2c: {  	[tilespmem:s6], [sflag:$0x6] =	stream.indirect.gather [hbm4b:s7+s13], $0x40, s4, s13, $0xb8;
	[tilespmem:$0x1DA40] =	vst v63  }
0x2d: {  	s12 =	simm.s32 $0x11440;
	s8 =	simm.s32 $0x1E0  }
0x2e: {  	[tilespmem:s12], [sflag:$0x7] =	stream.indirect.gather [hbm4b:s7+s13], $0x40, s8, s13, $0xb8;
	[tilespmem:$0x1DA40] =	vst v63  }
0x2f: {  	s16 =	simm.s32 $0x230  }
0x30: {  	[tilespmem:s28], [sflag:$0x8] =	stream.indirect.gather [hbm4b:s7+s13], $0x40, s16, s13, $0xb8;
	[tilespmem:$0x1DA40] =	vst v63  }
0x31: {  	_ =	swait.ge [sflag:s29], $0x1400  }
0x32: {  	[sflag:s29] =	ssyncset.done $0x0  }
0x33: {  	s17 =	simm.s32 $0x4E20;
	[sflag:s29] =	ssyncadd.s32 $0xFFFFEC00  }
0x34: {  	[spmem:s1] =	stream.indirect.scatter.add.f32 [tilespmem:s14], [sflag:$0x9], $0x40, s17, s13, $0xb8;
	[tilespmem:$0x1DA40] =	vst v63  }
0x35: {  	_ =	swait.ge [sflag:s9], $0x1400  }
0x36: {  	[sflag:s9] =	ssyncset.done $0x0  }
0x37: {  	s18 =	simm.s32 $0x280;
	[sflag:s9] =	ssyncadd.s32 $0xFFFFEC00  }
0x38: {  	[tilespmem:s14], [sflag:$0x1] =	stream.indirect.gather [hbm4b:s7+s13], $0x40, s18, s13, $0xb8;
	[tilespmem:$0x1DA40] =	vst v63  }
0x39: {  	_ =	swait.ge [sflag:s30], $0x1400  }
0x3a: {  	[sflag:s30] =	ssyncset.done $0x0  }
0x3b: {  	s19 =	simm.s32 $0x4E70;
	[sflag:s30] =	ssyncadd.s32 $0xFFFFEC00  }
0x3c: {  	[spmem:s1] =	stream.indirect.scatter.add.f32 [tilespmem:s15], [sflag:$0x9], $0x40, s19, s13, $0xb8;
	[tilespmem:$0x1DA40] =	vst v63  }
0x3d: {  	_ =	swait.ge [sflag:s9], $0x1400  }
0x3e: {  	[sflag:s9] =	ssyncset.done $0x0  }
0x3f: {  	s20 =	simm.s32 $0x2D0;
	[sflag:s9] =	ssyncadd.s32 $0xFFFFEC00  }
0x40: {  	[tilespmem:s15], [sflag:$0x2] =	stream.indirect.gather [hbm4b:s7+s13], $0x40, s20, s13, $0xb8;
	[tilespmem:$0x1DA40] =	vst v63  }
0x41: {  	_ =	swait.ge [sflag:s31], $0x1400  }
0x42: {  	[sflag:s31] =	ssyncset.done $0x0  }
0x43: {  	s22 =	simm.s32 $0x4EC0;
	[sflag:s31] =	ssyncadd.s32 $0xFFFFEC00  }
0x44: {  	[spmem:s1] =	stream.indirect.scatter.add.f32 [tilespmem:s5], [sflag:$0x9], $0x40, s22, s13, $0xb8;
	[tilespmem:$0x1DA40] =	vst v63  }
0x45: {  	_ =	swait.ge [sflag:s9], $0x1400  }
0x46: {  	p0 =	por $0x0, $0x0;
	[sflag:s9] =	ssyncset.done $0x0  }
0x47: {  	s4 =	simm.s32 @p0 $0x4;
	[sflag:s9] =	ssyncadd.s32 $0xFFFFEC00  }
0x48: {  	_ =	swait.ge @p0 [sflag:s4], $0x1400  }
0x49: {  	s6 =	simm.s32 @p0 $0x9;
	s8 =	simm.s32 @p0 $0xD840;
	[sflag:s4] =	ssyncset.done @p0 $0x0  }
0x4a: {  	s5 =	simm.s32 @p0 $0x4F10;
	[sflag:s4] =	ssyncadd.s32 @p0 $0xFFFFEC00;
	s4 =	simm.s32 @p0 $0x50  }
0x4b: {  	[spmem:s1] =	stream.indirect.scatter.add.f32 @p0 [tilespmem:s8], [sflag:$0x9], $0x40, s5, s4, $0xb8;
	[tilespmem:$0x1DA40] =	vst v63  }
0x4c: {  	_ =	swait.ge @p0 [sflag:s6], $0x1400  }
0x4d: {  	s16 =	simm.s32 @!p0 $0x50;
	s18 =	simm.s32 @!p0 $0xC440;
	[sflag:s6] =	ssyncset.done @p0 $0x0  }
0x4e: {  	s5 =	simm.s32 @!p0 $0x320;
	s8 =	simm.s32 @!p0 $0x4;
	[sflag:s6] =	ssyncadd.s32 @p0 $0xFFFFEC00  }
0x4f: {  	[tilespmem:s18], [sflag:$0x3] =	stream.indirect.gather @!p0 [hbm4b:s7+s16], $0x40, s5, s16, $0xb8;
	[tilespmem:$0x1DA40] =	vst v63  }
0x50: {  	_ =	swait.ge @!p0 [sflag:s8], $0x1400  }
0x51: {  	s5 =	simm.s32 @!p0 $0x4F10;
	[sflag:s8] =	ssyncset.done @!p0 $0x0  }
0x52: {  	s18 =	simm.s32 @!p0 $0x9;
	[sflag:s8] =	ssyncadd.s32 @!p0 $0xFFFFEC00;
	s8 =	simm.s32 @!p0 $0xD840  }
0x53: {  	[spmem:s1] =	stream.indirect.scatter.add.f32 @!p0 [tilespmem:s8], [sflag:$0x9], $0x40, s5, s16, $0xb8;
	[tilespmem:$0x1DA40] =	vst v63  }
0x54: {  	_ =	swait.ge @!p0 [sflag:s18], $0x1400  }
0x55: {  	[sflag:s18] =	ssyncset.done @!p0 $0x0  }
0x56: {  	s5 =	simm.s32 @!p0 $0x370;
	[sflag:s18] =	ssyncadd.s32 @!p0 $0xFFFFEC00  }
0x57: {  	[tilespmem:s8], [sflag:$0x4] =	stream.indirect.gather @!p0 [hbm4b:s7+s16], $0x40, s5, s16, $0xb8;
	[tilespmem:$0x1DA40] =	vst v63  }
0x58: {  	_ =	swait.ge [sflag:s0], $0x1400  }
0x59: {  	[sflag:s0] =	ssyncset.done $0x0  }
0x5a: {  	s23 =	simm.s32 $0x4F60;
	[sflag:s0] =	ssyncadd.s32 $0xFFFFEC00  }
0x5b: {  	[spmem:s1] =	stream.indirect.scatter.add.f32 [tilespmem:s11], [sflag:$0x9], $0x40, s23, s13, $0xb8;
	[tilespmem:$0x1DA40] =	vst v63  }
0x5c: {  	_ =	swait.ge [sflag:s9], $0x1400  }
0x5d: {  	[sflag:s9] =	ssyncset.done $0x0  }
0x5e: {  	s5 =	simm.s32 @p0 $0x6;
	[sflag:s9] =	ssyncadd.s32 $0xFFFFEC00  }
0x5f: {  	_ =	swait.ge @p0 [sflag:s5], $0x1400  }
0x60: {  	[sflag:s5] =	ssyncset.done @p0 $0x0  }
0x61: {  	s8 =	simm.s32 @p0 $0x4FB0;
	[sflag:s5] =	ssyncadd.s32 @p0 $0xFFFFEC00;
	s5 =	simm.s32 @p0 $0x10040  }
0x62: {  	[spmem:s1] =	stream.indirect.scatter.add.f32 @p0 [tilespmem:s5], [sflag:$0x9], $0x40, s8, s4, $0xb8;
	[tilespmem:$0x1DA40] =	vst v63  }
0x63: {  	_ =	swait.ge @p0 [sflag:s6], $0x1400  }
0x64: {  	[sflag:s6] =	ssyncset.done @p0 $0x0  }
0x65: {  	s4 =	simm.s32 @!p0 $0x3C0;
	s5 =	simm.s32 @!p0 $0xEC40;
	[sflag:s6] =	ssyncadd.s32 @p0 $0xFFFFEC00  }
0x66: {  	[tilespmem:s5], [sflag:$0x5] =	stream.indirect.gather @!p0 [hbm4b:s7+s16], $0x40, s4, s16, $0xb8;
	[tilespmem:$0x1DA40] =	vst v63  }
0x67: {  	s4 =	simm.s32 @!p0 $0x6  }
0x68: {  	_ =	swait.ge @!p0 [sflag:s4], $0x1400  }
0x69: {  	[sflag:s4] =	ssyncset.done @!p0 $0x0  }
0x6a: {  	s5 =	simm.s32 @!p0 $0x4FB0;
	[sflag:s4] =	ssyncadd.s32 @!p0 $0xFFFFEC00;
	s4 =	simm.s32 @!p0 $0x10040  }
0x6b: {  	[spmem:s1] =	stream.indirect.scatter.add.f32 @!p0 [tilespmem:s4], [sflag:$0x9], $0x40, s5, s16, $0xb8;
	[tilespmem:$0x1DA40] =	vst v63  }
0x6c: {  	_ =	swait.ge @!p0 [sflag:s18], $0x1400  }
0x6d: {  	[sflag:s18] =	ssyncset.done @!p0 $0x0  }
0x6e: {  	s5 =	simm.s32 @!p0 $0x410;
	[sflag:s18] =	ssyncadd.s32 @!p0 $0xFFFFEC00  }
0x6f: {  	[tilespmem:s4], [sflag:$0x6] =	stream.indirect.gather @!p0 [hbm4b:s7+s16], $0x40, s5, s16, $0xb8;
	[tilespmem:$0x1DA40] =	vst v63  }
0x70: {  	_ =	swait.ge [sflag:s3], $0x1400  }
0x71: {  	[sflag:s3] =	ssyncset.done $0x0  }
0x72: {  	s24 =	simm.s32 $0x5000;
	[sflag:s3] =	ssyncadd.s32 $0xFFFFEC00  }
0x73: {  	[spmem:s1] =	stream.indirect.scatter.add.f32 [tilespmem:s12], [sflag:$0x9], $0x40, s24, s13, $0xb8;
	[tilespmem:$0x1DA40] =	vst v63  }
0x74: {  	_ =	swait.ge [sflag:s9], $0x1400  }
0x75: {  	[sflag:s9] =	ssyncset.done $0x0  }
0x76: {  	s4 =	simm.s32 @!p0 $0x460;
	s5 =	simm.s32 @!p0 $0x11440;
	[sflag:s9] =	ssyncadd.s32 $0xFFFFEC00  }
0x77: {  	[tilespmem:s5], [sflag:$0x7] =	stream.indirect.gather @!p0 [hbm4b:s7+s16], $0x40, s4, s16, $0xb8;
	[tilespmem:$0x1DA40] =	vst v63  }
0x78: {  	_ =	swait.ge [sflag:s10], $0x1400  }
0x79: {  	[sflag:s10] =	ssyncset.done $0x0  }
0x7a: {  	s25 =	simm.s32 $0x5050;
	[sflag:s10] =	ssyncadd.s32 $0xFFFFEC00  }
0x7b: {  	[spmem:s1] =	stream.indirect.scatter.add.f32 [tilespmem:s28], [sflag:$0x9], $0x40, s25, s13, $0xb8;
	[tilespmem:$0x1DA40] =	vst v63  }
0x7c: {  	s20 =	simm.s32 $0x280;
	_ =	swait.ge [sflag:s9], $0x1400  }
0x7d: {  	s22 =	simm.s32 $0xA00;
	s23 =	simm.s32 $0x1400;
	[sflag:s9] =	ssyncset.done $0x0  }
.LBB2_2:
0x7e: {  	s4 =	sadd.s32 $0x230, s20  }
0x7f: {  	[sflag:s9] =	ssyncadd.s32 $0xFFFFEC00;
	s25 =	smov.u32 s23;
	s23 =	sadd.s32 $0xA00, s23  }
0x80: {  	[tilespmem:s28], [sflag:$0x8] =	stream.indirect.gather [hbm4b:s7+s13], $0x40, s4, s13, $0xb8;
	[tilespmem:$0x1DA40] =	vst v63  }
0x81: {  	p0 =	sne.s32 s23, $0x13600;
	_ =	swait.ge [sflag:s29], $0x1400  }
0x82: {  	[sflag:s29] =	ssyncset.done $0x0  }
0x83: {  	s4 =	sadd.s32 $0x4E20, s20;
	[sflag:s29] =	ssyncadd.s32 $0xFFFFEC00  }
0x84: {  	[spmem:s1] =	stream.indirect.scatter.add.f32 [tilespmem:s14], [sflag:$0x9], $0x40, s4, s13, $0xb8;
	[tilespmem:$0x1DA40] =	vst v63  }
0x85: {  	_ =	swait.ge [sflag:s9], $0x1400  }
0x86: {  	[sflag:s9] =	ssyncset.done $0x0  }
0x87: {  	s4 =	sadd.s32 $0x280, s20;
	[sflag:s9] =	ssyncadd.s32 $0xFFFFEC00  }
0x88: {  	[tilespmem:s14], [sflag:$0x1] =	stream.indirect.gather [hbm4b:s7+s13], $0x40, s4, s13, $0xb8;
	[tilespmem:$0x1DA40] =	vst v63  }
0x89: {  	_ =	swait.ge [sflag:s30], $0x1400  }
0x8a: {  	[sflag:s30] =	ssyncset.done $0x0  }
0x8b: {  	s4 =	sadd.s32 $0x4E70, s20;
	[sflag:s30] =	ssyncadd.s32 $0xFFFFEC00  }
0x8c: {  	[spmem:s1] =	stream.indirect.scatter.add.f32 [tilespmem:s15], [sflag:$0x9], $0x40, s4, s13, $0xb8;
	[tilespmem:$0x1DA40] =	vst v63  }
0x8d: {  	_ =	swait.ge [sflag:s9], $0x1400  }
0x8e: {  	[sflag:s9] =	ssyncset.done $0x0  }
0x8f: {  	s4 =	sadd.s32 $0x2D0, s20;
	[sflag:s9] =	ssyncadd.s32 $0xFFFFEC00  }
0x90: {  	[tilespmem:s15], [sflag:$0x2] =	stream.indirect.gather [hbm4b:s7+s13], $0x40, s4, s13, $0xb8;
	[tilespmem:$0x1DA40] =	vst v63  }
0x91: {  	_ =	swait.ge [sflag:s31], $0x1400  }
0x92: {  	[sflag:s31] =	ssyncset.done $0x0  }
0x93: {  	s4 =	sadd.s32 $0x4EC0, s20;
	[sflag:s31] =	ssyncadd.s32 $0xFFFFEC00  }
0x94: {  	[spmem:s1] =	stream.indirect.scatter.add.f32 [tilespmem:s21], [sflag:$0x9], $0x40, s4, s13, $0xb8;
	[tilespmem:$0x1DA40] =	vst v63  }
0x95: {  	_ =	swait.ge [sflag:s9], $0x1400  }
0x96: {  	p1 =	seq.s32 s22, $0x12C00;
	[sflag:s9] =	ssyncset.done $0x0  }
0x97: {  	s5 =	simm.s32 @p1 $0x4;
	s8 =	sshra.s32 @p1 s22, $0x2;
	[sflag:s9] =	ssyncadd.s32 $0xFFFFEC00  }
0x98: {  	s18 =	sshra.s32 @!p1 s22, $0x2;
	s16 =	sadd.s32 @p1 $0x4F10, s8;
	_ =	swait.ge @p1 [sflag:s5], $0x1400  }
0x99: {  	s22 =	sadd.s32 @!p1 $0x320, s18;
	s4 =	simm.s32 @p1 $0x9;
	[sflag:s5] =	ssyncset.done @p1 $0x0  }
0x9a: {  	s6 =	simm.s32 @p1 $0x50;
	[sflag:s5] =	ssyncadd.s32 @p1 $0xFFFFEC00;
	s5 =	simm.s32 @p1 $0xD840  }
0x9b: {  	[spmem:s1] =	stream.indirect.scatter.add.f32 @p1 [tilespmem:s5], [sflag:$0x9], $0x40, s16, s6, $0xb8;
	[tilespmem:$0x1DA40] =	vst v63  }
0x9c: {  	s24 =	sadd.s32 @!p1 $0x4F10, s18;
	s2 =	sadd.s32 @!p1 $0x370, s18;
	_ =	swait.ge @p1 [sflag:s4], $0x1400  }
0x9d: {  	s11 =	simm.s32 @!p1 $0x4;
	s12 =	sadd.s32 @p1 $0x4FB0, s8;
	[sflag:s4] =	ssyncset.done @p1 $0x0  }
0x9e: {  	s16 =	simm.s32 @!p1 $0x50;
	s5 =	simm.s32 @!p1 $0xC440;
	[sflag:s4] =	ssyncadd.s32 @p1 $0xFFFFEC00  }
0x9f: {  	[tilespmem:s5], [sflag:$0x3] =	stream.indirect.gather @!p1 [hbm4b:s7+s16], $0x40, s22, s16, $0xb8;
	[tilespmem:$0x1DA40] =	vst v63  }
0xa0: {  	s19 =	sadd.s32 @!p1 $0x3C0, s18;
	s8 =	sadd.s32 @!p1 $0x4FB0, s18;
	_ =	swait.ge @!p1 [sflag:s11], $0x1400  }
0xa1: {  	s5 =	sadd.s32 @!p1 $0x410, s18;
	s18 =	sadd.s32 @!p1 $0x460, s18;
	[sflag:s11] =	ssyncset.done @!p1 $0x0  }
0xa2: {  	s17 =	simm.s32 @!p1 $0x9;
	[sflag:s11] =	ssyncadd.s32 @!p1 $0xFFFFEC00;
	s11 =	simm.s32 @!p1 $0xD840  }
0xa3: {  	[spmem:s1] =	stream.indirect.scatter.add.f32 @!p1 [tilespmem:s11], [sflag:$0x9], $0x40, s24, s16, $0xb8;
	[tilespmem:$0x1DA40] =	vst v63  }
0xa4: {  	s22 =	smov.u32 s25;
	_ =	swait.ge @!p1 [sflag:s17], $0x1400  }
0xa5: {  	[sflag:s17] =	ssyncset.done @!p1 $0x0  }
0xa6: {  	[sflag:s17] =	ssyncadd.s32 @!p1 $0xFFFFEC00  }
0xa7: {  	[tilespmem:s11], [sflag:$0x4] =	stream.indirect.gather @!p1 [hbm4b:s7+s16], $0x40, s2, s16, $0xb8;
	[tilespmem:$0x1DA40] =	vst v63  }
0xa8: {  	_ =	swait.ge [sflag:s0], $0x1400  }
0xa9: {  	[sflag:s0] =	ssyncset.done $0x0  }
0xaa: {  	s2 =	sadd.s32 $0x4F60, s20;
	[sflag:s0] =	ssyncadd.s32 $0xFFFFEC00  }
0xab: {  	[spmem:s1] =	stream.indirect.scatter.add.f32 [tilespmem:s26], [sflag:$0x9], $0x40, s2, s13, $0xb8;
	[tilespmem:$0x1DA40] =	vst v63  }
0xac: {  	_ =	swait.ge [sflag:s9], $0x1400  }
0xad: {  	[sflag:s9] =	ssyncset.done $0x0  }
0xae: {  	s2 =	simm.s32 @p1 $0x6;
	[sflag:s9] =	ssyncadd.s32 $0xFFFFEC00  }
0xaf: {  	_ =	swait.ge @p1 [sflag:s2], $0x1400  }
0xb0: {  	[sflag:s2] =	ssyncset.done @p1 $0x0  }
0xb1: {  	[sflag:s2] =	ssyncadd.s32 @p1 $0xFFFFEC00;
	s2 =	simm.s32 @p1 $0x10040  }
0xb2: {  	[spmem:s1] =	stream.indirect.scatter.add.f32 @p1 [tilespmem:s2], [sflag:$0x9], $0x40, s12, s6, $0xb8;
	[tilespmem:$0x1DA40] =	vst v63  }
0xb3: {  	_ =	swait.ge @p1 [sflag:s4], $0x1400  }
0xb4: {  	[sflag:s4] =	ssyncset.done @p1 $0x0  }
0xb5: {  	s2 =	simm.s32 @!p1 $0xEC40;
	[sflag:s4] =	ssyncadd.s32 @p1 $0xFFFFEC00;
	s4 =	simm.s32 @!p1 $0x6  }
0xb6: {  	[tilespmem:s2], [sflag:$0x5] =	stream.indirect.gather @!p1 [hbm4b:s7+s16], $0x40, s19, s16, $0xb8;
	[tilespmem:$0x1DA40] =	vst v63  }
0xb7: {  	_ =	swait.ge @!p1 [sflag:s4], $0x1400  }
0xb8: {  	[sflag:s4] =	ssyncset.done @!p1 $0x0  }
0xb9: {  	s2 =	simm.s32 @!p1 $0x10040;
	[sflag:s4] =	ssyncadd.s32 @!p1 $0xFFFFEC00  }
0xba: {  	[spmem:s1] =	stream.indirect.scatter.add.f32 @!p1 [tilespmem:s2], [sflag:$0x9], $0x40, s8, s16, $0xb8;
	[tilespmem:$0x1DA40] =	vst v63  }
0xbb: {  	_ =	swait.ge @!p1 [sflag:s17], $0x1400  }
0xbc: {  	[sflag:s17] =	ssyncset.done @!p1 $0x0  }
0xbd: {  	[sflag:s17] =	ssyncadd.s32 @!p1 $0xFFFFEC00  }
0xbe: {  	[tilespmem:s2], [sflag:$0x6] =	stream.indirect.gather @!p1 [hbm4b:s7+s16], $0x40, s5, s16, $0xb8;
	[tilespmem:$0x1DA40] =	vst v63  }
0xbf: {  	_ =	swait.ge [sflag:s3], $0x1400  }
0xc0: {  	[sflag:s3] =	ssyncset.done $0x0  }
0xc1: {  	s4 =	simm.s32 $0x11440;
	s2 =	sadd.s32 $0x5000, s20;
	[sflag:s3] =	ssyncadd.s32 $0xFFFFEC00  }
0xc2: {  	[spmem:s1] =	stream.indirect.scatter.add.f32 [tilespmem:s4], [sflag:$0x9], $0x40, s2, s13, $0xb8;
	[tilespmem:$0x1DA40] =	vst v63  }
0xc3: {  	_ =	swait.ge [sflag:s9], $0x1400  }
0xc4: {  	[sflag:s9] =	ssyncset.done $0x0  }
0xc5: {  	s2 =	simm.s32 @!p1 $0x11440;
	[sflag:s9] =	ssyncadd.s32 $0xFFFFEC00  }
0xc6: {  	[tilespmem:s2], [sflag:$0x7] =	stream.indirect.gather @!p1 [hbm4b:s7+s16], $0x40, s18, s16, $0xb8;
	[tilespmem:$0x1DA40] =	vst v63  }
0xc7: {  	_ =	swait.ge [sflag:s10], $0x1400  }
.Ltmp0:
0xc8: {  	[sflag:s10] =	ssyncset.done $0x0;
	(pc) =	sbr.rel @p0 .LBB2_2-.Ltmp0, $4  }
0xc9: {  	s2 =	sadd.s32 $0x5050, s20;
	[sflag:s10] =	ssyncadd.s32 $0xFFFFEC00  }
0xca: {  	[spmem:s1] =	stream.indirect.scatter.add.f32 [tilespmem:s28], [sflag:$0x9], $0x40, s2, s13, $0xb8;
	[tilespmem:$0x1DA40] =	vst v63  }
0xcb: {  	_ =	swait.ge [sflag:s9], $0x1400  }
0xcc: {  	s20 =	sshra.s32 s22, $0x2;
	[sflag:s9] =	ssyncset.done $0x0  }
0xcd: {  	s2 =	sadd.s32 $0x230, s20;
	[sflag:s9] =	ssyncadd.s32 $0xFFFFEC00  }
0xce: {  	[tilespmem:s28], [sflag:$0x8] =	stream.indirect.gather [hbm4b:s7+s13], $0x40, s2, s13, $0xb8;
	[tilespmem:$0x1DA40] =	vst v63  }
0xcf: {  	_ =	swait.ge [sflag:s29], $0x1400  }
0xd0: {  	[sflag:s29] =	ssyncset.done $0x0  }
0xd1: {  	s25 =	sadd.s32 $0x4E20, s20;
	[sflag:s29] =	ssyncadd.s32 $0xFFFFEC00  }
0xd2: {  	[spmem:s1] =	stream.indirect.scatter.add.f32 [tilespmem:s14], [sflag:$0x9], $0x40, s25, s13, $0xb8;
	[tilespmem:$0x1DA40] =	vst v63  }
0xd3: {  	_ =	swait.ge [sflag:s9], $0x1400  }
0xd4: {  	[sflag:s9] =	ssyncset.done $0x0  }
0xd5: {  	s4 =	sadd.s32 $0x280, s20;
	[sflag:s9] =	ssyncadd.s32 $0xFFFFEC00  }
0xd6: {  	[tilespmem:s14], [sflag:$0x1] =	stream.indirect.gather [hbm4b:s7+s13], $0x40, s4, s13, $0xb8;
	[tilespmem:$0x1DA40] =	vst v63  }
0xd7: {  	_ =	swait.ge [sflag:s30], $0x1400  }
0xd8: {  	[sflag:s30] =	ssyncset.done $0x0  }
0xd9: {  	s5 =	sadd.s32 $0x4E70, s20;
	[sflag:s30] =	ssyncadd.s32 $0xFFFFEC00  }
0xda: {  	[spmem:s1] =	stream.indirect.scatter.add.f32 [tilespmem:s15], [sflag:$0x9], $0x40, s5, s13, $0xb8;
	[tilespmem:$0x1DA40] =	vst v63  }
0xdb: {  	_ =	swait.ge [sflag:s9], $0x1400  }
0xdc: {  	[sflag:s9] =	ssyncset.done $0x0  }
0xdd: {  	s6 =	sadd.s32 $0x2D0, s20;
	[sflag:s9] =	ssyncadd.s32 $0xFFFFEC00  }
0xde: {  	[tilespmem:s15], [sflag:$0x2] =	stream.indirect.gather [hbm4b:s7+s13], $0x40, s6, s13, $0xb8;
	[tilespmem:$0x1DA40] =	vst v63  }
0xdf: {  	_ =	swait.ge [sflag:s31], $0x1400  }
0xe0: {  	[sflag:s31] =	ssyncset.done $0x0  }
0xe1: {  	s8 =	sadd.s32 $0x4EC0, s20;
	[sflag:s31] =	ssyncadd.s32 $0xFFFFEC00  }
0xe2: {  	[spmem:s1] =	stream.indirect.scatter.add.f32 [tilespmem:s21], [sflag:$0x9], $0x40, s8, s13, $0xb8;
	[tilespmem:$0x1DA40] =	vst v63  }
0xe3: {  	_ =	swait.ge [sflag:s9], $0x1400  }
0xe4: {  	p0 =	seq.s32 s22, $0x12C00;
	[sflag:s9] =	ssyncset.done $0x0  }
0xe5: {  	s2 =	simm.s32 @p0 $0x4;
	[sflag:s9] =	ssyncadd.s32 $0xFFFFEC00  }
0xe6: {  	s4 =	sshra.s32 @p0 s22, $0x2;
	_ =	swait.ge @p0 [sflag:s2], $0x1400  }
0xe7: {  	s5 =	sadd.s32 @p0 $0x4F10, s4;
	s6 =	simm.s32 @p0 $0x9;
	[sflag:s2] =	ssyncset.done @p0 $0x0  }
0xe8: {  	s8 =	simm.s32 @p0 $0xD840;
	[sflag:s2] =	ssyncadd.s32 @p0 $0xFFFFEC00;
	s2 =	simm.s32 @p0 $0x50  }
0xe9: {  	[spmem:s1] =	stream.indirect.scatter.add.f32 @p0 [tilespmem:s8], [sflag:$0x9], $0x40, s5, s2, $0xb8;
	[tilespmem:$0x1DA40] =	vst v63  }
0xea: {  	s11 =	simm.s32 @!p0 $0x4;
	_ =	swait.ge @p0 [sflag:s6], $0x1400  }
0xeb: {  	s12 =	simm.s32 @!p0 $0x50;
	s5 =	sshra.s32 @!p0 s22, $0x2;
	[sflag:s6] =	ssyncset.done @p0 $0x0  }
0xec: {  	s16 =	simm.s32 @!p0 $0xC440;
	s8 =	sadd.s32 @!p0 $0x320, s5;
	[sflag:s6] =	ssyncadd.s32 @p0 $0xFFFFEC00  }
0xed: {  	[tilespmem:s16], [sflag:$0x3] =	stream.indirect.gather @!p0 [hbm4b:s7+s12], $0x40, s8, s12, $0xb8;
	[tilespmem:$0x1DA40] =	vst v63  }
0xee: {  	_ =	swait.ge @!p0 [sflag:s11], $0x1400  }
0xef: {  	s8 =	sadd.s32 @!p0 $0x4F10, s5;
	[sflag:s11] =	ssyncset.done @!p0 $0x0  }
0xf0: {  	s16 =	simm.s32 @!p0 $0x9;
	[sflag:s11] =	ssyncadd.s32 @!p0 $0xFFFFEC00;
	s11 =	simm.s32 @!p0 $0xD840  }
0xf1: {  	[spmem:s1] =	stream.indirect.scatter.add.f32 @!p0 [tilespmem:s11], [sflag:$0x9], $0x40, s8, s12, $0xb8;
	[tilespmem:$0x1DA40] =	vst v63  }
0xf2: {  	_ =	swait.ge @!p0 [sflag:s16], $0x1400  }
0xf3: {  	[sflag:s16] =	ssyncset.done @!p0 $0x0  }
0xf4: {  	s8 =	sadd.s32 @!p0 $0x370, s5;
	[sflag:s16] =	ssyncadd.s32 @!p0 $0xFFFFEC00  }
0xf5: {  	[tilespmem:s11], [sflag:$0x4] =	stream.indirect.gather @!p0 [hbm4b:s7+s12], $0x40, s8, s12, $0xb8;
	[tilespmem:$0x1DA40] =	vst v63  }
0xf6: {  	_ =	swait.ge [sflag:s0], $0x1400  }
0xf7: {  	[sflag:s0] =	ssyncset.done $0x0  }
0xf8: {  	s11 =	sadd.s32 $0x4F60, s20;
	[sflag:s0] =	ssyncadd.s32 $0xFFFFEC00  }
0xf9: {  	[spmem:s1] =	stream.indirect.scatter.add.f32 [tilespmem:s26], [sflag:$0x9], $0x40, s11, s13, $0xb8;
	[tilespmem:$0x1DA40] =	vst v63  }
0xfa: {  	_ =	swait.ge [sflag:s9], $0x1400  }
0xfb: {  	[sflag:s9] =	ssyncset.done $0x0  }
0xfc: {  	s8 =	simm.s32 @p0 $0x6;
	[sflag:s9] =	ssyncadd.s32 $0xFFFFEC00  }
0xfd: {  	_ =	swait.ge @p0 [sflag:s8], $0x1400  }
0xfe: {  	[sflag:s8] =	ssyncset.done @p0 $0x0  }
0xff: {  	s4 =	sadd.s32 @p0 $0x4FB0, s4;
	[sflag:s8] =	ssyncadd.s32 @p0 $0xFFFFEC00;
	s8 =	simm.s32 @p0 $0x10040  }
0x100: {  	[spmem:s1] =	stream.indirect.scatter.add.f32 @p0 [tilespmem:s8], [sflag:$0x9], $0x40, s4, s2, $0xb8;
	[tilespmem:$0x1DA40] =	vst v63  }
0x101: {  	_ =	swait.ge @p0 [sflag:s6], $0x1400  }
0x102: {  	[sflag:s6] =	ssyncset.done @p0 $0x0  }
0x103: {  	s2 =	sadd.s32 @!p0 $0x3C0, s5;
	s4 =	simm.s32 @!p0 $0xEC40;
	[sflag:s6] =	ssyncadd.s32 @p0 $0xFFFFEC00  }
0x104: {  	[tilespmem:s4], [sflag:$0x5] =	stream.indirect.gather @!p0 [hbm4b:s7+s12], $0x40, s2, s12, $0xb8;
	[tilespmem:$0x1DA40] =	vst v63  }
0x105: {  	s2 =	simm.s32 @!p0 $0x6  }
0x106: {  	_ =	swait.ge @!p0 [sflag:s2], $0x1400  }
0x107: {  	[sflag:s2] =	ssyncset.done @!p0 $0x0  }
0x108: {  	s4 =	sadd.s32 @!p0 $0x4FB0, s5;
	[sflag:s2] =	ssyncadd.s32 @!p0 $0xFFFFEC00;
	s2 =	simm.s32 @!p0 $0x10040  }
0x109: {  	[spmem:s1] =	stream.indirect.scatter.add.f32 @!p0 [tilespmem:s2], [sflag:$0x9], $0x40, s4, s12, $0xb8;
	[tilespmem:$0x1DA40] =	vst v63  }
0x10a: {  	_ =	swait.ge @!p0 [sflag:s16], $0x1400  }
0x10b: {  	[sflag:s16] =	ssyncset.done @!p0 $0x0  }
0x10c: {  	s4 =	sadd.s32 @!p0 $0x410, s5;
	[sflag:s16] =	ssyncadd.s32 @!p0 $0xFFFFEC00  }
0x10d: {  	[tilespmem:s2], [sflag:$0x6] =	stream.indirect.gather @!p0 [hbm4b:s7+s12], $0x40, s4, s12, $0xb8;
	[tilespmem:$0x1DA40] =	vst v63  }
0x10e: {  	_ =	swait.ge [sflag:s3], $0x1400  }
0x10f: {  	[sflag:s3] =	ssyncset.done $0x0  }
0x110: {  	s17 =	sadd.s32 $0x5000, s20;
	s18 =	simm.s32 $0x11440;
	[sflag:s3] =	ssyncadd.s32 $0xFFFFEC00  }
0x111: {  	[spmem:s1] =	stream.indirect.scatter.add.f32 [tilespmem:s18], [sflag:$0x9], $0x40, s17, s13, $0xb8;
	[tilespmem:$0x1DA40] =	vst v63  }
0x112: {  	_ =	swait.ge [sflag:s9], $0x1400  }
0x113: {  	[sflag:s9] =	ssyncset.done $0x0  }
0x114: {  	s2 =	sadd.s32 @!p0 $0x460, s5;
	s4 =	simm.s32 @!p0 $0x11440;
	[sflag:s9] =	ssyncadd.s32 $0xFFFFEC00  }
0x115: {  	[tilespmem:s4], [sflag:$0x7] =	stream.indirect.gather @!p0 [hbm4b:s7+s12], $0x40, s2, s12, $0xb8;
	[tilespmem:$0x1DA40] =	vst v63  }
0x116: {  	_ =	swait.ge [sflag:s10], $0x1400  }
0x117: {  	[sflag:s10] =	ssyncset.done $0x0  }
0x118: {  	s19 =	sadd.s32 $0x5050, s20;
	[sflag:s10] =	ssyncadd.s32 $0xFFFFEC00  }
0x119: {  	[spmem:s1] =	stream.indirect.scatter.add.f32 [tilespmem:s28], [sflag:$0x9], $0x40, s19, s13, $0xb8;
	[tilespmem:$0x1DA40] =	vst v63  }
0x11a: {  	_ =	swait.ge [sflag:s9], $0x1400  }
0x11b: {  	[sflag:s9] =	ssyncset.done $0x0  }
0x11c: {  	[sflag:s9] =	ssyncadd.s32 $0xFFFFEC00  }
0x11d: {  	_ =	swait.ge [sflag:s29], $0x1400  }
0x11e: {  	[sflag:s29] =	ssyncset.done $0x0  }
0x11f: {  	s20 =	simm.s32 $0x9BA0;
	[sflag:s29] =	ssyncadd.s32 $0xFFFFEC00  }
0x120: {  	[spmem:s1] =	stream.indirect.scatter.add.f32 [tilespmem:s14], [sflag:$0x9], $0x40, s20, s13, $0xb8;
	[tilespmem:$0x1DA40] =	vst v63  }
0x121: {  	_ =	swait.ge [sflag:s9], $0x1400  }
0x122: {  	[sflag:s9] =	ssyncset.done $0x0  }
0x123: {  	[sflag:s9] =	ssyncadd.s32 $0xFFFFEC00  }
0x124: {  	_ =	swait.ge [sflag:s30], $0x1400  }
0x125: {  	[sflag:s30] =	ssyncset.done $0x0  }
0x126: {  	s22 =	simm.s32 $0x9BF0;
	[sflag:s30] =	ssyncadd.s32 $0xFFFFEC00  }
0x127: {  	[spmem:s1] =	stream.indirect.scatter.add.f32 [tilespmem:s15], [sflag:$0x9], $0x40, s22, s13, $0xb8;
	[tilespmem:$0x1DA40] =	vst v63  }
0x128: {  	_ =	swait.ge [sflag:s9], $0x1400  }
0x129: {  	[sflag:s9] =	ssyncset.done $0x0  }
0x12a: {  	[sflag:s9] =	ssyncadd.s32 $0xFFFFEC00  }
0x12b: {  	[bflag:$0x0] =	sbarrier.arrive $0xFFFF  }
0x12c: {  	s6 =	rddreg [dreg:$0x7]  }
0x12d: {  	s8 =	rddreg [dreg:$0x8]  }
0x12e: {  	s23 =	rddreg [dreg:$0x9]  }
0x12f: {  	[hbm:s23], [sflag:s6] =	dma.local [spmem:s8], $0x13C0  }
0x130: {  	_ =	swait.ge [sflag:s9], $0x13C0  }
0x131: {  	s24 =	rddreg [dreg:$0xa]  }
0x132: {  	s25 =	rddreg [dreg:$0x6];
	s4 =	sadd.s32 $0x1, s24  }
0x133: {  	p0 =	sne.s32 s4, s25  }
.Ltmp1:
0x134: {  	_ = 	snop;
	(pc) =	sbr.rel @p0 .LBB2_1-.Ltmp1, $3  }
0x135: {  	_ =	sdelay $0x1  }
0x136: {  	[sflag:s9] =	ssyncset.done $0x0  }
0x137: {  	[sflag:s9] =	ssyncadd.s32 $0xFFFFEC40  }
0x138: {  	_ =	sfence.sel $0x180000  }
0x139: {  	[bflag:$0x0] =	sbarrier.arrive $0xFFFF  }
0x13a: {  	_ =	strace $0x9000004A  }
0x13b: {  	s0 =	stileid.u32;
	[bflag:$0x2] =	sbarrier.arrive $0xFFFF  }
0x13c: {  	p0 =	sne.s32 s0, $0x0;
	s0 =	rddreg [dreg:$0x2]  }
0x13d: {  	s0 =	sadd.s32 @!p0 $0x100000, s0  }
0x13e: {  	[sflag:s0] =	ssyncadd.tile.s32 @!p0 $0x1;
	_ =	shalt  }
.Lfunc_end2:
_tile_overlayer_lowered:
.L_overlay_start_2:
0x13f: {  	(tag) =	ssettag $0x2  }
0x140: {  	s0 =	rddreg [dreg:$0x0];
	s2 =	stileid.u32  }
0x141: {  	s1 =	rddreg [dreg:$0x1];
	p0 =	sne.s32 s2, $0x0  }
0x142: {  	s3 =	rddreg [dreg:$0x2];
	[bflag:$0x3] =	sbarrier.arrive $0xFFFF;
	s2 =	simm.s32 @!p0 $0x1C09  }
0x143: {  	[timem:s3], [sflag:s2] =	dma.local @!p0 [hbm:s0], s1  }
0x144: {  	s0 =	simm.s32 @!p0 $0x9  }
0x145: {  	_ =	swait.ge @!p0 [sflag:s0], s1  }
0x146: {  	s1 =	ssub.s32 @!p0 $0x0, s1;
	[sflag:s0] =	ssyncset.done @!p0 $0x0  }
0x147: {  	[sflag:s0] =	ssyncadd.s32 @!p0 s1  }
0x148: {  	[bflag:$0x3] =	sbarrier.arrive $0xFFFF  }
0x149: {  	_ =	shalt  }

</sc_bundles>
